<compile_context>
chip_gen: v7x
topology: tpu7x:2x2x1
jax: 0.10.2.dev20260603
libtpu: 0.0.44.dev20260713+nightly
codegen_flags: <defaults>
</compile_context>

<pallas_src>
import functools

import jax
import jax.numpy as jnp
from jax import lax
from jax.experimental import pallas as pl
from jax.experimental.pallas import tpu as pltpu
from jax.experimental.pallas import tpu_sc as plsc

D_MODEL = 128
LANES = 16
NUM_WORKERS = 32
CHUNK = 64
NBUF = 4


@functools.partial(jax.jit, static_argnames=("n_rows",))
def _sc_gather_add(x2, y2, pe, n_rows):
    n_per_w = n_rows // NUM_WORKERS
    n_chunks = n_per_w // CHUNK
    pd = NBUF - 1

    mesh = plsc.VectorSubcoreMesh(core_axis_name="c", subcore_axis_name="s")

    @functools.partial(
        pl.kernel,
        out_type=jax.ShapeDtypeStruct((n_rows, D_MODEL), jnp.float32),
        mesh=mesh,
        scratch_types=(
            [pltpu.VMEM((n_chunks, CHUNK), jnp.int32)]
            + [pltpu.VMEM((CHUNK, D_MODEL), jnp.float32)] * (2 * NBUF)
            + [pltpu.VMEM_SHARED((16, NBUF, CHUNK, D_MODEL), jnp.float32)]
            + [pltpu.SemaphoreType.DMA] * (2 * NBUF)
        ),
    )
    def run(x_hbm, y_hbm, pe_hbm, out_hbm, idx_v, *rest):
        xbufs = rest[0:NBUF]
        pbufs = rest[NBUF:2 * NBUF]
        shared = rest[2 * NBUF]
        in_sems = rest[2 * NBUF + 1:3 * NBUF + 1]
        out_sems = rest[3 * NBUF + 1:4 * NBUF + 1]

        sid = lax.axis_index("s")
        wid = sid * 2 + lax.axis_index("c")
        row0 = wid * n_per_w

        pltpu.sync_copy(y_hbm.at[wid], idx_v)

        def start_in(j, b):
            pltpu.make_async_copy(
                x_hbm.at[pl.ds(row0 + j * CHUNK, CHUNK)], xbufs[b], in_sems[b]
            ).start()
            pltpu.make_async_copy(
                pe_hbm.at[idx_v.at[j]], pbufs[b], in_sems[b]
            ).start()

        def wait_in(b):
            pltpu.make_async_copy(
                x_hbm.at[pl.ds(0, CHUNK)], xbufs[b], in_sems[b]
            ).wait()
            pltpu.make_async_copy(
                x_hbm.at[pl.ds(0, CHUNK)], pbufs[b], in_sems[b]
            ).wait()

        def start_out(j, b):
            pltpu.make_async_copy(
                shared.at[sid, b], out_hbm.at[pl.ds(row0 + j * CHUNK, CHUNK)],
                out_sems[b]
            ).start()

        def wait_out(b):
            pltpu.make_async_copy(
                shared.at[sid, b], out_hbm.at[pl.ds(0, CHUNK)], out_sems[b]
            ).wait()

        def compute(b):
            xr, pr = xbufs[b], pbufs[b]

            @plsc.parallel_loop(0, CHUNK, unroll=4)
            def row_body(r):
                for c in range(D_MODEL // LANES):
                    sl = pl.ds(c * LANES, LANES)
                    xr[r, sl] = xr[r, sl] + pr[r, sl]

        def step(j, b, wait_prev):
            bp = (b + pd) % NBUF
            wait_in(b)
            compute(b)
            if wait_prev is True:
                wait_out(b)
            elif wait_prev is not False:
                @pl.when(wait_prev)
                def _():
                    wait_out(b)
            pltpu.sync_copy(xbufs[b], shared.at[sid, b])
            start_out(j, b)
            start_in(j + pd, bp)

        for j in range(pd):
            start_in(j, j)

        n_main = (n_chunks - pd) // NBUF * NBUF

        def outer(g, carry):
            for i in range(NBUF):
                j = g * NBUF + i
                step(j, i, wait_prev=(g >= 1))
            return carry

        lax.fori_loop(0, n_main // NBUF, outer, 0)

        for j in range(n_main, n_chunks):
            b = j % NBUF
            bp = (b + pd) % NBUF
            wait_in(b)
            compute(b)
            wait_out(b)
            pltpu.sync_copy(xbufs[b], shared.at[sid, b])
            start_out(j, b)
            if j + pd < n_chunks:
                start_in(j + pd, bp)

        for j in range(max(0, n_chunks - NBUF), n_chunks):
            wait_out(j % NBUF)

    return run(x2, y2, pe)


def kernel(x, y, pe):
    seq, batch, d = x.shape
    n_rows = seq * batch
    x2 = x.reshape(n_rows, d)
    y2 = y.reshape(-1).astype(jnp.int32).reshape(
        NUM_WORKERS, n_rows // (NUM_WORKERS * CHUNK), CHUNK)
    out = _sc_gather_add(x2, y2, pe, n_rows)
    return out.reshape(x.shape)

# --- scband reference (transcript-rebuilt; emitter-appended) ---
"""Pipeline reference for scband-class-encoding-54400055771674 (READ-ONLY COPY).

The authoritative reference and input builder live on the scoring server;
editing this copy changes nothing except your own understanding.
"""

import jax, jax.numpy as jnp
import numpy as np
import math

D_MODEL = 128
N_CLASSES = 100000
SEQ = 50
BATCH = 4096

def _build_pe():
    position = np.arange(N_CLASSES, dtype=np.float32)[:, None]
    div_term = np.exp(np.arange(0, D_MODEL, 2, dtype=np.float32) * (-math.log(10000.0) / D_MODEL))
    pe = np.zeros((N_CLASSES, D_MODEL), dtype=np.float32)
    pe[:, 0::2] = np.sin(position * div_term)
    pe[:, 1::2] = np.cos(position * div_term)
    return jnp.asarray(pe)

def setup_inputs(seed: int = 0) -> dict:
    key = jax.random.key(seed)
    kx, ky = jax.random.split(key)
    x = jax.random.normal(kx, (SEQ, BATCH, D_MODEL), dtype=jnp.float32)
    y = jax.random.randint(ky, (SEQ, BATCH), 0, N_CLASSES, dtype=jnp.int64 if jax.config.jax_enable_x64 else jnp.int32)
    pe = _build_pe()
    return {"x": x, "y": y, "pe": pe}

def reference(x, y, pe):
    shape_x = x.shape
    x2 = x.reshape(-1, x.shape[-1])
    y_flat = y.reshape(-1)
    # embedding-style gather from the class-encoding table
    x2 = x2 + jnp.take(pe, y_flat, axis=0)
    out = x2.reshape(shape_x)
    # dropout p=0.0 (eval) -> identity
    return out

if __name__ == "__main__":
    import jax
    _d = setup_inputs()
    print(jax.jit(kernel)(*tuple(_d.values())))

</pallas_src>

<mosaic_0001>
#map = affine_map<(d0, d1) -> (0, 0)>
#map1 = affine_map<(d0, d1) -> (0, 0, 0)>
module attributes {stable_mosaic.version = 14 : i64} {
  func.func @run(%arg0: i32, %arg1: i32, %arg2: memref<204800x128xf32, #tpu.memory_space<hbm>>, %arg3: memref<32x100x64xi32, #tpu.memory_space<hbm>>, %arg4: memref<100000x128xf32, #tpu.memory_space<hbm>>, %arg5: memref<204800x128xf32, #tpu.memory_space<hbm>>, %arg6: memref<100x64xi32, #tpu.memory_space<vmem>>, %arg7: memref<64x128xf32, #tpu.memory_space<vmem>>, %arg8: memref<64x128xf32, #tpu.memory_space<vmem>>, %arg9: memref<64x128xf32, #tpu.memory_space<vmem>>, %arg10: memref<64x128xf32, #tpu.memory_space<vmem>>, %arg11: memref<64x128xf32, #tpu.memory_space<vmem>>, %arg12: memref<64x128xf32, #tpu.memory_space<vmem>>, %arg13: memref<64x128xf32, #tpu.memory_space<vmem>>, %arg14: memref<64x128xf32, #tpu.memory_space<vmem>>, %arg15: memref<16x4x64x128xf32, #tpu.memory_space<vmem_shared>>, %arg16: memref<!tpu.dma_semaphore, #tpu.memory_space<semaphore_mem>>, %arg17: memref<!tpu.dma_semaphore, #tpu.memory_space<semaphore_mem>>, %arg18: memref<!tpu.dma_semaphore, #tpu.memory_space<semaphore_mem>>, %arg19: memref<!tpu.dma_semaphore, #tpu.memory_space<semaphore_mem>>, %arg20: memref<!tpu.dma_semaphore, #tpu.memory_space<semaphore_mem>>, %arg21: memref<!tpu.dma_semaphore, #tpu.memory_space<semaphore_mem>>, %arg22: memref<!tpu.dma_semaphore, #tpu.memory_space<semaphore_mem>>, %arg23: memref<!tpu.dma_semaphore, #tpu.memory_space<semaphore_mem>>) attributes {dimension_semantics = [#tpu.dimension_semantics<core_parallel>, #tpu.dimension_semantics<subcore_parallel>], iteration_bounds = array<i64: 2, 16>, scalar_prefetch = 0 : i64, scratch_operands = 18 : i64, tpu.core_type = #tpu.core_type<sc_vector_subcore>, window_params = [{transform_indices = #map}, {transform_indices = #map1}, {transform_indices = #map}, {transform_indices = #map}]} {
    %mul3A = arith.constant 2 : i32
    %mul3A_0 = arith.muli %arg1, %mul3A : i32
    %add3A = arith.addi %mul3A_0, %arg0 : i32
    %mul3A_1 = arith.constant 6400 : i32
    %mul3A_2 = arith.muli %add3A, %mul3A_1 : i32
    "tpu.region"() ({
      %run_scoped3A_220 = tpu.sem_alloc : memref<!tpu.dma_semaphore, #tpu.memory_space<semaphore_mem>>
      %dma_start3A_221 = arith.constant 0 : i32
      %dma_start3A_222 = arith.constant 0 : i32
      %dma_start3A_223 = tpu.memref_slice %arg3[%add3A, %dma_start3A_221, %dma_start3A_222] : memref<32x100x64xi32, #tpu.memory_space<hbm>> -> memref<1x100x64xi32, #tpu.memory_space<hbm>>
      %dma_start3A_224 = tpu.memref_squeeze %dma_start3A_223 : memref<1x100x64xi32, #tpu.memory_space<hbm>> -> memref<100x64xi32, #tpu.memory_space<hbm>>
      %dma_start3A_225 = arith.constant 0 : i32
      %dma_start3A_226 = arith.constant 0 : i32
      %dma_start3A_227 = tpu.memref_slice %arg3[%add3A, %dma_start3A_225, %dma_start3A_226] : memref<32x100x64xi32, #tpu.memory_space<hbm>> -> memref<1x100x64xi32, #tpu.memory_space<hbm>>
      %dma_start3A_228 = tpu.memref_squeeze %dma_start3A_227 : memref<1x100x64xi32, #tpu.memory_space<hbm>> -> memref<100x64xi32, #tpu.memory_space<hbm>>
      tpu.enqueue_dma source(%dma_start3A_228 : memref<100x64xi32, #tpu.memory_space<hbm>>) target(%arg6 : memref<100x64xi32, #tpu.memory_space<vmem>>) target_semaphore(%run_scoped3A_220 : memref<!tpu.dma_semaphore, #tpu.memory_space<semaphore_mem>>)
      %dma_wait3A_229 = arith.constant 0 : i32
      %dma_wait3A_230 = arith.constant 0 : i32
      %dma_wait3A_231 = tpu.memref_slice %arg3[%add3A, %dma_wait3A_229, %dma_wait3A_230] : memref<32x100x64xi32, #tpu.memory_space<hbm>> -> memref<1x100x64xi32, #tpu.memory_space<hbm>>
      %dma_wait3A_232 = tpu.memref_squeeze %dma_wait3A_231 : memref<1x100x64xi32, #tpu.memory_space<hbm>> -> memref<100x64xi32, #tpu.memory_space<hbm>>
      %dma_wait3A_233 = arith.constant 0 : i32
      %dma_wait3A_234 = arith.constant 0 : i32
      %dma_wait3A_235 = tpu.memref_slice %arg3[%add3A, %dma_wait3A_233, %dma_wait3A_234] : memref<32x100x64xi32, #tpu.memory_space<hbm>> -> memref<1x100x64xi32, #tpu.memory_space<hbm>>
      %dma_wait3A_236 = tpu.memref_squeeze %dma_wait3A_235 : memref<1x100x64xi32, #tpu.memory_space<hbm>> -> memref<100x64xi32, #tpu.memory_space<hbm>>
      tpu.wait_dma2 semaphore(%run_scoped3A_220 : memref<!tpu.dma_semaphore, #tpu.memory_space<semaphore_mem>>) src(%dma_wait3A_236 : memref<100x64xi32, #tpu.memory_space<hbm>>) dst(%arg6 : memref<100x64xi32, #tpu.memory_space<vmem>>)
      tpu.yield
    }) : () -> ()
    %add3A_3 = arith.constant 0 : i32
    %add3A_4 = arith.addi %mul3A_2, %add3A_3 : i32
    %dma_start3A = arith.constant 0 : i32
    %dma_start3A_5 = tpu.memref_slice %arg2[%add3A_4, %dma_start3A] : memref<204800x128xf32, #tpu.memory_space<hbm>> -> memref<64x128xf32, #tpu.memory_space<hbm>>
    %dma_start3A_6 = arith.constant 0 : i32
    %dma_start3A_7 = tpu.memref_slice %arg2[%add3A_4, %dma_start3A_6] : memref<204800x128xf32, #tpu.memory_space<hbm>> -> memref<64x128xf32, #tpu.memory_space<hbm>>
    tpu.enqueue_dma source(%dma_start3A_7 : memref<64x128xf32, #tpu.memory_space<hbm>>) target(%arg7 : memref<64x128xf32, #tpu.memory_space<vmem>>) target_semaphore(%arg16 : memref<!tpu.dma_semaphore, #tpu.memory_space<semaphore_mem>>)
    %dma_start3A_8 = arith.constant 0 : i32
    %dma_start3A_9 = arith.constant 0 : i32
    %dma_start3A_10 = tpu.memref_slice %arg6[%dma_start3A_8, %dma_start3A_9] : memref<100x64xi32, #tpu.memory_space<vmem>> -> memref<1x64xi32, #tpu.memory_space<vmem>>
    %dma_start3A_11 = tpu.memref_squeeze %dma_start3A_10 : memref<1x64xi32, #tpu.memory_space<vmem>> -> memref<64xi32, #tpu.memory_space<vmem>>
    %dma_start3A_12 = arith.constant 0 : i32
    %dma_start3A_13 = arith.constant 0 : i32
    %dma_start3A_14 = tpu.memref_slice %arg4[%dma_start3A_12, %dma_start3A_13] : memref<100000x128xf32, #tpu.memory_space<hbm>> -> memref<100000x128xf32, #tpu.memory_space<hbm>>
    tpu.enqueue_indirect_dma source(%dma_start3A_14 : memref<100000x128xf32, #tpu.memory_space<hbm>>) target(%arg11 : memref<64x128xf32, #tpu.memory_space<vmem>>) offsets(%dma_start3A_11 : memref<64xi32, #tpu.memory_space<vmem>>) semaphore(%arg16 : memref<!tpu.dma_semaphore, #tpu.memory_space<semaphore_mem>>)
    %add3A_15 = arith.constant 64 : i32
    %add3A_16 = arith.addi %mul3A_2, %add3A_15 : i32
    %dma_start3A_17 = arith.constant 0 : i32
    %dma_start3A_18 = tpu.memref_slice %arg2[%add3A_16, %dma_start3A_17] : memref<204800x128xf32, #tpu.memory_space<hbm>> -> memref<64x128xf32, #tpu.memory_space<hbm>>
    %dma_start3A_19 = arith.constant 0 : i32
    %dma_start3A_20 = tpu.memref_slice %arg2[%add3A_16, %dma_start3A_19] : memref<204800x128xf32, #tpu.memory_space<hbm>> -> memref<64x128xf32, #tpu.memory_space<hbm>>
    tpu.enqueue_dma source(%dma_start3A_20 : memref<64x128xf32, #tpu.memory_space<hbm>>) target(%arg8 : memref<64x128xf32, #tpu.memory_space<vmem>>) target_semaphore(%arg17 : memref<!tpu.dma_semaphore, #tpu.memory_space<semaphore_mem>>)
    %dma_start3A_21 = arith.constant 1 : i32
    %dma_start3A_22 = arith.constant 0 : i32
    %dma_start3A_23 = tpu.memref_slice %arg6[%dma_start3A_21, %dma_start3A_22] : memref<100x64xi32, #tpu.memory_space<vmem>> -> memref<1x64xi32, #tpu.memory_space<vmem>>
    %dma_start3A_24 = tpu.memref_squeeze %dma_start3A_23 : memref<1x64xi32, #tpu.memory_space<vmem>> -> memref<64xi32, #tpu.memory_space<vmem>>
    %dma_start3A_25 = arith.constant 0 : i32
    %dma_start3A_26 = arith.constant 0 : i32
    %dma_start3A_27 = tpu.memref_slice %arg4[%dma_start3A_25, %dma_start3A_26] : memref<100000x128xf32, #tpu.memory_space<hbm>> -> memref<100000x128xf32, #tpu.memory_space<hbm>>
    tpu.enqueue_indirect_dma source(%dma_start3A_27 : memref<100000x128xf32, #tpu.memory_space<hbm>>) target(%arg12 : memref<64x128xf32, #tpu.memory_space<vmem>>) offsets(%dma_start3A_24 : memref<64xi32, #tpu.memory_space<vmem>>) semaphore(%arg17 : memref<!tpu.dma_semaphore, #tpu.memory_space<semaphore_mem>>)
    %add3A_28 = arith.constant 128 : i32
    %add3A_29 = arith.addi %mul3A_2, %add3A_28 : i32
    %dma_start3A_30 = arith.constant 0 : i32
    %dma_start3A_31 = tpu.memref_slice %arg2[%add3A_29, %dma_start3A_30] : memref<204800x128xf32, #tpu.memory_space<hbm>> -> memref<64x128xf32, #tpu.memory_space<hbm>>
    %dma_start3A_32 = arith.constant 0 : i32
    %dma_start3A_33 = tpu.memref_slice %arg2[%add3A_29, %dma_start3A_32] : memref<204800x128xf32, #tpu.memory_space<hbm>> -> memref<64x128xf32, #tpu.memory_space<hbm>>
    tpu.enqueue_dma source(%dma_start3A_33 : memref<64x128xf32, #tpu.memory_space<hbm>>) target(%arg9 : memref<64x128xf32, #tpu.memory_space<vmem>>) target_semaphore(%arg18 : memref<!tpu.dma_semaphore, #tpu.memory_space<semaphore_mem>>)
    %dma_start3A_34 = arith.constant 2 : i32
    %dma_start3A_35 = arith.constant 0 : i32
    %dma_start3A_36 = tpu.memref_slice %arg6[%dma_start3A_34, %dma_start3A_35] : memref<100x64xi32, #tpu.memory_space<vmem>> -> memref<1x64xi32, #tpu.memory_space<vmem>>
    %dma_start3A_37 = tpu.memref_squeeze %dma_start3A_36 : memref<1x64xi32, #tpu.memory_space<vmem>> -> memref<64xi32, #tpu.memory_space<vmem>>
    %dma_start3A_38 = arith.constant 0 : i32
    %dma_start3A_39 = arith.constant 0 : i32
    %dma_start3A_40 = tpu.memref_slice %arg4[%dma_start3A_38, %dma_start3A_39] : memref<100000x128xf32, #tpu.memory_space<hbm>> -> memref<100000x128xf32, #tpu.memory_space<hbm>>
    tpu.enqueue_indirect_dma source(%dma_start3A_40 : memref<100000x128xf32, #tpu.memory_space<hbm>>) target(%arg13 : memref<64x128xf32, #tpu.memory_space<vmem>>) offsets(%dma_start3A_37 : memref<64xi32, #tpu.memory_space<vmem>>) semaphore(%arg18 : memref<!tpu.dma_semaphore, #tpu.memory_space<semaphore_mem>>)
    %scan3A = arith.constant 0 : i32
    %scan3A_41 = arith.constant 0 : i32
    %scan3A_42 = arith.constant 24 : i32
    %scan3A_43 = arith.addi %scan3A_41, %scan3A_42 : i32
    %scan3A_44 = arith.constant 1 : i32
    scf.for %scan3A_220 = %scan3A_41 to %scan3A_43 step %scan3A_44  : i32 {
      %mul3A_221 = arith.constant 4 : i32
      %mul3A_222 = arith.muli %scan3A_220, %mul3A_221 : i32
      %add3A_223 = arith.constant 0 : i32
      %add3A_224 = arith.addi %mul3A_222, %add3A_223 : i32
      %ge3A = arith.constant 1 : i32
      %ge3A_225 = arith.cmpi sge, %scan3A_220, %ge3A : i32
      %dma_wait3A_226 = arith.constant 0 : i32
      %dma_wait3A_227 = arith.constant 0 : i32
      %dma_wait3A_228 = tpu.memref_slice %arg2[%dma_wait3A_226, %dma_wait3A_227] : memref<204800x128xf32, #tpu.memory_space<hbm>> -> memref<64x128xf32, #tpu.memory_space<hbm>>
      %dma_wait3A_229 = arith.constant 0 : i32
      %dma_wait3A_230 = arith.constant 0 : i32
      %dma_wait3A_231 = tpu.memref_slice %arg2[%dma_wait3A_229, %dma_wait3A_230] : memref<204800x128xf32, #tpu.memory_space<hbm>> -> memref<64x128xf32, #tpu.memory_space<hbm>>
      tpu.wait_dma2 semaphore(%arg16 : memref<!tpu.dma_semaphore, #tpu.memory_space<semaphore_mem>>) src(%dma_wait3A_231 : memref<64x128xf32, #tpu.memory_space<hbm>>) dst(%arg7 : memref<64x128xf32, #tpu.memory_space<vmem>>)
      %dma_wait3A_232 = arith.constant 0 : i32
      %dma_wait3A_233 = arith.constant 0 : i32
      %dma_wait3A_234 = tpu.memref_slice %arg2[%dma_wait3A_232, %dma_wait3A_233] : memref<204800x128xf32, #tpu.memory_space<hbm>> -> memref<64x128xf32, #tpu.memory_space<hbm>>
      %dma_wait3A_235 = arith.constant 0 : i32
      %dma_wait3A_236 = arith.constant 0 : i32
      %dma_wait3A_237 = tpu.memref_slice %arg2[%dma_wait3A_235, %dma_wait3A_236] : memref<204800x128xf32, #tpu.memory_space<hbm>> -> memref<64x128xf32, #tpu.memory_space<hbm>>
      tpu.wait_dma2 semaphore(%arg16 : memref<!tpu.dma_semaphore, #tpu.memory_space<semaphore_mem>>) src(%dma_wait3A_237 : memref<64x128xf32, #tpu.memory_space<hbm>>) dst(%arg11 : memref<64x128xf32, #tpu.memory_space<vmem>>)
      %parallel_loop3A_238 = arith.constant 0 : i32
      %parallel_loop3A_239 = arith.constant 64 : i32
      %parallel_loop3A_240 = arith.constant 1 : i32
      scf.for %parallel_loop3A_418 = %parallel_loop3A_238 to %parallel_loop3A_239 step %parallel_loop3A_240  : i32 {
        %parallel_loop3A_419 = arith.index_cast %parallel_loop3A_418 : i32 to index
        %parallel_loop3A_420 = arith.constant 0 : index
        %parallel_loop3A_421 = tpu.vector_load %arg7[%parallel_loop3A_419, %parallel_loop3A_420] {strides = array<i32>} : memref<64x128xf32, #tpu.memory_space<vmem>>, vector<1x16xf32>,
        %parallel_loop3A_422 = vector.shape_cast %parallel_loop3A_421 : vector<1x16xf32> to vector<16xf32>
        %parallel_loop3A_423 = arith.index_cast %parallel_loop3A_418 : i32 to index
        %parallel_loop3A_424 = arith.constant 0 : index
        %parallel_loop3A_425 = tpu.vector_load %arg11[%parallel_loop3A_423, %parallel_loop3A_424] {strides = array<i32>} : memref<64x128xf32, #tpu.memory_space<vmem>>, vector<1x16xf32>,
        %parallel_loop3A_426 = vector.shape_cast %parallel_loop3A_425 : vector<1x16xf32> to vector<16xf32>
        %parallel_loop3A_427 = arith.addf %parallel_loop3A_422, %parallel_loop3A_426 : vector<16xf32>
        %parallel_loop3A_428 = arith.index_cast %parallel_loop3A_418 : i32 to index
        %parallel_loop3A_429 = arith.constant 0 : index
        %parallel_loop3A_430 = tpu.vector_load %arg7[%parallel_loop3A_428, %parallel_loop3A_429] {strides = array<i32>} : memref<64x128xf32, #tpu.memory_space<vmem>>, vector<1x16xf32>,
        %parallel_loop3A_431 = vector.shape_cast %parallel_loop3A_430 : vector<1x16xf32> to vector<16xf32>
        %parallel_loop3A_432 = vector.shape_cast %parallel_loop3A_427 : vector<16xf32> to vector<1x16xf32>
        tpu.vector_store %arg7[%parallel_loop3A_428, %parallel_loop3A_429], %parallel_loop3A_432 {strides = array<i32>} : memref<64x128xf32, #tpu.memory_space<vmem>>, vector<1x16xf32>,
        %parallel_loop3A_433 = arith.index_cast %parallel_loop3A_418 : i32 to index
        %parallel_loop3A_434 = arith.constant 16 : index
        %parallel_loop3A_435 = tpu.vector_load %arg7[%parallel_loop3A_433, %parallel_loop3A_434] {strides = array<i32>} : memref<64x128xf32, #tpu.memory_space<vmem>>, vector<1x16xf32>,
        %parallel_loop3A_436 = vector.shape_cast %parallel_loop3A_435 : vector<1x16xf32> to vector<16xf32>
        %parallel_loop3A_437 = arith.index_cast %parallel_loop3A_418 : i32 to index
        %parallel_loop3A_438 = arith.constant 16 : index
        %parallel_loop3A_439 = tpu.vector_load %arg11[%parallel_loop3A_437, %parallel_loop3A_438] {strides = array<i32>} : memref<64x128xf32, #tpu.memory_space<vmem>>, vector<1x16xf32>,
        %parallel_loop3A_440 = vector.shape_cast %parallel_loop3A_439 : vector<1x16xf32> to vector<16xf32>
        %parallel_loop3A_441 = arith.addf %parallel_loop3A_436, %parallel_loop3A_440 : vector<16xf32>
        %parallel_loop3A_442 = arith.index_cast %parallel_loop3A_418 : i32 to index
        %parallel_loop3A_443 = arith.constant 16 : index
        %parallel_loop3A_444 = tpu.vector_load %arg7[%parallel_loop3A_442, %parallel_loop3A_443] {strides = array<i32>} : memref<64x128xf32, #tpu.memory_space<vmem>>, vector<1x16xf32>,
        %parallel_loop3A_445 = vector.shape_cast %parallel_loop3A_444 : vector<1x16xf32> to vector<16xf32>
        %parallel_loop3A_446 = vector.shape_cast %parallel_loop3A_441 : vector<16xf32> to vector<1x16xf32>
        tpu.vector_store %arg7[%parallel_loop3A_442, %parallel_loop3A_443], %parallel_loop3A_446 {strides = array<i32>} : memref<64x128xf32, #tpu.memory_space<vmem>>, vector<1x16xf32>,
        %parallel_loop3A_447 = arith.index_cast %parallel_loop3A_418 : i32 to index
        %parallel_loop3A_448 = arith.constant 32 : index
        %parallel_loop3A_449 = tpu.vector_load %arg7[%parallel_loop3A_447, %parallel_loop3A_448] {strides = array<i32>} : memref<64x128xf32, #tpu.memory_space<vmem>>, vector<1x16xf32>,
        %parallel_loop3A_450 = vector.shape_cast %parallel_loop3A_449 : vector<1x16xf32> to vector<16xf32>
        %parallel_loop3A_451 = arith.index_cast %parallel_loop3A_418 : i32 to index
        %parallel_loop3A_452 = arith.constant 32 : index
        %parallel_loop3A_453 = tpu.vector_load %arg11[%parallel_loop3A_451, %parallel_loop3A_452] {strides = array<i32>} : memref<64x128xf32, #tpu.memory_space<vmem>>, vector<1x16xf32>,
        %parallel_loop3A_454 = vector.shape_cast %parallel_loop3A_453 : vector<1x16xf32> to vector<16xf32>
        %parallel_loop3A_455 = arith.addf %parallel_loop3A_450, %parallel_loop3A_454 : vector<16xf32>
        %parallel_loop3A_456 = arith.index_cast %parallel_loop3A_418 : i32 to index
        %parallel_loop3A_457 = arith.constant 32 : index
        %parallel_loop3A_458 = tpu.vector_load %arg7[%parallel_loop3A_456, %parallel_loop3A_457] {strides = array<i32>} : memref<64x128xf32, #tpu.memory_space<vmem>>, vector<1x16xf32>,
        %parallel_loop3A_459 = vector.shape_cast %parallel_loop3A_458 : vector<1x16xf32> to vector<16xf32>
        %parallel_loop3A_460 = vector.shape_cast %parallel_loop3A_455 : vector<16xf32> to vector<1x16xf32>
        tpu.vector_store %arg7[%parallel_loop3A_456, %parallel_loop3A_457], %parallel_loop3A_460 {strides = array<i32>} : memref<64x128xf32, #tpu.memory_space<vmem>>, vector<1x16xf32>,
        %parallel_loop3A_461 = arith.index_cast %parallel_loop3A_418 : i32 to index
        %parallel_loop3A_462 = arith.constant 48 : index
        %parallel_loop3A_463 = tpu.vector_load %arg7[%parallel_loop3A_461, %parallel_loop3A_462] {strides = array<i32>} : memref<64x128xf32, #tpu.memory_space<vmem>>, vector<1x16xf32>,
        %parallel_loop3A_464 = vector.shape_cast %parallel_loop3A_463 : vector<1x16xf32> to vector<16xf32>
        %parallel_loop3A_465 = arith.index_cast %parallel_loop3A_418 : i32 to index
        %parallel_loop3A_466 = arith.constant 48 : index
        %parallel_loop3A_467 = tpu.vector_load %arg11[%parallel_loop3A_465, %parallel_loop3A_466] {strides = array<i32>} : memref<64x128xf32, #tpu.memory_space<vmem>>, vector<1x16xf32>,
        %parallel_loop3A_468 = vector.shape_cast %parallel_loop3A_467 : vector<1x16xf32> to vector<16xf32>
        %parallel_loop3A_469 = arith.addf %parallel_loop3A_464, %parallel_loop3A_468 : vector<16xf32>
        %parallel_loop3A_470 = arith.index_cast %parallel_loop3A_418 : i32 to index
        %parallel_loop3A_471 = arith.constant 48 : index
        %parallel_loop3A_472 = tpu.vector_load %arg7[%parallel_loop3A_470, %parallel_loop3A_471] {strides = array<i32>} : memref<64x128xf32, #tpu.memory_space<vmem>>, vector<1x16xf32>,
        %parallel_loop3A_473 = vector.shape_cast %parallel_loop3A_472 : vector<1x16xf32> to vector<16xf32>
        %parallel_loop3A_474 = vector.shape_cast %parallel_loop3A_469 : vector<16xf32> to vector<1x16xf32>
        tpu.vector_store %arg7[%parallel_loop3A_470, %parallel_loop3A_471], %parallel_loop3A_474 {strides = array<i32>} : memref<64x128xf32, #tpu.memory_space<vmem>>, vector<1x16xf32>,
        %parallel_loop3A_475 = arith.index_cast %parallel_loop3A_418 : i32 to index
        %parallel_loop3A_476 = arith.constant 64 : index
        %parallel_loop3A_477 = tpu.vector_load %arg7[%parallel_loop3A_475, %parallel_loop3A_476] {strides = array<i32>} : memref<64x128xf32, #tpu.memory_space<vmem>>, vector<1x16xf32>,
        %parallel_loop3A_478 = vector.shape_cast %parallel_loop3A_477 : vector<1x16xf32> to vector<16xf32>
        %parallel_loop3A_479 = arith.index_cast %parallel_loop3A_418 : i32 to index
        %parallel_loop3A_480 = arith.constant 64 : index
        %parallel_loop3A_481 = tpu.vector_load %arg11[%parallel_loop3A_479, %parallel_loop3A_480] {strides = array<i32>} : memref<64x128xf32, #tpu.memory_space<vmem>>, vector<1x16xf32>,
        %parallel_loop3A_482 = vector.shape_cast %parallel_loop3A_481 : vector<1x16xf32> to vector<16xf32>
        %parallel_loop3A_483 = arith.addf %parallel_loop3A_478, %parallel_loop3A_482 : vector<16xf32>
        %parallel_loop3A_484 = arith.index_cast %parallel_loop3A_418 : i32 to index
        %parallel_loop3A_485 = arith.constant 64 : index
        %parallel_loop3A_486 = tpu.vector_load %arg7[%parallel_loop3A_484, %parallel_loop3A_485] {strides = array<i32>} : memref<64x128xf32, #tpu.memory_space<vmem>>, vector<1x16xf32>,
        %parallel_loop3A_487 = vector.shape_cast %parallel_loop3A_486 : vector<1x16xf32> to vector<16xf32>
        %parallel_loop3A_488 = vector.shape_cast %parallel_loop3A_483 : vector<16xf32> to vector<1x16xf32>
        tpu.vector_store %arg7[%parallel_loop3A_484, %parallel_loop3A_485], %parallel_loop3A_488 {strides = array<i32>} : memref<64x128xf32, #tpu.memory_space<vmem>>, vector<1x16xf32>,
        %parallel_loop3A_489 = arith.index_cast %parallel_loop3A_418 : i32 to index
        %parallel_loop3A_490 = arith.constant 80 : index
        %parallel_loop3A_491 = tpu.vector_load %arg7[%parallel_loop3A_489, %parallel_loop3A_490] {strides = array<i32>} : memref<64x128xf32, #tpu.memory_space<vmem>>, vector<1x16xf32>,
        %parallel_loop3A_492 = vector.shape_cast %parallel_loop3A_491 : vector<1x16xf32> to vector<16xf32>
        %parallel_loop3A_493 = arith.index_cast %parallel_loop3A_418 : i32 to index
        %parallel_loop3A_494 = arith.constant 80 : index
        %parallel_loop3A_495 = tpu.vector_load %arg11[%parallel_loop3A_493, %parallel_loop3A_494] {strides = array<i32>} : memref<64x128xf32, #tpu.memory_space<vmem>>, vector<1x16xf32>,
        %parallel_loop3A_496 = vector.shape_cast %parallel_loop3A_495 : vector<1x16xf32> to vector<16xf32>
        %parallel_loop3A_497 = arith.addf %parallel_loop3A_492, %parallel_loop3A_496 : vector<16xf32>
        %parallel_loop3A_498 = arith.index_cast %parallel_loop3A_418 : i32 to index
        %parallel_loop3A_499 = arith.constant 80 : index
        %parallel_loop3A_500 = tpu.vector_load %arg7[%parallel_loop3A_498, %parallel_loop3A_499] {strides = array<i32>} : memref<64x128xf32, #tpu.memory_space<vmem>>, vector<1x16xf32>,
        %parallel_loop3A_501 = vector.shape_cast %parallel_loop3A_500 : vector<1x16xf32> to vector<16xf32>
        %parallel_loop3A_502 = vector.shape_cast %parallel_loop3A_497 : vector<16xf32> to vector<1x16xf32>
        tpu.vector_store %arg7[%parallel_loop3A_498, %parallel_loop3A_499], %parallel_loop3A_502 {strides = array<i32>} : memref<64x128xf32, #tpu.memory_space<vmem>>, vector<1x16xf32>,
        %parallel_loop3A_503 = arith.index_cast %parallel_loop3A_418 : i32 to index
        %parallel_loop3A_504 = arith.constant 96 : index
        %parallel_loop3A_505 = tpu.vector_load %arg7[%parallel_loop3A_503, %parallel_loop3A_504] {strides = array<i32>} : memref<64x128xf32, #tpu.memory_space<vmem>>, vector<1x16xf32>,
        %parallel_loop3A_506 = vector.shape_cast %parallel_loop3A_505 : vector<1x16xf32> to vector<16xf32>
        %parallel_loop3A_507 = arith.index_cast %parallel_loop3A_418 : i32 to index
        %parallel_loop3A_508 = arith.constant 96 : index
        %parallel_loop3A_509 = tpu.vector_load %arg11[%parallel_loop3A_507, %parallel_loop3A_508] {strides = array<i32>} : memref<64x128xf32, #tpu.memory_space<vmem>>, vector<1x16xf32>,
        %parallel_loop3A_510 = vector.shape_cast %parallel_loop3A_509 : vector<1x16xf32> to vector<16xf32>
        %parallel_loop3A_511 = arith.addf %parallel_loop3A_506, %parallel_loop3A_510 : vector<16xf32>
        %parallel_loop3A_512 = arith.index_cast %parallel_loop3A_418 : i32 to index
        %parallel_loop3A_513 = arith.constant 96 : index
        %parallel_loop3A_514 = tpu.vector_load %arg7[%parallel_loop3A_512, %parallel_loop3A_513] {strides = array<i32>} : memref<64x128xf32, #tpu.memory_space<vmem>>, vector<1x16xf32>,
        %parallel_loop3A_515 = vector.shape_cast %parallel_loop3A_514 : vector<1x16xf32> to vector<16xf32>
        %parallel_loop3A_516 = vector.shape_cast %parallel_loop3A_511 : vector<16xf32> to vector<1x16xf32>
        tpu.vector_store %arg7[%parallel_loop3A_512, %parallel_loop3A_513], %parallel_loop3A_516 {strides = array<i32>} : memref<64x128xf32, #tpu.memory_space<vmem>>, vector<1x16xf32>,
        %parallel_loop3A_517 = arith.index_cast %parallel_loop3A_418 : i32 to index
        %parallel_loop3A_518 = arith.constant 112 : index
        %parallel_loop3A_519 = tpu.vector_load %arg7[%parallel_loop3A_517, %parallel_loop3A_518] {strides = array<i32>} : memref<64x128xf32, #tpu.memory_space<vmem>>, vector<1x16xf32>,
        %parallel_loop3A_520 = vector.shape_cast %parallel_loop3A_519 : vector<1x16xf32> to vector<16xf32>
        %parallel_loop3A_521 = arith.index_cast %parallel_loop3A_418 : i32 to index
        %parallel_loop3A_522 = arith.constant 112 : index
        %parallel_loop3A_523 = tpu.vector_load %arg11[%parallel_loop3A_521, %parallel_loop3A_522] {strides = array<i32>} : memref<64x128xf32, #tpu.memory_space<vmem>>, vector<1x16xf32>,
        %parallel_loop3A_524 = vector.shape_cast %parallel_loop3A_523 : vector<1x16xf32> to vector<16xf32>
        %parallel_loop3A_525 = arith.addf %parallel_loop3A_520, %parallel_loop3A_524 : vector<16xf32>
        %parallel_loop3A_526 = arith.index_cast %parallel_loop3A_418 : i32 to index
        %parallel_loop3A_527 = arith.constant 112 : index
        %parallel_loop3A_528 = tpu.vector_load %arg7[%parallel_loop3A_526, %parallel_loop3A_527] {strides = array<i32>} : memref<64x128xf32, #tpu.memory_space<vmem>>, vector<1x16xf32>,
        %parallel_loop3A_529 = vector.shape_cast %parallel_loop3A_528 : vector<1x16xf32> to vector<16xf32>
        %parallel_loop3A_530 = vector.shape_cast %parallel_loop3A_525 : vector<16xf32> to vector<1x16xf32>
        tpu.vector_store %arg7[%parallel_loop3A_526, %parallel_loop3A_527], %parallel_loop3A_530 {strides = array<i32>} : memref<64x128xf32, #tpu.memory_space<vmem>>, vector<1x16xf32>,
      } {sc.loop_unroll_factor = 4 : i64, sc.parallel_access}
      %convert_element_type3A = arith.extui %ge3A_225 : i1 to i32
      %cond3A = arith.constant 0 : i32
      %cond3A_241 = arith.cmpi ne, %convert_element_type3A, %cond3A : i32
      scf.if %cond3A_241 {
        %dma_wait3A_418 = arith.constant 0 : i32
        %dma_wait3A_419 = arith.constant 0 : i32
        %dma_wait3A_420 = arith.constant 0 : i32
        %dma_wait3A_421 = tpu.memref_slice %arg5[%dma_wait3A_419, %dma_wait3A_420] : memref<204800x128xf32, #tpu.memory_space<hbm>> -> memref<64x128xf32, #tpu.memory_space<hbm>>
        %dma_wait3A_422 = arith.constant 0 : i32
        %dma_wait3A_423 = arith.constant 0 : i32
        %dma_wait3A_424 = tpu.memref_slice %arg15[%arg1, %dma_wait3A_418, %dma_wait3A_422, %dma_wait3A_423] : memref<16x4x64x128xf32, #tpu.memory_space<vmem_shared>> -> memref<1x1x64x128xf32, #tpu.memory_space<vmem_shared>>
        %dma_wait3A_425 = tpu.memref_squeeze %dma_wait3A_424 : memref<1x1x64x128xf32, #tpu.memory_space<vmem_shared>> -> memref<64x128xf32, #tpu.memory_space<vmem_shared>>
        tpu.wait_dma2 semaphore(%arg20 : memref<!tpu.dma_semaphore, #tpu.memory_space<semaphore_mem>>) src(%dma_wait3A_425 : memref<64x128xf32, #tpu.memory_space<vmem_shared>>) dst(%dma_wait3A_421 : memref<64x128xf32, #tpu.memory_space<hbm>>)
      } else {
      }
      %run_scoped3A_242 = arith.constant 0 : i32
      "tpu.region"() ({
        %run_scoped3A_418 = tpu.sem_alloc : memref<!tpu.dma_semaphore, #tpu.memory_space<semaphore_mem>>
        %dma_start3A_419 = arith.constant 0 : i32
        %dma_start3A_420 = arith.constant 0 : i32
        %dma_start3A_421 = tpu.memref_slice %arg15[%arg1, %run_scoped3A_242, %dma_start3A_419, %dma_start3A_420] : memref<16x4x64x128xf32, #tpu.memory_space<vmem_shared>> -> memref<1x1x64x128xf32, #tpu.memory_space<vmem_shared>>
        %dma_start3A_422 = tpu.memref_squeeze %dma_start3A_421 : memref<1x1x64x128xf32, #tpu.memory_space<vmem_shared>> -> memref<64x128xf32, #tpu.memory_space<vmem_shared>>
        %dma_start3A_423 = arith.constant 0 : i32
        %dma_start3A_424 = arith.constant 0 : i32
        %dma_start3A_425 = tpu.memref_slice %arg15[%arg1, %run_scoped3A_242, %dma_start3A_423, %dma_start3A_424] : memref<16x4x64x128xf32, #tpu.memory_space<vmem_shared>> -> memref<1x1x64x128xf32, #tpu.memory_space<vmem_shared>>
        %dma_start3A_426 = tpu.memref_squeeze %dma_start3A_425 : memref<1x1x64x128xf32, #tpu.memory_space<vmem_shared>> -> memref<64x128xf32, #tpu.memory_space<vmem_shared>>
        tpu.enqueue_dma source(%arg7 : memref<64x128xf32, #tpu.memory_space<vmem>>) target(%dma_start3A_426 : memref<64x128xf32, #tpu.memory_space<vmem_shared>>) target_semaphore(%run_scoped3A_418 : memref<!tpu.dma_semaphore, #tpu.memory_space<semaphore_mem>>)
        %dma_wait3A_427 = arith.constant 0 : i32
        %dma_wait3A_428 = arith.constant 0 : i32
        %dma_wait3A_429 = tpu.memref_slice %arg15[%arg1, %run_scoped3A_242, %dma_wait3A_427, %dma_wait3A_428] : memref<16x4x64x128xf32, #tpu.memory_space<vmem_shared>> -> memref<1x1x64x128xf32, #tpu.memory_space<vmem_shared>>
        %dma_wait3A_430 = tpu.memref_squeeze %dma_wait3A_429 : memref<1x1x64x128xf32, #tpu.memory_space<vmem_shared>> -> memref<64x128xf32, #tpu.memory_space<vmem_shared>>
        %dma_wait3A_431 = arith.constant 0 : i32
        %dma_wait3A_432 = arith.constant 0 : i32
        %dma_wait3A_433 = tpu.memref_slice %arg15[%arg1, %run_scoped3A_242, %dma_wait3A_431, %dma_wait3A_432] : memref<16x4x64x128xf32, #tpu.memory_space<vmem_shared>> -> memref<1x1x64x128xf32, #tpu.memory_space<vmem_shared>>
        %dma_wait3A_434 = tpu.memref_squeeze %dma_wait3A_433 : memref<1x1x64x128xf32, #tpu.memory_space<vmem_shared>> -> memref<64x128xf32, #tpu.memory_space<vmem_shared>>
        tpu.wait_dma2 semaphore(%run_scoped3A_418 : memref<!tpu.dma_semaphore, #tpu.memory_space<semaphore_mem>>) src(%arg7 : memref<64x128xf32, #tpu.memory_space<vmem>>) dst(%dma_wait3A_434 : memref<64x128xf32, #tpu.memory_space<vmem_shared>>)
        tpu.yield
      }) : () -> ()
      %mul3A_243 = arith.constant 64 : i32
      %mul3A_244 = arith.muli %add3A_224, %mul3A_243 : i32
      %add3A_245 = arith.addi %mul3A_2, %mul3A_244 : i32
      %dma_start3A_246 = arith.constant 0 : i32
      %dma_start3A_247 = arith.constant 0 : i32
      %dma_start3A_248 = tpu.memref_slice %arg5[%add3A_245, %dma_start3A_247] : memref<204800x128xf32, #tpu.memory_space<hbm>> -> memref<64x128xf32, #tpu.memory_space<hbm>>
      %dma_start3A_249 = arith.constant 0 : i32
      %dma_start3A_250 = arith.constant 0 : i32
      %dma_start3A_251 = tpu.memref_slice %arg15[%arg1, %dma_start3A_246, %dma_start3A_249, %dma_start3A_250] : memref<16x4x64x128xf32, #tpu.memory_space<vmem_shared>> -> memref<1x1x64x128xf32, #tpu.memory_space<vmem_shared>>
      %dma_start3A_252 = tpu.memref_squeeze %dma_start3A_251 : memref<1x1x64x128xf32, #tpu.memory_space<vmem_shared>> -> memref<64x128xf32, #tpu.memory_space<vmem_shared>>
      tpu.enqueue_dma source(%dma_start3A_252 : memref<64x128xf32, #tpu.memory_space<vmem_shared>>) target(%dma_start3A_248 : memref<64x128xf32, #tpu.memory_space<hbm>>) target_semaphore(%arg20 : memref<!tpu.dma_semaphore, #tpu.memory_space<semaphore_mem>>)
      %add3A_253 = arith.constant 3 : i32
      %add3A_254 = arith.addi %add3A_224, %add3A_253 : i32
      %mul3A_255 = arith.constant 64 : i32
      %mul3A_256 = arith.muli %add3A_254, %mul3A_255 : i32
      %add3A_257 = arith.addi %mul3A_2, %mul3A_256 : i32
      %dma_start3A_258 = arith.constant 0 : i32
      %dma_start3A_259 = tpu.memref_slice %arg2[%add3A_257, %dma_start3A_258] : memref<204800x128xf32, #tpu.memory_space<hbm>> -> memref<64x128xf32, #tpu.memory_space<hbm>>
      %dma_start3A_260 = arith.constant 0 : i32
      %dma_start3A_261 = tpu.memref_slice %arg2[%add3A_257, %dma_start3A_260] : memref<204800x128xf32, #tpu.memory_space<hbm>> -> memref<64x128xf32, #tpu.memory_space<hbm>>
      tpu.enqueue_dma source(%dma_start3A_261 : memref<64x128xf32, #tpu.memory_space<hbm>>) target(%arg10 : memref<64x128xf32, #tpu.memory_space<vmem>>) target_semaphore(%arg19 : memref<!tpu.dma_semaphore, #tpu.memory_space<semaphore_mem>>)
      %dma_start3A_262 = arith.constant 0 : i32
      %dma_start3A_263 = tpu.memref_slice %arg6[%add3A_254, %dma_start3A_262] : memref<100x64xi32, #tpu.memory_space<vmem>> -> memref<1x64xi32, #tpu.memory_space<vmem>>
      %dma_start3A_264 = tpu.memref_squeeze %dma_start3A_263 : memref<1x64xi32, #tpu.memory_space<vmem>> -> memref<64xi32, #tpu.memory_space<vmem>>
      %dma_start3A_265 = arith.constant 0 : i32
      %dma_start3A_266 = arith.constant 0 : i32
      %dma_start3A_267 = tpu.memref_slice %arg4[%dma_start3A_265, %dma_start3A_266] : memref<100000x128xf32, #tpu.memory_space<hbm>> -> memref<100000x128xf32, #tpu.memory_space<hbm>>
      tpu.enqueue_indirect_dma source(%dma_start3A_267 : memref<100000x128xf32, #tpu.memory_space<hbm>>) target(%arg14 : memref<64x128xf32, #tpu.memory_space<vmem>>) offsets(%dma_start3A_264 : memref<64xi32, #tpu.memory_space<vmem>>) semaphore(%arg19 : memref<!tpu.dma_semaphore, #tpu.memory_space<semaphore_mem>>)
      %mul3A_268 = arith.constant 4 : i32
      %mul3A_269 = arith.muli %scan3A_220, %mul3A_268 : i32
      %add3A_270 = arith.constant 1 : i32
      %add3A_271 = arith.addi %mul3A_269, %add3A_270 : i32
      %ge3A_272 = arith.constant 1 : i32
      %ge3A_273 = arith.cmpi sge, %scan3A_220, %ge3A_272 : i32
      %dma_wait3A_274 = arith.constant 0 : i32
      %dma_wait3A_275 = arith.constant 0 : i32
      %dma_wait3A_276 = tpu.memref_slice %arg2[%dma_wait3A_274, %dma_wait3A_275] : memref<204800x128xf32, #tpu.memory_space<hbm>> -> memref<64x128xf32, #tpu.memory_space<hbm>>
      %dma_wait3A_277 = arith.constant 0 : i32
      %dma_wait3A_278 = arith.constant 0 : i32
      %dma_wait3A_279 = tpu.memref_slice %arg2[%dma_wait3A_277, %dma_wait3A_278] : memref<204800x128xf32, #tpu.memory_space<hbm>> -> memref<64x128xf32, #tpu.memory_space<hbm>>
      tpu.wait_dma2 semaphore(%arg17 : memref<!tpu.dma_semaphore, #tpu.memory_space<semaphore_mem>>) src(%dma_wait3A_279 : memref<64x128xf32, #tpu.memory_space<hbm>>) dst(%arg8 : memref<64x128xf32, #tpu.memory_space<vmem>>)
      %dma_wait3A_280 = arith.constant 0 : i32
      %dma_wait3A_281 = arith.constant 0 : i32
      %dma_wait3A_282 = tpu.memref_slice %arg2[%dma_wait3A_280, %dma_wait3A_281] : memref<204800x128xf32, #tpu.memory_space<hbm>> -> memref<64x128xf32, #tpu.memory_space<hbm>>
      %dma_wait3A_283 = arith.constant 0 : i32
      %dma_wait3A_284 = arith.constant 0 : i32
      %dma_wait3A_285 = tpu.memref_slice %arg2[%dma_wait3A_283, %dma_wait3A_284] : memref<204800x128xf32, #tpu.memory_space<hbm>> -> memref<64x128xf32, #tpu.memory_space<hbm>>
      tpu.wait_dma2 semaphore(%arg17 : memref<!tpu.dma_semaphore, #tpu.memory_space<semaphore_mem>>) src(%dma_wait3A_285 : memref<64x128xf32, #tpu.memory_space<hbm>>) dst(%arg12 : memref<64x128xf32, #tpu.memory_space<vmem>>)
      %parallel_loop3A_286 = arith.constant 0 : i32
      %parallel_loop3A_287 = arith.constant 64 : i32
      %parallel_loop3A_288 = arith.constant 1 : i32
      scf.for %parallel_loop3A_418 = %parallel_loop3A_286 to %parallel_loop3A_287 step %parallel_loop3A_288  : i32 {
        %parallel_loop3A_419 = arith.index_cast %parallel_loop3A_418 : i32 to index
        %parallel_loop3A_420 = arith.constant 0 : index
        %parallel_loop3A_421 = tpu.vector_load %arg8[%parallel_loop3A_419, %parallel_loop3A_420] {strides = array<i32>} : memref<64x128xf32, #tpu.memory_space<vmem>>, vector<1x16xf32>,
        %parallel_loop3A_422 = vector.shape_cast %parallel_loop3A_421 : vector<1x16xf32> to vector<16xf32>
        %parallel_loop3A_423 = arith.index_cast %parallel_loop3A_418 : i32 to index
        %parallel_loop3A_424 = arith.constant 0 : index
        %parallel_loop3A_425 = tpu.vector_load %arg12[%parallel_loop3A_423, %parallel_loop3A_424] {strides = array<i32>} : memref<64x128xf32, #tpu.memory_space<vmem>>, vector<1x16xf32>,
        %parallel_loop3A_426 = vector.shape_cast %parallel_loop3A_425 : vector<1x16xf32> to vector<16xf32>
        %parallel_loop3A_427 = arith.addf %parallel_loop3A_422, %parallel_loop3A_426 : vector<16xf32>
        %parallel_loop3A_428 = arith.index_cast %parallel_loop3A_418 : i32 to index
        %parallel_loop3A_429 = arith.constant 0 : index
        %parallel_loop3A_430 = tpu.vector_load %arg8[%parallel_loop3A_428, %parallel_loop3A_429] {strides = array<i32>} : memref<64x128xf32, #tpu.memory_space<vmem>>, vector<1x16xf32>,
        %parallel_loop3A_431 = vector.shape_cast %parallel_loop3A_430 : vector<1x16xf32> to vector<16xf32>
        %parallel_loop3A_432 = vector.shape_cast %parallel_loop3A_427 : vector<16xf32> to vector<1x16xf32>
        tpu.vector_store %arg8[%parallel_loop3A_428, %parallel_loop3A_429], %parallel_loop3A_432 {strides = array<i32>} : memref<64x128xf32, #tpu.memory_space<vmem>>, vector<1x16xf32>,
        %parallel_loop3A_433 = arith.index_cast %parallel_loop3A_418 : i32 to index
        %parallel_loop3A_434 = arith.constant 16 : index
        %parallel_loop3A_435 = tpu.vector_load %arg8[%parallel_loop3A_433, %parallel_loop3A_434] {strides = array<i32>} : memref<64x128xf32, #tpu.memory_space<vmem>>, vector<1x16xf32>,
        %parallel_loop3A_436 = vector.shape_cast %parallel_loop3A_435 : vector<1x16xf32> to vector<16xf32>
        %parallel_loop3A_437 = arith.index_cast %parallel_loop3A_418 : i32 to index
        %parallel_loop3A_438 = arith.constant 16 : index
        %parallel_loop3A_439 = tpu.vector_load %arg12[%parallel_loop3A_437, %parallel_loop3A_438] {strides = array<i32>} : memref<64x128xf32, #tpu.memory_space<vmem>>, vector<1x16xf32>,
        %parallel_loop3A_440 = vector.shape_cast %parallel_loop3A_439 : vector<1x16xf32> to vector<16xf32>
        %parallel_loop3A_441 = arith.addf %parallel_loop3A_436, %parallel_loop3A_440 : vector<16xf32>
        %parallel_loop3A_442 = arith.index_cast %parallel_loop3A_418 : i32 to index
        %parallel_loop3A_443 = arith.constant 16 : index
        %parallel_loop3A_444 = tpu.vector_load %arg8[%parallel_loop3A_442, %parallel_loop3A_443] {strides = array<i32>} : memref<64x128xf32, #tpu.memory_space<vmem>>, vector<1x16xf32>,
        %parallel_loop3A_445 = vector.shape_cast %parallel_loop3A_444 : vector<1x16xf32> to vector<16xf32>
        %parallel_loop3A_446 = vector.shape_cast %parallel_loop3A_441 : vector<16xf32> to vector<1x16xf32>
        tpu.vector_store %arg8[%parallel_loop3A_442, %parallel_loop3A_443], %parallel_loop3A_446 {strides = array<i32>} : memref<64x128xf32, #tpu.memory_space<vmem>>, vector<1x16xf32>,
        %parallel_loop3A_447 = arith.index_cast %parallel_loop3A_418 : i32 to index
        %parallel_loop3A_448 = arith.constant 32 : index
        %parallel_loop3A_449 = tpu.vector_load %arg8[%parallel_loop3A_447, %parallel_loop3A_448] {strides = array<i32>} : memref<64x128xf32, #tpu.memory_space<vmem>>, vector<1x16xf32>,
        %parallel_loop3A_450 = vector.shape_cast %parallel_loop3A_449 : vector<1x16xf32> to vector<16xf32>
        %parallel_loop3A_451 = arith.index_cast %parallel_loop3A_418 : i32 to index
        %parallel_loop3A_452 = arith.constant 32 : index
        %parallel_loop3A_453 = tpu.vector_load %arg12[%parallel_loop3A_451, %parallel_loop3A_452] {strides = array<i32>} : memref<64x128xf32, #tpu.memory_space<vmem>>, vector<1x16xf32>,
        %parallel_loop3A_454 = vector.shape_cast %parallel_loop3A_453 : vector<1x16xf32> to vector<16xf32>
        %parallel_loop3A_455 = arith.addf %parallel_loop3A_450, %parallel_loop3A_454 : vector<16xf32>
        %parallel_loop3A_456 = arith.index_cast %parallel_loop3A_418 : i32 to index
        %parallel_loop3A_457 = arith.constant 32 : index
        %parallel_loop3A_458 = tpu.vector_load %arg8[%parallel_loop3A_456, %parallel_loop3A_457] {strides = array<i32>} : memref<64x128xf32, #tpu.memory_space<vmem>>, vector<1x16xf32>,
        %parallel_loop3A_459 = vector.shape_cast %parallel_loop3A_458 : vector<1x16xf32> to vector<16xf32>
        %parallel_loop3A_460 = vector.shape_cast %parallel_loop3A_455 : vector<16xf32> to vector<1x16xf32>
        tpu.vector_store %arg8[%parallel_loop3A_456, %parallel_loop3A_457], %parallel_loop3A_460 {strides = array<i32>} : memref<64x128xf32, #tpu.memory_space<vmem>>, vector<1x16xf32>,
        %parallel_loop3A_461 = arith.index_cast %parallel_loop3A_418 : i32 to index
        %parallel_loop3A_462 = arith.constant 48 : index
        %parallel_loop3A_463 = tpu.vector_load %arg8[%parallel_loop3A_461, %parallel_loop3A_462] {strides = array<i32>} : memref<64x128xf32, #tpu.memory_space<vmem>>, vector<1x16xf32>,
        %parallel_loop3A_464 = vector.shape_cast %parallel_loop3A_463 : vector<1x16xf32> to vector<16xf32>
        %parallel_loop3A_465 = arith.index_cast %parallel_loop3A_418 : i32 to index
        %parallel_loop3A_466 = arith.constant 48 : index
        %parallel_loop3A_467 = tpu.vector_load %arg12[%parallel_loop3A_465, %parallel_loop3A_466] {strides = array<i32>} : memref<64x128xf32, #tpu.memory_space<vmem>>, vector<1x16xf32>,
        %parallel_loop3A_468 = vector.shape_cast %parallel_loop3A_467 : vector<1x16xf32> to vector<16xf32>
        %parallel_loop3A_469 = arith.addf %parallel_loop3A_464, %parallel_loop3A_468 : vector<16xf32>
        %parallel_loop3A_470 = arith.index_cast %parallel_loop3A_418 : i32 to index
        %parallel_loop3A_471 = arith.constant 48 : index
        %parallel_loop3A_472 = tpu.vector_load %arg8[%parallel_loop3A_470, %parallel_loop3A_471] {strides = array<i32>} : memref<64x128xf32, #tpu.memory_space<vmem>>, vector<1x16xf32>,
        %parallel_loop3A_473 = vector.shape_cast %parallel_loop3A_472 : vector<1x16xf32> to vector<16xf32>
        %parallel_loop3A_474 = vector.shape_cast %parallel_loop3A_469 : vector<16xf32> to vector<1x16xf32>
        tpu.vector_store %arg8[%parallel_loop3A_470, %parallel_loop3A_471], %parallel_loop3A_474 {strides = array<i32>} : memref<64x128xf32, #tpu.memory_space<vmem>>, vector<1x16xf32>,
        %parallel_loop3A_475 = arith.index_cast %parallel_loop3A_418 : i32 to index
        %parallel_loop3A_476 = arith.constant 64 : index
        %parallel_loop3A_477 = tpu.vector_load %arg8[%parallel_loop3A_475, %parallel_loop3A_476] {strides = array<i32>} : memref<64x128xf32, #tpu.memory_space<vmem>>, vector<1x16xf32>,
        %parallel_loop3A_478 = vector.shape_cast %parallel_loop3A_477 : vector<1x16xf32> to vector<16xf32>
        %parallel_loop3A_479 = arith.index_cast %parallel_loop3A_418 : i32 to index
        %parallel_loop3A_480 = arith.constant 64 : index
        %parallel_loop3A_481 = tpu.vector_load %arg12[%parallel_loop3A_479, %parallel_loop3A_480] {strides = array<i32>} : memref<64x128xf32, #tpu.memory_space<vmem>>, vector<1x16xf32>,
        %parallel_loop3A_482 = vector.shape_cast %parallel_loop3A_481 : vector<1x16xf32> to vector<16xf32>
        %parallel_loop3A_483 = arith.addf %parallel_loop3A_478, %parallel_loop3A_482 : vector<16xf32>
        %parallel_loop3A_484 = arith.index_cast %parallel_loop3A_418 : i32 to index
        %parallel_loop3A_485 = arith.constant 64 : index
        %parallel_loop3A_486 = tpu.vector_load %arg8[%parallel_loop3A_484, %parallel_loop3A_485] {strides = array<i32>} : memref<64x128xf32, #tpu.memory_space<vmem>>, vector<1x16xf32>,
        %parallel_loop3A_487 = vector.shape_cast %parallel_loop3A_486 : vector<1x16xf32> to vector<16xf32>
        %parallel_loop3A_488 = vector.shape_cast %parallel_loop3A_483 : vector<16xf32> to vector<1x16xf32>
        tpu.vector_store %arg8[%parallel_loop3A_484, %parallel_loop3A_485], %parallel_loop3A_488 {strides = array<i32>} : memref<64x128xf32, #tpu.memory_space<vmem>>, vector<1x16xf32>,
        %parallel_loop3A_489 = arith.index_cast %parallel_loop3A_418 : i32 to index
        %parallel_loop3A_490 = arith.constant 80 : index
        %parallel_loop3A_491 = tpu.vector_load %arg8[%parallel_loop3A_489, %parallel_loop3A_490] {strides = array<i32>} : memref<64x128xf32, #tpu.memory_space<vmem>>, vector<1x16xf32>,
        %parallel_loop3A_492 = vector.shape_cast %parallel_loop3A_491 : vector<1x16xf32> to vector<16xf32>
        %parallel_loop3A_493 = arith.index_cast %parallel_loop3A_418 : i32 to index
        %parallel_loop3A_494 = arith.constant 80 : index
        %parallel_loop3A_495 = tpu.vector_load %arg12[%parallel_loop3A_493, %parallel_loop3A_494] {strides = array<i32>} : memref<64x128xf32, #tpu.memory_space<vmem>>, vector<1x16xf32>,
        %parallel_loop3A_496 = vector.shape_cast %parallel_loop3A_495 : vector<1x16xf32> to vector<16xf32>
        %parallel_loop3A_497 = arith.addf %parallel_loop3A_492, %parallel_loop3A_496 : vector<16xf32>
        %parallel_loop3A_498 = arith.index_cast %parallel_loop3A_418 : i32 to index
        %parallel_loop3A_499 = arith.constant 80 : index
        %parallel_loop3A_500 = tpu.vector_load %arg8[%parallel_loop3A_498, %parallel_loop3A_499] {strides = array<i32>} : memref<64x128xf32, #tpu.memory_space<vmem>>, vector<1x16xf32>,
        %parallel_loop3A_501 = vector.shape_cast %parallel_loop3A_500 : vector<1x16xf32> to vector<16xf32>
        %parallel_loop3A_502 = vector.shape_cast %parallel_loop3A_497 : vector<16xf32> to vector<1x16xf32>
        tpu.vector_store %arg8[%parallel_loop3A_498, %parallel_loop3A_499], %parallel_loop3A_502 {strides = array<i32>} : memref<64x128xf32, #tpu.memory_space<vmem>>, vector<1x16xf32>,
        %parallel_loop3A_503 = arith.index_cast %parallel_loop3A_418 : i32 to index
        %parallel_loop3A_504 = arith.constant 96 : index
        %parallel_loop3A_505 = tpu.vector_load %arg8[%parallel_loop3A_503, %parallel_loop3A_504] {strides = array<i32>} : memref<64x128xf32, #tpu.memory_space<vmem>>, vector<1x16xf32>,
        %parallel_loop3A_506 = vector.shape_cast %parallel_loop3A_505 : vector<1x16xf32> to vector<16xf32>
        %parallel_loop3A_507 = arith.index_cast %parallel_loop3A_418 : i32 to index
        %parallel_loop3A_508 = arith.constant 96 : index
        %parallel_loop3A_509 = tpu.vector_load %arg12[%parallel_loop3A_507, %parallel_loop3A_508] {strides = array<i32>} : memref<64x128xf32, #tpu.memory_space<vmem>>, vector<1x16xf32>,
        %parallel_loop3A_510 = vector.shape_cast %parallel_loop3A_509 : vector<1x16xf32> to vector<16xf32>
        %parallel_loop3A_511 = arith.addf %parallel_loop3A_506, %parallel_loop3A_510 : vector<16xf32>
        %parallel_loop3A_512 = arith.index_cast %parallel_loop3A_418 : i32 to index
        %parallel_loop3A_513 = arith.constant 96 : index
        %parallel_loop3A_514 = tpu.vector_load %arg8[%parallel_loop3A_512, %parallel_loop3A_513] {strides = array<i32>} : memref<64x128xf32, #tpu.memory_space<vmem>>, vector<1x16xf32>,
        %parallel_loop3A_515 = vector.shape_cast %parallel_loop3A_514 : vector<1x16xf32> to vector<16xf32>
        %parallel_loop3A_516 = vector.shape_cast %parallel_loop3A_511 : vector<16xf32> to vector<1x16xf32>
        tpu.vector_store %arg8[%parallel_loop3A_512, %parallel_loop3A_513], %parallel_loop3A_516 {strides = array<i32>} : memref<64x128xf32, #tpu.memory_space<vmem>>, vector<1x16xf32>,
        %parallel_loop3A_517 = arith.index_cast %parallel_loop3A_418 : i32 to index
        %parallel_loop3A_518 = arith.constant 112 : index
        %parallel_loop3A_519 = tpu.vector_load %arg8[%parallel_loop3A_517, %parallel_loop3A_518] {strides = array<i32>} : memref<64x128xf32, #tpu.memory_space<vmem>>, vector<1x16xf32>,
        %parallel_loop3A_520 = vector.shape_cast %parallel_loop3A_519 : vector<1x16xf32> to vector<16xf32>
        %parallel_loop3A_521 = arith.index_cast %parallel_loop3A_418 : i32 to index
        %parallel_loop3A_522 = arith.constant 112 : index
        %parallel_loop3A_523 = tpu.vector_load %arg12[%parallel_loop3A_521, %parallel_loop3A_522] {strides = array<i32>} : memref<64x128xf32, #tpu.memory_space<vmem>>, vector<1x16xf32>,
        %parallel_loop3A_524 = vector.shape_cast %parallel_loop3A_523 : vector<1x16xf32> to vector<16xf32>
        %parallel_loop3A_525 = arith.addf %parallel_loop3A_520, %parallel_loop3A_524 : vector<16xf32>
        %parallel_loop3A_526 = arith.index_cast %parallel_loop3A_418 : i32 to index
        %parallel_loop3A_527 = arith.constant 112 : index
        %parallel_loop3A_528 = tpu.vector_load %arg8[%parallel_loop3A_526, %parallel_loop3A_527] {strides = array<i32>} : memref<64x128xf32, #tpu.memory_space<vmem>>, vector<1x16xf32>,
        %parallel_loop3A_529 = vector.shape_cast %parallel_loop3A_528 : vector<1x16xf32> to vector<16xf32>
        %parallel_loop3A_530 = vector.shape_cast %parallel_loop3A_525 : vector<16xf32> to vector<1x16xf32>
        tpu.vector_store %arg8[%parallel_loop3A_526, %parallel_loop3A_527], %parallel_loop3A_530 {strides = array<i32>} : memref<64x128xf32, #tpu.memory_space<vmem>>, vector<1x16xf32>,
      } {sc.loop_unroll_factor = 4 : i64, sc.parallel_access}
      %convert_element_type3A_289 = arith.extui %ge3A_273 : i1 to i32
      %cond3A_290 = arith.constant 0 : i32
      %cond3A_291 = arith.cmpi ne, %convert_element_type3A_289, %cond3A_290 : i32
      scf.if %cond3A_291 {
        %dma_wait3A_418 = arith.constant 1 : i32
        %dma_wait3A_419 = arith.constant 0 : i32
        %dma_wait3A_420 = arith.constant 0 : i32
        %dma_wait3A_421 = tpu.memref_slice %arg5[%dma_wait3A_419, %dma_wait3A_420] : memref<204800x128xf32, #tpu.memory_space<hbm>> -> memref<64x128xf32, #tpu.memory_space<hbm>>
        %dma_wait3A_422 = arith.constant 0 : i32
        %dma_wait3A_423 = arith.constant 0 : i32
        %dma_wait3A_424 = tpu.memref_slice %arg15[%arg1, %dma_wait3A_418, %dma_wait3A_422, %dma_wait3A_423] : memref<16x4x64x128xf32, #tpu.memory_space<vmem_shared>> -> memref<1x1x64x128xf32, #tpu.memory_space<vmem_shared>>
        %dma_wait3A_425 = tpu.memref_squeeze %dma_wait3A_424 : memref<1x1x64x128xf32, #tpu.memory_space<vmem_shared>> -> memref<64x128xf32, #tpu.memory_space<vmem_shared>>
        tpu.wait_dma2 semaphore(%arg21 : memref<!tpu.dma_semaphore, #tpu.memory_space<semaphore_mem>>) src(%dma_wait3A_425 : memref<64x128xf32, #tpu.memory_space<vmem_shared>>) dst(%dma_wait3A_421 : memref<64x128xf32, #tpu.memory_space<hbm>>)
      } else {
      }
      %run_scoped3A_292 = arith.constant 1 : i32
      "tpu.region"() ({
        %run_scoped3A_418 = tpu.sem_alloc : memref<!tpu.dma_semaphore, #tpu.memory_space<semaphore_mem>>
        %dma_start3A_419 = arith.constant 0 : i32
        %dma_start3A_420 = arith.constant 0 : i32
        %dma_start3A_421 = tpu.memref_slice %arg15[%arg1, %run_scoped3A_292, %dma_start3A_419, %dma_start3A_420] : memref<16x4x64x128xf32, #tpu.memory_space<vmem_shared>> -> memref<1x1x64x128xf32, #tpu.memory_space<vmem_shared>>
        %dma_start3A_422 = tpu.memref_squeeze %dma_start3A_421 : memref<1x1x64x128xf32, #tpu.memory_space<vmem_shared>> -> memref<64x128xf32, #tpu.memory_space<vmem_shared>>
        %dma_start3A_423 = arith.constant 0 : i32
        %dma_start3A_424 = arith.constant 0 : i32
        %dma_start3A_425 = tpu.memref_slice %arg15[%arg1, %run_scoped3A_292, %dma_start3A_423, %dma_start3A_424] : memref<16x4x64x128xf32, #tpu.memory_space<vmem_shared>> -> memref<1x1x64x128xf32, #tpu.memory_space<vmem_shared>>
        %dma_start3A_426 = tpu.memref_squeeze %dma_start3A_425 : memref<1x1x64x128xf32, #tpu.memory_space<vmem_shared>> -> memref<64x128xf32, #tpu.memory_space<vmem_shared>>
        tpu.enqueue_dma source(%arg8 : memref<64x128xf32, #tpu.memory_space<vmem>>) target(%dma_start3A_426 : memref<64x128xf32, #tpu.memory_space<vmem_shared>>) target_semaphore(%run_scoped3A_418 : memref<!tpu.dma_semaphore, #tpu.memory_space<semaphore_mem>>)
        %dma_wait3A_427 = arith.constant 0 : i32
        %dma_wait3A_428 = arith.constant 0 : i32
        %dma_wait3A_429 = tpu.memref_slice %arg15[%arg1, %run_scoped3A_292, %dma_wait3A_427, %dma_wait3A_428] : memref<16x4x64x128xf32, #tpu.memory_space<vmem_shared>> -> memref<1x1x64x128xf32, #tpu.memory_space<vmem_shared>>
        %dma_wait3A_430 = tpu.memref_squeeze %dma_wait3A_429 : memref<1x1x64x128xf32, #tpu.memory_space<vmem_shared>> -> memref<64x128xf32, #tpu.memory_space<vmem_shared>>
        %dma_wait3A_431 = arith.constant 0 : i32
        %dma_wait3A_432 = arith.constant 0 : i32
        %dma_wait3A_433 = tpu.memref_slice %arg15[%arg1, %run_scoped3A_292, %dma_wait3A_431, %dma_wait3A_432] : memref<16x4x64x128xf32, #tpu.memory_space<vmem_shared>> -> memref<1x1x64x128xf32, #tpu.memory_space<vmem_shared>>
        %dma_wait3A_434 = tpu.memref_squeeze %dma_wait3A_433 : memref<1x1x64x128xf32, #tpu.memory_space<vmem_shared>> -> memref<64x128xf32, #tpu.memory_space<vmem_shared>>
        tpu.wait_dma2 semaphore(%run_scoped3A_418 : memref<!tpu.dma_semaphore, #tpu.memory_space<semaphore_mem>>) src(%arg8 : memref<64x128xf32, #tpu.memory_space<vmem>>) dst(%dma_wait3A_434 : memref<64x128xf32, #tpu.memory_space<vmem_shared>>)
        tpu.yield
      }) : () -> ()
      %mul3A_293 = arith.constant 64 : i32
      %mul3A_294 = arith.muli %add3A_271, %mul3A_293 : i32
      %add3A_295 = arith.addi %mul3A_2, %mul3A_294 : i32
      %dma_start3A_296 = arith.constant 1 : i32
      %dma_start3A_297 = arith.constant 0 : i32
      %dma_start3A_298 = tpu.memref_slice %arg5[%add3A_295, %dma_start3A_297] : memref<204800x128xf32, #tpu.memory_space<hbm>> -> memref<64x128xf32, #tpu.memory_space<hbm>>
      %dma_start3A_299 = arith.constant 0 : i32
      %dma_start3A_300 = arith.constant 0 : i32
      %dma_start3A_301 = tpu.memref_slice %arg15[%arg1, %dma_start3A_296, %dma_start3A_299, %dma_start3A_300] : memref<16x4x64x128xf32, #tpu.memory_space<vmem_shared>> -> memref<1x1x64x128xf32, #tpu.memory_space<vmem_shared>>
      %dma_start3A_302 = tpu.memref_squeeze %dma_start3A_301 : memref<1x1x64x128xf32, #tpu.memory_space<vmem_shared>> -> memref<64x128xf32, #tpu.memory_space<vmem_shared>>
      tpu.enqueue_dma source(%dma_start3A_302 : memref<64x128xf32, #tpu.memory_space<vmem_shared>>) target(%dma_start3A_298 : memref<64x128xf32, #tpu.memory_space<hbm>>) target_semaphore(%arg21 : memref<!tpu.dma_semaphore, #tpu.memory_space<semaphore_mem>>)
      %add3A_303 = arith.constant 3 : i32
      %add3A_304 = arith.addi %add3A_271, %add3A_303 : i32
      %mul3A_305 = arith.constant 64 : i32
      %mul3A_306 = arith.muli %add3A_304, %mul3A_305 : i32
      %add3A_307 = arith.addi %mul3A_2, %mul3A_306 : i32
      %dma_start3A_308 = arith.constant 0 : i32
      %dma_start3A_309 = tpu.memref_slice %arg2[%add3A_307, %dma_start3A_308] : memref<204800x128xf32, #tpu.memory_space<hbm>> -> memref<64x128xf32, #tpu.memory_space<hbm>>
      %dma_start3A_310 = arith.constant 0 : i32
      %dma_start3A_311 = tpu.memref_slice %arg2[%add3A_307, %dma_start3A_310] : memref<204800x128xf32, #tpu.memory_space<hbm>> -> memref<64x128xf32, #tpu.memory_space<hbm>>
      tpu.enqueue_dma source(%dma_start3A_311 : memref<64x128xf32, #tpu.memory_space<hbm>>) target(%arg7 : memref<64x128xf32, #tpu.memory_space<vmem>>) target_semaphore(%arg16 : memref<!tpu.dma_semaphore, #tpu.memory_space<semaphore_mem>>)
      %dma_start3A_312 = arith.constant 0 : i32
      %dma_start3A_313 = tpu.memref_slice %arg6[%add3A_304, %dma_start3A_312] : memref<100x64xi32, #tpu.memory_space<vmem>> -> memref<1x64xi32, #tpu.memory_space<vmem>>
      %dma_start3A_314 = tpu.memref_squeeze %dma_start3A_313 : memref<1x64xi32, #tpu.memory_space<vmem>> -> memref<64xi32, #tpu.memory_space<vmem>>
      %dma_start3A_315 = arith.constant 0 : i32
      %dma_start3A_316 = arith.constant 0 : i32
      %dma_start3A_317 = tpu.memref_slice %arg4[%dma_start3A_315, %dma_start3A_316] : memref<100000x128xf32, #tpu.memory_space<hbm>> -> memref<100000x128xf32, #tpu.memory_space<hbm>>
      tpu.enqueue_indirect_dma source(%dma_start3A_317 : memref<100000x128xf32, #tpu.memory_space<hbm>>) target(%arg11 : memref<64x128xf32, #tpu.memory_space<vmem>>) offsets(%dma_start3A_314 : memref<64xi32, #tpu.memory_space<vmem>>) semaphore(%arg16 : memref<!tpu.dma_semaphore, #tpu.memory_space<semaphore_mem>>)
      %mul3A_318 = arith.constant 4 : i32
      %mul3A_319 = arith.muli %scan3A_220, %mul3A_318 : i32
      %add3A_320 = arith.constant 2 : i32
      %add3A_321 = arith.addi %mul3A_319, %add3A_320 : i32
      %ge3A_322 = arith.constant 1 : i32
      %ge3A_323 = arith.cmpi sge, %scan3A_220, %ge3A_322 : i32
      %dma_wait3A_324 = arith.constant 0 : i32
      %dma_wait3A_325 = arith.constant 0 : i32
      %dma_wait3A_326 = tpu.memref_slice %arg2[%dma_wait3A_324, %dma_wait3A_325] : memref<204800x128xf32, #tpu.memory_space<hbm>> -> memref<64x128xf32, #tpu.memory_space<hbm>>
      %dma_wait3A_327 = arith.constant 0 : i32
      %dma_wait3A_328 = arith.constant 0 : i32
      %dma_wait3A_329 = tpu.memref_slice %arg2[%dma_wait3A_327, %dma_wait3A_328] : memref<204800x128xf32, #tpu.memory_space<hbm>> -> memref<64x128xf32, #tpu.memory_space<hbm>>
      tpu.wait_dma2 semaphore(%arg18 : memref<!tpu.dma_semaphore, #tpu.memory_space<semaphore_mem>>) src(%dma_wait3A_329 : memref<64x128xf32, #tpu.memory_space<hbm>>) dst(%arg9 : memref<64x128xf32, #tpu.memory_space<vmem>>)
      %dma_wait3A_330 = arith.constant 0 : i32
      %dma_wait3A_331 = arith.constant 0 : i32
      %dma_wait3A_332 = tpu.memref_slice %arg2[%dma_wait3A_330, %dma_wait3A_331] : memref<204800x128xf32, #tpu.memory_space<hbm>> -> memref<64x128xf32, #tpu.memory_space<hbm>>
      %dma_wait3A_333 = arith.constant 0 : i32
      %dma_wait3A_334 = arith.constant 0 : i32
      %dma_wait3A_335 = tpu.memref_slice %arg2[%dma_wait3A_333, %dma_wait3A_334] : memref<204800x128xf32, #tpu.memory_space<hbm>> -> memref<64x128xf32, #tpu.memory_space<hbm>>
      tpu.wait_dma2 semaphore(%arg18 : memref<!tpu.dma_semaphore, #tpu.memory_space<semaphore_mem>>) src(%dma_wait3A_335 : memref<64x128xf32, #tpu.memory_space<hbm>>) dst(%arg13 : memref<64x128xf32, #tpu.memory_space<vmem>>)
      %parallel_loop3A_336 = arith.constant 0 : i32
      %parallel_loop3A_337 = arith.constant 64 : i32
      %parallel_loop3A_338 = arith.constant 1 : i32
      scf.for %parallel_loop3A_418 = %parallel_loop3A_336 to %parallel_loop3A_337 step %parallel_loop3A_338  : i32 {
        %parallel_loop3A_419 = arith.index_cast %parallel_loop3A_418 : i32 to index
        %parallel_loop3A_420 = arith.constant 0 : index
        %parallel_loop3A_421 = tpu.vector_load %arg9[%parallel_loop3A_419, %parallel_loop3A_420] {strides = array<i32>} : memref<64x128xf32, #tpu.memory_space<vmem>>, vector<1x16xf32>,
        %parallel_loop3A_422 = vector.shape_cast %parallel_loop3A_421 : vector<1x16xf32> to vector<16xf32>
        %parallel_loop3A_423 = arith.index_cast %parallel_loop3A_418 : i32 to index
        %parallel_loop3A_424 = arith.constant 0 : index
        %parallel_loop3A_425 = tpu.vector_load %arg13[%parallel_loop3A_423, %parallel_loop3A_424] {strides = array<i32>} : memref<64x128xf32, #tpu.memory_space<vmem>>, vector<1x16xf32>,
        %parallel_loop3A_426 = vector.shape_cast %parallel_loop3A_425 : vector<1x16xf32> to vector<16xf32>
        %parallel_loop3A_427 = arith.addf %parallel_loop3A_422, %parallel_loop3A_426 : vector<16xf32>
        %parallel_loop3A_428 = arith.index_cast %parallel_loop3A_418 : i32 to index
        %parallel_loop3A_429 = arith.constant 0 : index
        %parallel_loop3A_430 = tpu.vector_load %arg9[%parallel_loop3A_428, %parallel_loop3A_429] {strides = array<i32>} : memref<64x128xf32, #tpu.memory_space<vmem>>, vector<1x16xf32>,
        %parallel_loop3A_431 = vector.shape_cast %parallel_loop3A_430 : vector<1x16xf32> to vector<16xf32>
        %parallel_loop3A_432 = vector.shape_cast %parallel_loop3A_427 : vector<16xf32> to vector<1x16xf32>
        tpu.vector_store %arg9[%parallel_loop3A_428, %parallel_loop3A_429], %parallel_loop3A_432 {strides = array<i32>} : memref<64x128xf32, #tpu.memory_space<vmem>>, vector<1x16xf32>,
        %parallel_loop3A_433 = arith.index_cast %parallel_loop3A_418 : i32 to index
        %parallel_loop3A_434 = arith.constant 16 : index
        %parallel_loop3A_435 = tpu.vector_load %arg9[%parallel_loop3A_433, %parallel_loop3A_434] {strides = array<i32>} : memref<64x128xf32, #tpu.memory_space<vmem>>, vector<1x16xf32>,
        %parallel_loop3A_436 = vector.shape_cast %parallel_loop3A_435 : vector<1x16xf32> to vector<16xf32>
        %parallel_loop3A_437 = arith.index_cast %parallel_loop3A_418 : i32 to index
        %parallel_loop3A_438 = arith.constant 16 : index
        %parallel_loop3A_439 = tpu.vector_load %arg13[%parallel_loop3A_437, %parallel_loop3A_438] {strides = array<i32>} : memref<64x128xf32, #tpu.memory_space<vmem>>, vector<1x16xf32>,
        %parallel_loop3A_440 = vector.shape_cast %parallel_loop3A_439 : vector<1x16xf32> to vector<16xf32>
        %parallel_loop3A_441 = arith.addf %parallel_loop3A_436, %parallel_loop3A_440 : vector<16xf32>
        %parallel_loop3A_442 = arith.index_cast %parallel_loop3A_418 : i32 to index
        %parallel_loop3A_443 = arith.constant 16 : index
        %parallel_loop3A_444 = tpu.vector_load %arg9[%parallel_loop3A_442, %parallel_loop3A_443] {strides = array<i32>} : memref<64x128xf32, #tpu.memory_space<vmem>>, vector<1x16xf32>,
        %parallel_loop3A_445 = vector.shape_cast %parallel_loop3A_444 : vector<1x16xf32> to vector<16xf32>
        %parallel_loop3A_446 = vector.shape_cast %parallel_loop3A_441 : vector<16xf32> to vector<1x16xf32>
        tpu.vector_store %arg9[%parallel_loop3A_442, %parallel_loop3A_443], %parallel_loop3A_446 {strides = array<i32>} : memref<64x128xf32, #tpu.memory_space<vmem>>, vector<1x16xf32>,
        %parallel_loop3A_447 = arith.index_cast %parallel_loop3A_418 : i32 to index
        %parallel_loop3A_448 = arith.constant 32 : index
        %parallel_loop3A_449 = tpu.vector_load %arg9[%parallel_loop3A_447, %parallel_loop3A_448] {strides = array<i32>} : memref<64x128xf32, #tpu.memory_space<vmem>>, vector<1x16xf32>,
        %parallel_loop3A_450 = vector.shape_cast %parallel_loop3A_449 : vector<1x16xf32> to vector<16xf32>
        %parallel_loop3A_451 = arith.index_cast %parallel_loop3A_418 : i32 to index
        %parallel_loop3A_452 = arith.constant 32 : index
        %parallel_loop3A_453 = tpu.vector_load %arg13[%parallel_loop3A_451, %parallel_loop3A_452] {strides = array<i32>} : memref<64x128xf32, #tpu.memory_space<vmem>>, vector<1x16xf32>,
        %parallel_loop3A_454 = vector.shape_cast %parallel_loop3A_453 : vector<1x16xf32> to vector<16xf32>
        %parallel_loop3A_455 = arith.addf %parallel_loop3A_450, %parallel_loop3A_454 : vector<16xf32>
        %parallel_loop3A_456 = arith.index_cast %parallel_loop3A_418 : i32 to index
        %parallel_loop3A_457 = arith.constant 32 : index
        %parallel_loop3A_458 = tpu.vector_load %arg9[%parallel_loop3A_456, %parallel_loop3A_457] {strides = array<i32>} : memref<64x128xf32, #tpu.memory_space<vmem>>, vector<1x16xf32>,
        %parallel_loop3A_459 = vector.shape_cast %parallel_loop3A_458 : vector<1x16xf32> to vector<16xf32>
        %parallel_loop3A_460 = vector.shape_cast %parallel_loop3A_455 : vector<16xf32> to vector<1x16xf32>
        tpu.vector_store %arg9[%parallel_loop3A_456, %parallel_loop3A_457], %parallel_loop3A_460 {strides = array<i32>} : memref<64x128xf32, #tpu.memory_space<vmem>>, vector<1x16xf32>,
        %parallel_loop3A_461 = arith.index_cast %parallel_loop3A_418 : i32 to index
        %parallel_loop3A_462 = arith.constant 48 : index
        %parallel_loop3A_463 = tpu.vector_load %arg9[%parallel_loop3A_461, %parallel_loop3A_462] {strides = array<i32>} : memref<64x128xf32, #tpu.memory_space<vmem>>, vector<1x16xf32>,
        %parallel_loop3A_464 = vector.shape_cast %parallel_loop3A_463 : vector<1x16xf32> to vector<16xf32>
        %parallel_loop3A_465 = arith.index_cast %parallel_loop3A_418 : i32 to index
        %parallel_loop3A_466 = arith.constant 48 : index
        %parallel_loop3A_467 = tpu.vector_load %arg13[%parallel_loop3A_465, %parallel_loop3A_466] {strides = array<i32>} : memref<64x128xf32, #tpu.memory_space<vmem>>, vector<1x16xf32>,
        %parallel_loop3A_468 = vector.shape_cast %parallel_loop3A_467 : vector<1x16xf32> to vector<16xf32>
        %parallel_loop3A_469 = arith.addf %parallel_loop3A_464, %parallel_loop3A_468 : vector<16xf32>
        %parallel_loop3A_470 = arith.index_cast %parallel_loop3A_418 : i32 to index
        %parallel_loop3A_471 = arith.constant 48 : index
        %parallel_loop3A_472 = tpu.vector_load %arg9[%parallel_loop3A_470, %parallel_loop3A_471] {strides = array<i32>} : memref<64x128xf32, #tpu.memory_space<vmem>>, vector<1x16xf32>,
        %parallel_loop3A_473 = vector.shape_cast %parallel_loop3A_472 : vector<1x16xf32> to vector<16xf32>
        %parallel_loop3A_474 = vector.shape_cast %parallel_loop3A_469 : vector<16xf32> to vector<1x16xf32>
        tpu.vector_store %arg9[%parallel_loop3A_470, %parallel_loop3A_471], %parallel_loop3A_474 {strides = array<i32>} : memref<64x128xf32, #tpu.memory_space<vmem>>, vector<1x16xf32>,
        %parallel_loop3A_475 = arith.index_cast %parallel_loop3A_418 : i32 to index
        %parallel_loop3A_476 = arith.constant 64 : index
        %parallel_loop3A_477 = tpu.vector_load %arg9[%parallel_loop3A_475, %parallel_loop3A_476] {strides = array<i32>} : memref<64x128xf32, #tpu.memory_space<vmem>>, vector<1x16xf32>,
        %parallel_loop3A_478 = vector.shape_cast %parallel_loop3A_477 : vector<1x16xf32> to vector<16xf32>
        %parallel_loop3A_479 = arith.index_cast %parallel_loop3A_418 : i32 to index
        %parallel_loop3A_480 = arith.constant 64 : index
        %parallel_loop3A_481 = tpu.vector_load %arg13[%parallel_loop3A_479, %parallel_loop3A_480] {strides = array<i32>} : memref<64x128xf32, #tpu.memory_space<vmem>>, vector<1x16xf32>,
        %parallel_loop3A_482 = vector.shape_cast %parallel_loop3A_481 : vector<1x16xf32> to vector<16xf32>
        %parallel_loop3A_483 = arith.addf %parallel_loop3A_478, %parallel_loop3A_482 : vector<16xf32>
        %parallel_loop3A_484 = arith.index_cast %parallel_loop3A_418 : i32 to index
        %parallel_loop3A_485 = arith.constant 64 : index
        %parallel_loop3A_486 = tpu.vector_load %arg9[%parallel_loop3A_484, %parallel_loop3A_485] {strides = array<i32>} : memref<64x128xf32, #tpu.memory_space<vmem>>, vector<1x16xf32>,
        %parallel_loop3A_487 = vector.shape_cast %parallel_loop3A_486 : vector<1x16xf32> to vector<16xf32>
        %parallel_loop3A_488 = vector.shape_cast %parallel_loop3A_483 : vector<16xf32> to vector<1x16xf32>
        tpu.vector_store %arg9[%parallel_loop3A_484, %parallel_loop3A_485], %parallel_loop3A_488 {strides = array<i32>} : memref<64x128xf32, #tpu.memory_space<vmem>>, vector<1x16xf32>,
        %parallel_loop3A_489 = arith.index_cast %parallel_loop3A_418 : i32 to index
        %parallel_loop3A_490 = arith.constant 80 : index
        %parallel_loop3A_491 = tpu.vector_load %arg9[%parallel_loop3A_489, %parallel_loop3A_490] {strides = array<i32>} : memref<64x128xf32, #tpu.memory_space<vmem>>, vector<1x16xf32>,
        %parallel_loop3A_492 = vector.shape_cast %parallel_loop3A_491 : vector<1x16xf32> to vector<16xf32>
        %parallel_loop3A_493 = arith.index_cast %parallel_loop3A_418 : i32 to index
        %parallel_loop3A_494 = arith.constant 80 : index
        %parallel_loop3A_495 = tpu.vector_load %arg13[%parallel_loop3A_493, %parallel_loop3A_494] {strides = array<i32>} : memref<64x128xf32, #tpu.memory_space<vmem>>, vector<1x16xf32>,
        %parallel_loop3A_496 = vector.shape_cast %parallel_loop3A_495 : vector<1x16xf32> to vector<16xf32>
        %parallel_loop3A_497 = arith.addf %parallel_loop3A_492, %parallel_loop3A_496 : vector<16xf32>
        %parallel_loop3A_498 = arith.index_cast %parallel_loop3A_418 : i32 to index
        %parallel_loop3A_499 = arith.constant 80 : index
        %parallel_loop3A_500 = tpu.vector_load %arg9[%parallel_loop3A_498, %parallel_loop3A_499] {strides = array<i32>} : memref<64x128xf32, #tpu.memory_space<vmem>>, vector<1x16xf32>,
        %parallel_loop3A_501 = vector.shape_cast %parallel_loop3A_500 : vector<1x16xf32> to vector<16xf32>
        %parallel_loop3A_502 = vector.shape_cast %parallel_loop3A_497 : vector<16xf32> to vector<1x16xf32>
        tpu.vector_store %arg9[%parallel_loop3A_498, %parallel_loop3A_499], %parallel_loop3A_502 {strides = array<i32>} : memref<64x128xf32, #tpu.memory_space<vmem>>, vector<1x16xf32>,
        %parallel_loop3A_503 = arith.index_cast %parallel_loop3A_418 : i32 to index
        %parallel_loop3A_504 = arith.constant 96 : index
        %parallel_loop3A_505 = tpu.vector_load %arg9[%parallel_loop3A_503, %parallel_loop3A_504] {strides = array<i32>} : memref<64x128xf32, #tpu.memory_space<vmem>>, vector<1x16xf32>,
        %parallel_loop3A_506 = vector.shape_cast %parallel_loop3A_505 : vector<1x16xf32> to vector<16xf32>
        %parallel_loop3A_507 = arith.index_cast %parallel_loop3A_418 : i32 to index
        %parallel_loop3A_508 = arith.constant 96 : index
        %parallel_loop3A_509 = tpu.vector_load %arg13[%parallel_loop3A_507, %parallel_loop3A_508] {strides = array<i32>} : memref<64x128xf32, #tpu.memory_space<vmem>>, vector<1x16xf32>,
        %parallel_loop3A_510 = vector.shape_cast %parallel_loop3A_509 : vector<1x16xf32> to vector<16xf32>
        %parallel_loop3A_511 = arith.addf %parallel_loop3A_506, %parallel_loop3A_510 : vector<16xf32>
        %parallel_loop3A_512 = arith.index_cast %parallel_loop3A_418 : i32 to index
        %parallel_loop3A_513 = arith.constant 96 : index
        %parallel_loop3A_514 = tpu.vector_load %arg9[%parallel_loop3A_512, %parallel_loop3A_513] {strides = array<i32>} : memref<64x128xf32, #tpu.memory_space<vmem>>, vector<1x16xf32>,
        %parallel_loop3A_515 = vector.shape_cast %parallel_loop3A_514 : vector<1x16xf32> to vector<16xf32>
        %parallel_loop3A_516 = vector.shape_cast %parallel_loop3A_511 : vector<16xf32> to vector<1x16xf32>
        tpu.vector_store %arg9[%parallel_loop3A_512, %parallel_loop3A_513], %parallel_loop3A_516 {strides = array<i32>} : memref<64x128xf32, #tpu.memory_space<vmem>>, vector<1x16xf32>,
        %parallel_loop3A_517 = arith.index_cast %parallel_loop3A_418 : i32 to index
        %parallel_loop3A_518 = arith.constant 112 : index
        %parallel_loop3A_519 = tpu.vector_load %arg9[%parallel_loop3A_517, %parallel_loop3A_518] {strides = array<i32>} : memref<64x128xf32, #tpu.memory_space<vmem>>, vector<1x16xf32>,
        %parallel_loop3A_520 = vector.shape_cast %parallel_loop3A_519 : vector<1x16xf32> to vector<16xf32>
        %parallel_loop3A_521 = arith.index_cast %parallel_loop3A_418 : i32 to index
        %parallel_loop3A_522 = arith.constant 112 : index
        %parallel_loop3A_523 = tpu.vector_load %arg13[%parallel_loop3A_521, %parallel_loop3A_522] {strides = array<i32>} : memref<64x128xf32, #tpu.memory_space<vmem>>, vector<1x16xf32>,
        %parallel_loop3A_524 = vector.shape_cast %parallel_loop3A_523 : vector<1x16xf32> to vector<16xf32>
        %parallel_loop3A_525 = arith.addf %parallel_loop3A_520, %parallel_loop3A_524 : vector<16xf32>
        %parallel_loop3A_526 = arith.index_cast %parallel_loop3A_418 : i32 to index
        %parallel_loop3A_527 = arith.constant 112 : index
        %parallel_loop3A_528 = tpu.vector_load %arg9[%parallel_loop3A_526, %parallel_loop3A_527] {strides = array<i32>} : memref<64x128xf32, #tpu.memory_space<vmem>>, vector<1x16xf32>,
        %parallel_loop3A_529 = vector.shape_cast %parallel_loop3A_528 : vector<1x16xf32> to vector<16xf32>
        %parallel_loop3A_530 = vector.shape_cast %parallel_loop3A_525 : vector<16xf32> to vector<1x16xf32>
        tpu.vector_store %arg9[%parallel_loop3A_526, %parallel_loop3A_527], %parallel_loop3A_530 {strides = array<i32>} : memref<64x128xf32, #tpu.memory_space<vmem>>, vector<1x16xf32>,
      } {sc.loop_unroll_factor = 4 : i64, sc.parallel_access}
      %convert_element_type3A_339 = arith.extui %ge3A_323 : i1 to i32
      %cond3A_340 = arith.constant 0 : i32
      %cond3A_341 = arith.cmpi ne, %convert_element_type3A_339, %cond3A_340 : i32
      scf.if %cond3A_341 {
        %dma_wait3A_418 = arith.constant 2 : i32
        %dma_wait3A_419 = arith.constant 0 : i32
        %dma_wait3A_420 = arith.constant 0 : i32
        %dma_wait3A_421 = tpu.memref_slice %arg5[%dma_wait3A_419, %dma_wait3A_420] : memref<204800x128xf32, #tpu.memory_space<hbm>> -> memref<64x128xf32, #tpu.memory_space<hbm>>
        %dma_wait3A_422 = arith.constant 0 : i32
        %dma_wait3A_423 = arith.constant 0 : i32
        %dma_wait3A_424 = tpu.memref_slice %arg15[%arg1, %dma_wait3A_418, %dma_wait3A_422, %dma_wait3A_423] : memref<16x4x64x128xf32, #tpu.memory_space<vmem_shared>> -> memref<1x1x64x128xf32, #tpu.memory_space<vmem_shared>>
        %dma_wait3A_425 = tpu.memref_squeeze %dma_wait3A_424 : memref<1x1x64x128xf32, #tpu.memory_space<vmem_shared>> -> memref<64x128xf32, #tpu.memory_space<vmem_shared>>
        tpu.wait_dma2 semaphore(%arg22 : memref<!tpu.dma_semaphore, #tpu.memory_space<semaphore_mem>>) src(%dma_wait3A_425 : memref<64x128xf32, #tpu.memory_space<vmem_shared>>) dst(%dma_wait3A_421 : memref<64x128xf32, #tpu.memory_space<hbm>>)
      } else {
      }
      %run_scoped3A_342 = arith.constant 2 : i32
      "tpu.region"() ({
        %run_scoped3A_418 = tpu.sem_alloc : memref<!tpu.dma_semaphore, #tpu.memory_space<semaphore_mem>>
        %dma_start3A_419 = arith.constant 0 : i32
        %dma_start3A_420 = arith.constant 0 : i32
        %dma_start3A_421 = tpu.memref_slice %arg15[%arg1, %run_scoped3A_342, %dma_start3A_419, %dma_start3A_420] : memref<16x4x64x128xf32, #tpu.memory_space<vmem_shared>> -> memref<1x1x64x128xf32, #tpu.memory_space<vmem_shared>>
        %dma_start3A_422 = tpu.memref_squeeze %dma_start3A_421 : memref<1x1x64x128xf32, #tpu.memory_space<vmem_shared>> -> memref<64x128xf32, #tpu.memory_space<vmem_shared>>
        %dma_start3A_423 = arith.constant 0 : i32
        %dma_start3A_424 = arith.constant 0 : i32
        %dma_start3A_425 = tpu.memref_slice %arg15[%arg1, %run_scoped3A_342, %dma_start3A_423, %dma_start3A_424] : memref<16x4x64x128xf32, #tpu.memory_space<vmem_shared>> -> memref<1x1x64x128xf32, #tpu.memory_space<vmem_shared>>
        %dma_start3A_426 = tpu.memref_squeeze %dma_start3A_425 : memref<1x1x64x128xf32, #tpu.memory_space<vmem_shared>> -> memref<64x128xf32, #tpu.memory_space<vmem_shared>>
        tpu.enqueue_dma source(%arg9 : memref<64x128xf32, #tpu.memory_space<vmem>>) target(%dma_start3A_426 : memref<64x128xf32, #tpu.memory_space<vmem_shared>>) target_semaphore(%run_scoped3A_418 : memref<!tpu.dma_semaphore, #tpu.memory_space<semaphore_mem>>)
        %dma_wait3A_427 = arith.constant 0 : i32
        %dma_wait3A_428 = arith.constant 0 : i32
        %dma_wait3A_429 = tpu.memref_slice %arg15[%arg1, %run_scoped3A_342, %dma_wait3A_427, %dma_wait3A_428] : memref<16x4x64x128xf32, #tpu.memory_space<vmem_shared>> -> memref<1x1x64x128xf32, #tpu.memory_space<vmem_shared>>
        %dma_wait3A_430 = tpu.memref_squeeze %dma_wait3A_429 : memref<1x1x64x128xf32, #tpu.memory_space<vmem_shared>> -> memref<64x128xf32, #tpu.memory_space<vmem_shared>>
        %dma_wait3A_431 = arith.constant 0 : i32
        %dma_wait3A_432 = arith.constant 0 : i32
        %dma_wait3A_433 = tpu.memref_slice %arg15[%arg1, %run_scoped3A_342, %dma_wait3A_431, %dma_wait3A_432] : memref<16x4x64x128xf32, #tpu.memory_space<vmem_shared>> -> memref<1x1x64x128xf32, #tpu.memory_space<vmem_shared>>
        %dma_wait3A_434 = tpu.memref_squeeze %dma_wait3A_433 : memref<1x1x64x128xf32, #tpu.memory_space<vmem_shared>> -> memref<64x128xf32, #tpu.memory_space<vmem_shared>>
        tpu.wait_dma2 semaphore(%run_scoped3A_418 : memref<!tpu.dma_semaphore, #tpu.memory_space<semaphore_mem>>) src(%arg9 : memref<64x128xf32, #tpu.memory_space<vmem>>) dst(%dma_wait3A_434 : memref<64x128xf32, #tpu.memory_space<vmem_shared>>)
        tpu.yield
      }) : () -> ()
      %mul3A_343 = arith.constant 64 : i32
      %mul3A_344 = arith.muli %add3A_321, %mul3A_343 : i32
      %add3A_345 = arith.addi %mul3A_2, %mul3A_344 : i32
      %dma_start3A_346 = arith.constant 2 : i32
      %dma_start3A_347 = arith.constant 0 : i32
      %dma_start3A_348 = tpu.memref_slice %arg5[%add3A_345, %dma_start3A_347] : memref<204800x128xf32, #tpu.memory_space<hbm>> -> memref<64x128xf32, #tpu.memory_space<hbm>>
      %dma_start3A_349 = arith.constant 0 : i32
      %dma_start3A_350 = arith.constant 0 : i32
      %dma_start3A_351 = tpu.memref_slice %arg15[%arg1, %dma_start3A_346, %dma_start3A_349, %dma_start3A_350] : memref<16x4x64x128xf32, #tpu.memory_space<vmem_shared>> -> memref<1x1x64x128xf32, #tpu.memory_space<vmem_shared>>
      %dma_start3A_352 = tpu.memref_squeeze %dma_start3A_351 : memref<1x1x64x128xf32, #tpu.memory_space<vmem_shared>> -> memref<64x128xf32, #tpu.memory_space<vmem_shared>>
      tpu.enqueue_dma source(%dma_start3A_352 : memref<64x128xf32, #tpu.memory_space<vmem_shared>>) target(%dma_start3A_348 : memref<64x128xf32, #tpu.memory_space<hbm>>) target_semaphore(%arg22 : memref<!tpu.dma_semaphore, #tpu.memory_space<semaphore_mem>>)
      %add3A_353 = arith.constant 3 : i32
      %add3A_354 = arith.addi %add3A_321, %add3A_353 : i32
      %mul3A_355 = arith.constant 64 : i32
      %mul3A_356 = arith.muli %add3A_354, %mul3A_355 : i32
      %add3A_357 = arith.addi %mul3A_2, %mul3A_356 : i32
      %dma_start3A_358 = arith.constant 0 : i32
      %dma_start3A_359 = tpu.memref_slice %arg2[%add3A_357, %dma_start3A_358] : memref<204800x128xf32, #tpu.memory_space<hbm>> -> memref<64x128xf32, #tpu.memory_space<hbm>>
      %dma_start3A_360 = arith.constant 0 : i32
      %dma_start3A_361 = tpu.memref_slice %arg2[%add3A_357, %dma_start3A_360] : memref<204800x128xf32, #tpu.memory_space<hbm>> -> memref<64x128xf32, #tpu.memory_space<hbm>>
      tpu.enqueue_dma source(%dma_start3A_361 : memref<64x128xf32, #tpu.memory_space<hbm>>) target(%arg8 : memref<64x128xf32, #tpu.memory_space<vmem>>) target_semaphore(%arg17 : memref<!tpu.dma_semaphore, #tpu.memory_space<semaphore_mem>>)
      %dma_start3A_362 = arith.constant 0 : i32
      %dma_start3A_363 = tpu.memref_slice %arg6[%add3A_354, %dma_start3A_362] : memref<100x64xi32, #tpu.memory_space<vmem>> -> memref<1x64xi32, #tpu.memory_space<vmem>>
      %dma_start3A_364 = tpu.memref_squeeze %dma_start3A_363 : memref<1x64xi32, #tpu.memory_space<vmem>> -> memref<64xi32, #tpu.memory_space<vmem>>
      %dma_start3A_365 = arith.constant 0 : i32
      %dma_start3A_366 = arith.constant 0 : i32
      %dma_start3A_367 = tpu.memref_slice %arg4[%dma_start3A_365, %dma_start3A_366] : memref<100000x128xf32, #tpu.memory_space<hbm>> -> memref<100000x128xf32, #tpu.memory_space<hbm>>
      tpu.enqueue_indirect_dma source(%dma_start3A_367 : memref<100000x128xf32, #tpu.memory_space<hbm>>) target(%arg12 : memref<64x128xf32, #tpu.memory_space<vmem>>) offsets(%dma_start3A_364 : memref<64xi32, #tpu.memory_space<vmem>>) semaphore(%arg17 : memref<!tpu.dma_semaphore, #tpu.memory_space<semaphore_mem>>)
      %mul3A_368 = arith.constant 4 : i32
      %mul3A_369 = arith.muli %scan3A_220, %mul3A_368 : i32
      %add3A_370 = arith.constant 3 : i32
      %add3A_371 = arith.addi %mul3A_369, %add3A_370 : i32
      %ge3A_372 = arith.constant 1 : i32
      %ge3A_373 = arith.cmpi sge, %scan3A_220, %ge3A_372 : i32
      %dma_wait3A_374 = arith.constant 0 : i32
      %dma_wait3A_375 = arith.constant 0 : i32
      %dma_wait3A_376 = tpu.memref_slice %arg2[%dma_wait3A_374, %dma_wait3A_375] : memref<204800x128xf32, #tpu.memory_space<hbm>> -> memref<64x128xf32, #tpu.memory_space<hbm>>
      %dma_wait3A_377 = arith.constant 0 : i32
      %dma_wait3A_378 = arith.constant 0 : i32
      %dma_wait3A_379 = tpu.memref_slice %arg2[%dma_wait3A_377, %dma_wait3A_378] : memref<204800x128xf32, #tpu.memory_space<hbm>> -> memref<64x128xf32, #tpu.memory_space<hbm>>
      tpu.wait_dma2 semaphore(%arg19 : memref<!tpu.dma_semaphore, #tpu.memory_space<semaphore_mem>>) src(%dma_wait3A_379 : memref<64x128xf32, #tpu.memory_space<hbm>>) dst(%arg10 : memref<64x128xf32, #tpu.memory_space<vmem>>)
      %dma_wait3A_380 = arith.constant 0 : i32
      %dma_wait3A_381 = arith.constant 0 : i32
      %dma_wait3A_382 = tpu.memref_slice %arg2[%dma_wait3A_380, %dma_wait3A_381] : memref<204800x128xf32, #tpu.memory_space<hbm>> -> memref<64x128xf32, #tpu.memory_space<hbm>>
      %dma_wait3A_383 = arith.constant 0 : i32
      %dma_wait3A_384 = arith.constant 0 : i32
      %dma_wait3A_385 = tpu.memref_slice %arg2[%dma_wait3A_383, %dma_wait3A_384] : memref<204800x128xf32, #tpu.memory_space<hbm>> -> memref<64x128xf32, #tpu.memory_space<hbm>>
      tpu.wait_dma2 semaphore(%arg19 : memref<!tpu.dma_semaphore, #tpu.memory_space<semaphore_mem>>) src(%dma_wait3A_385 : memref<64x128xf32, #tpu.memory_space<hbm>>) dst(%arg14 : memref<64x128xf32, #tpu.memory_space<vmem>>)
      %parallel_loop3A_386 = arith.constant 0 : i32
      %parallel_loop3A_387 = arith.constant 64 : i32
      %parallel_loop3A_388 = arith.constant 1 : i32
      scf.for %parallel_loop3A_418 = %parallel_loop3A_386 to %parallel_loop3A_387 step %parallel_loop3A_388  : i32 {
        %parallel_loop3A_419 = arith.index_cast %parallel_loop3A_418 : i32 to index
        %parallel_loop3A_420 = arith.constant 0 : index
        %parallel_loop3A_421 = tpu.vector_load %arg10[%parallel_loop3A_419, %parallel_loop3A_420] {strides = array<i32>} : memref<64x128xf32, #tpu.memory_space<vmem>>, vector<1x16xf32>,
        %parallel_loop3A_422 = vector.shape_cast %parallel_loop3A_421 : vector<1x16xf32> to vector<16xf32>
        %parallel_loop3A_423 = arith.index_cast %parallel_loop3A_418 : i32 to index
        %parallel_loop3A_424 = arith.constant 0 : index
        %parallel_loop3A_425 = tpu.vector_load %arg14[%parallel_loop3A_423, %parallel_loop3A_424] {strides = array<i32>} : memref<64x128xf32, #tpu.memory_space<vmem>>, vector<1x16xf32>,
        %parallel_loop3A_426 = vector.shape_cast %parallel_loop3A_425 : vector<1x16xf32> to vector<16xf32>
        %parallel_loop3A_427 = arith.addf %parallel_loop3A_422, %parallel_loop3A_426 : vector<16xf32>
        %parallel_loop3A_428 = arith.index_cast %parallel_loop3A_418 : i32 to index
        %parallel_loop3A_429 = arith.constant 0 : index
        %parallel_loop3A_430 = tpu.vector_load %arg10[%parallel_loop3A_428, %parallel_loop3A_429] {strides = array<i32>} : memref<64x128xf32, #tpu.memory_space<vmem>>, vector<1x16xf32>,
        %parallel_loop3A_431 = vector.shape_cast %parallel_loop3A_430 : vector<1x16xf32> to vector<16xf32>
        %parallel_loop3A_432 = vector.shape_cast %parallel_loop3A_427 : vector<16xf32> to vector<1x16xf32>
        tpu.vector_store %arg10[%parallel_loop3A_428, %parallel_loop3A_429], %parallel_loop3A_432 {strides = array<i32>} : memref<64x128xf32, #tpu.memory_space<vmem>>, vector<1x16xf32>,
        %parallel_loop3A_433 = arith.index_cast %parallel_loop3A_418 : i32 to index
        %parallel_loop3A_434 = arith.constant 16 : index
        %parallel_loop3A_435 = tpu.vector_load %arg10[%parallel_loop3A_433, %parallel_loop3A_434] {strides = array<i32>} : memref<64x128xf32, #tpu.memory_space<vmem>>, vector<1x16xf32>,
        %parallel_loop3A_436 = vector.shape_cast %parallel_loop3A_435 : vector<1x16xf32> to vector<16xf32>
        %parallel_loop3A_437 = arith.index_cast %parallel_loop3A_418 : i32 to index
        %parallel_loop3A_438 = arith.constant 16 : index
        %parallel_loop3A_439 = tpu.vector_load %arg14[%parallel_loop3A_437, %parallel_loop3A_438] {strides = array<i32>} : memref<64x128xf32, #tpu.memory_space<vmem>>, vector<1x16xf32>,
        %parallel_loop3A_440 = vector.shape_cast %parallel_loop3A_439 : vector<1x16xf32> to vector<16xf32>
        %parallel_loop3A_441 = arith.addf %parallel_loop3A_436, %parallel_loop3A_440 : vector<16xf32>
        %parallel_loop3A_442 = arith.index_cast %parallel_loop3A_418 : i32 to index
        %parallel_loop3A_443 = arith.constant 16 : index
        %parallel_loop3A_444 = tpu.vector_load %arg10[%parallel_loop3A_442, %parallel_loop3A_443] {strides = array<i32>} : memref<64x128xf32, #tpu.memory_space<vmem>>, vector<1x16xf32>,
        %parallel_loop3A_445 = vector.shape_cast %parallel_loop3A_444 : vector<1x16xf32> to vector<16xf32>
        %parallel_loop3A_446 = vector.shape_cast %parallel_loop3A_441 : vector<16xf32> to vector<1x16xf32>
        tpu.vector_store %arg10[%parallel_loop3A_442, %parallel_loop3A_443], %parallel_loop3A_446 {strides = array<i32>} : memref<64x128xf32, #tpu.memory_space<vmem>>, vector<1x16xf32>,
        %parallel_loop3A_447 = arith.index_cast %parallel_loop3A_418 : i32 to index
        %parallel_loop3A_448 = arith.constant 32 : index
        %parallel_loop3A_449 = tpu.vector_load %arg10[%parallel_loop3A_447, %parallel_loop3A_448] {strides = array<i32>} : memref<64x128xf32, #tpu.memory_space<vmem>>, vector<1x16xf32>,
        %parallel_loop3A_450 = vector.shape_cast %parallel_loop3A_449 : vector<1x16xf32> to vector<16xf32>
        %parallel_loop3A_451 = arith.index_cast %parallel_loop3A_418 : i32 to index
        %parallel_loop3A_452 = arith.constant 32 : index
        %parallel_loop3A_453 = tpu.vector_load %arg14[%parallel_loop3A_451, %parallel_loop3A_452] {strides = array<i32>} : memref<64x128xf32, #tpu.memory_space<vmem>>, vector<1x16xf32>,
        %parallel_loop3A_454 = vector.shape_cast %parallel_loop3A_453 : vector<1x16xf32> to vector<16xf32>
        %parallel_loop3A_455 = arith.addf %parallel_loop3A_450, %parallel_loop3A_454 : vector<16xf32>
        %parallel_loop3A_456 = arith.index_cast %parallel_loop3A_418 : i32 to index
        %parallel_loop3A_457 = arith.constant 32 : index
        %parallel_loop3A_458 = tpu.vector_load %arg10[%parallel_loop3A_456, %parallel_loop3A_457] {strides = array<i32>} : memref<64x128xf32, #tpu.memory_space<vmem>>, vector<1x16xf32>,
        %parallel_loop3A_459 = vector.shape_cast %parallel_loop3A_458 : vector<1x16xf32> to vector<16xf32>
        %parallel_loop3A_460 = vector.shape_cast %parallel_loop3A_455 : vector<16xf32> to vector<1x16xf32>
        tpu.vector_store %arg10[%parallel_loop3A_456, %parallel_loop3A_457], %parallel_loop3A_460 {strides = array<i32>} : memref<64x128xf32, #tpu.memory_space<vmem>>, vector<1x16xf32>,
        %parallel_loop3A_461 = arith.index_cast %parallel_loop3A_418 : i32 to index
        %parallel_loop3A_462 = arith.constant 48 : index
        %parallel_loop3A_463 = tpu.vector_load %arg10[%parallel_loop3A_461, %parallel_loop3A_462] {strides = array<i32>} : memref<64x128xf32, #tpu.memory_space<vmem>>, vector<1x16xf32>,
        %parallel_loop3A_464 = vector.shape_cast %parallel_loop3A_463 : vector<1x16xf32> to vector<16xf32>
        %parallel_loop3A_465 = arith.index_cast %parallel_loop3A_418 : i32 to index
        %parallel_loop3A_466 = arith.constant 48 : index
        %parallel_loop3A_467 = tpu.vector_load %arg14[%parallel_loop3A_465, %parallel_loop3A_466] {strides = array<i32>} : memref<64x128xf32, #tpu.memory_space<vmem>>, vector<1x16xf32>,
        %parallel_loop3A_468 = vector.shape_cast %parallel_loop3A_467 : vector<1x16xf32> to vector<16xf32>
        %parallel_loop3A_469 = arith.addf %parallel_loop3A_464, %parallel_loop3A_468 : vector<16xf32>
        %parallel_loop3A_470 = arith.index_cast %parallel_loop3A_418 : i32 to index
        %parallel_loop3A_471 = arith.constant 48 : index
        %parallel_loop3A_472 = tpu.vector_load %arg10[%parallel_loop3A_470, %parallel_loop3A_471] {strides = array<i32>} : memref<64x128xf32, #tpu.memory_space<vmem>>, vector<1x16xf32>,
        %parallel_loop3A_473 = vector.shape_cast %parallel_loop3A_472 : vector<1x16xf32> to vector<16xf32>
        %parallel_loop3A_474 = vector.shape_cast %parallel_loop3A_469 : vector<16xf32> to vector<1x16xf32>
        tpu.vector_store %arg10[%parallel_loop3A_470, %parallel_loop3A_471], %parallel_loop3A_474 {strides = array<i32>} : memref<64x128xf32, #tpu.memory_space<vmem>>, vector<1x16xf32>,
        %parallel_loop3A_475 = arith.index_cast %parallel_loop3A_418 : i32 to index
        %parallel_loop3A_476 = arith.constant 64 : index
        %parallel_loop3A_477 = tpu.vector_load %arg10[%parallel_loop3A_475, %parallel_loop3A_476] {strides = array<i32>} : memref<64x128xf32, #tpu.memory_space<vmem>>, vector<1x16xf32>,
        %parallel_loop3A_478 = vector.shape_cast %parallel_loop3A_477 : vector<1x16xf32> to vector<16xf32>
        %parallel_loop3A_479 = arith.index_cast %parallel_loop3A_418 : i32 to index
        %parallel_loop3A_480 = arith.constant 64 : index
        %parallel_loop3A_481 = tpu.vector_load %arg14[%parallel_loop3A_479, %parallel_loop3A_480] {strides = array<i32>} : memref<64x128xf32, #tpu.memory_space<vmem>>, vector<1x16xf32>,
        %parallel_loop3A_482 = vector.shape_cast %parallel_loop3A_481 : vector<1x16xf32> to vector<16xf32>
        %parallel_loop3A_483 = arith.addf %parallel_loop3A_478, %parallel_loop3A_482 : vector<16xf32>
        %parallel_loop3A_484 = arith.index_cast %parallel_loop3A_418 : i32 to index
        %parallel_loop3A_485 = arith.constant 64 : index
        %parallel_loop3A_486 = tpu.vector_load %arg10[%parallel_loop3A_484, %parallel_loop3A_485] {strides = array<i32>} : memref<64x128xf32, #tpu.memory_space<vmem>>, vector<1x16xf32>,
        %parallel_loop3A_487 = vector.shape_cast %parallel_loop3A_486 : vector<1x16xf32> to vector<16xf32>
        %parallel_loop3A_488 = vector.shape_cast %parallel_loop3A_483 : vector<16xf32> to vector<1x16xf32>
        tpu.vector_store %arg10[%parallel_loop3A_484, %parallel_loop3A_485], %parallel_loop3A_488 {strides = array<i32>} : memref<64x128xf32, #tpu.memory_space<vmem>>, vector<1x16xf32>,
        %parallel_loop3A_489 = arith.index_cast %parallel_loop3A_418 : i32 to index
        %parallel_loop3A_490 = arith.constant 80 : index
        %parallel_loop3A_491 = tpu.vector_load %arg10[%parallel_loop3A_489, %parallel_loop3A_490] {strides = array<i32>} : memref<64x128xf32, #tpu.memory_space<vmem>>, vector<1x16xf32>,
        %parallel_loop3A_492 = vector.shape_cast %parallel_loop3A_491 : vector<1x16xf32> to vector<16xf32>
        %parallel_loop3A_493 = arith.index_cast %parallel_loop3A_418 : i32 to index
        %parallel_loop3A_494 = arith.constant 80 : index
        %parallel_loop3A_495 = tpu.vector_load %arg14[%parallel_loop3A_493, %parallel_loop3A_494] {strides = array<i32>} : memref<64x128xf32, #tpu.memory_space<vmem>>, vector<1x16xf32>,
        %parallel_loop3A_496 = vector.shape_cast %parallel_loop3A_495 : vector<1x16xf32> to vector<16xf32>
        %parallel_loop3A_497 = arith.addf %parallel_loop3A_492, %parallel_loop3A_496 : vector<16xf32>
        %parallel_loop3A_498 = arith.index_cast %parallel_loop3A_418 : i32 to index
        %parallel_loop3A_499 = arith.constant 80 : index
        %parallel_loop3A_500 = tpu.vector_load %arg10[%parallel_loop3A_498, %parallel_loop3A_499] {strides = array<i32>} : memref<64x128xf32, #tpu.memory_space<vmem>>, vector<1x16xf32>,
        %parallel_loop3A_501 = vector.shape_cast %parallel_loop3A_500 : vector<1x16xf32> to vector<16xf32>
        %parallel_loop3A_502 = vector.shape_cast %parallel_loop3A_497 : vector<16xf32> to vector<1x16xf32>
        tpu.vector_store %arg10[%parallel_loop3A_498, %parallel_loop3A_499], %parallel_loop3A_502 {strides = array<i32>} : memref<64x128xf32, #tpu.memory_space<vmem>>, vector<1x16xf32>,
        %parallel_loop3A_503 = arith.index_cast %parallel_loop3A_418 : i32 to index
        %parallel_loop3A_504 = arith.constant 96 : index
        %parallel_loop3A_505 = tpu.vector_load %arg10[%parallel_loop3A_503, %parallel_loop3A_504] {strides = array<i32>} : memref<64x128xf32, #tpu.memory_space<vmem>>, vector<1x16xf32>,
        %parallel_loop3A_506 = vector.shape_cast %parallel_loop3A_505 : vector<1x16xf32> to vector<16xf32>
        %parallel_loop3A_507 = arith.index_cast %parallel_loop3A_418 : i32 to index
        %parallel_loop3A_508 = arith.constant 96 : index
        %parallel_loop3A_509 = tpu.vector_load %arg14[%parallel_loop3A_507, %parallel_loop3A_508] {strides = array<i32>} : memref<64x128xf32, #tpu.memory_space<vmem>>, vector<1x16xf32>,
        %parallel_loop3A_510 = vector.shape_cast %parallel_loop3A_509 : vector<1x16xf32> to vector<16xf32>
        %parallel_loop3A_511 = arith.addf %parallel_loop3A_506, %parallel_loop3A_510 : vector<16xf32>
        %parallel_loop3A_512 = arith.index_cast %parallel_loop3A_418 : i32 to index
        %parallel_loop3A_513 = arith.constant 96 : index
        %parallel_loop3A_514 = tpu.vector_load %arg10[%parallel_loop3A_512, %parallel_loop3A_513] {strides = array<i32>} : memref<64x128xf32, #tpu.memory_space<vmem>>, vector<1x16xf32>,
        %parallel_loop3A_515 = vector.shape_cast %parallel_loop3A_514 : vector<1x16xf32> to vector<16xf32>
        %parallel_loop3A_516 = vector.shape_cast %parallel_loop3A_511 : vector<16xf32> to vector<1x16xf32>
        tpu.vector_store %arg10[%parallel_loop3A_512, %parallel_loop3A_513], %parallel_loop3A_516 {strides = array<i32>} : memref<64x128xf32, #tpu.memory_space<vmem>>, vector<1x16xf32>,
        %parallel_loop3A_517 = arith.index_cast %parallel_loop3A_418 : i32 to index
        %parallel_loop3A_518 = arith.constant 112 : index
        %parallel_loop3A_519 = tpu.vector_load %arg10[%parallel_loop3A_517, %parallel_loop3A_518] {strides = array<i32>} : memref<64x128xf32, #tpu.memory_space<vmem>>, vector<1x16xf32>,
        %parallel_loop3A_520 = vector.shape_cast %parallel_loop3A_519 : vector<1x16xf32> to vector<16xf32>
        %parallel_loop3A_521 = arith.index_cast %parallel_loop3A_418 : i32 to index
        %parallel_loop3A_522 = arith.constant 112 : index
        %parallel_loop3A_523 = tpu.vector_load %arg14[%parallel_loop3A_521, %parallel_loop3A_522] {strides = array<i32>} : memref<64x128xf32, #tpu.memory_space<vmem>>, vector<1x16xf32>,
        %parallel_loop3A_524 = vector.shape_cast %parallel_loop3A_523 : vector<1x16xf32> to vector<16xf32>
        %parallel_loop3A_525 = arith.addf %parallel_loop3A_520, %parallel_loop3A_524 : vector<16xf32>
        %parallel_loop3A_526 = arith.index_cast %parallel_loop3A_418 : i32 to index
        %parallel_loop3A_527 = arith.constant 112 : index
        %parallel_loop3A_528 = tpu.vector_load %arg10[%parallel_loop3A_526, %parallel_loop3A_527] {strides = array<i32>} : memref<64x128xf32, #tpu.memory_space<vmem>>, vector<1x16xf32>,
        %parallel_loop3A_529 = vector.shape_cast %parallel_loop3A_528 : vector<1x16xf32> to vector<16xf32>
        %parallel_loop3A_530 = vector.shape_cast %parallel_loop3A_525 : vector<16xf32> to vector<1x16xf32>
        tpu.vector_store %arg10[%parallel_loop3A_526, %parallel_loop3A_527], %parallel_loop3A_530 {strides = array<i32>} : memref<64x128xf32, #tpu.memory_space<vmem>>, vector<1x16xf32>,
      } {sc.loop_unroll_factor = 4 : i64, sc.parallel_access}
      %convert_element_type3A_389 = arith.extui %ge3A_373 : i1 to i32
      %cond3A_390 = arith.constant 0 : i32
      %cond3A_391 = arith.cmpi ne, %convert_element_type3A_389, %cond3A_390 : i32
      scf.if %cond3A_391 {
        %dma_wait3A_418 = arith.constant 3 : i32
        %dma_wait3A_419 = arith.constant 0 : i32
        %dma_wait3A_420 = arith.constant 0 : i32
        %dma_wait3A_421 = tpu.memref_slice %arg5[%dma_wait3A_419, %dma_wait3A_420] : memref<204800x128xf32, #tpu.memory_space<hbm>> -> memref<64x128xf32, #tpu.memory_space<hbm>>
        %dma_wait3A_422 = arith.constant 0 : i32
        %dma_wait3A_423 = arith.constant 0 : i32
        %dma_wait3A_424 = tpu.memref_slice %arg15[%arg1, %dma_wait3A_418, %dma_wait3A_422, %dma_wait3A_423] : memref<16x4x64x128xf32, #tpu.memory_space<vmem_shared>> -> memref<1x1x64x128xf32, #tpu.memory_space<vmem_shared>>
        %dma_wait3A_425 = tpu.memref_squeeze %dma_wait3A_424 : memref<1x1x64x128xf32, #tpu.memory_space<vmem_shared>> -> memref<64x128xf32, #tpu.memory_space<vmem_shared>>
        tpu.wait_dma2 semaphore(%arg23 : memref<!tpu.dma_semaphore, #tpu.memory_space<semaphore_mem>>) src(%dma_wait3A_425 : memref<64x128xf32, #tpu.memory_space<vmem_shared>>) dst(%dma_wait3A_421 : memref<64x128xf32, #tpu.memory_space<hbm>>)
      } else {
      }
      %run_scoped3A_392 = arith.constant 3 : i32
      "tpu.region"() ({
        %run_scoped3A_418 = tpu.sem_alloc : memref<!tpu.dma_semaphore, #tpu.memory_space<semaphore_mem>>
        %dma_start3A_419 = arith.constant 0 : i32
        %dma_start3A_420 = arith.constant 0 : i32
        %dma_start3A_421 = tpu.memref_slice %arg15[%arg1, %run_scoped3A_392, %dma_start3A_419, %dma_start3A_420] : memref<16x4x64x128xf32, #tpu.memory_space<vmem_shared>> -> memref<1x1x64x128xf32, #tpu.memory_space<vmem_shared>>
        %dma_start3A_422 = tpu.memref_squeeze %dma_start3A_421 : memref<1x1x64x128xf32, #tpu.memory_space<vmem_shared>> -> memref<64x128xf32, #tpu.memory_space<vmem_shared>>
        %dma_start3A_423 = arith.constant 0 : i32
        %dma_start3A_424 = arith.constant 0 : i32
        %dma_start3A_425 = tpu.memref_slice %arg15[%arg1, %run_scoped3A_392, %dma_start3A_423, %dma_start3A_424] : memref<16x4x64x128xf32, #tpu.memory_space<vmem_shared>> -> memref<1x1x64x128xf32, #tpu.memory_space<vmem_shared>>
        %dma_start3A_426 = tpu.memref_squeeze %dma_start3A_425 : memref<1x1x64x128xf32, #tpu.memory_space<vmem_shared>> -> memref<64x128xf32, #tpu.memory_space<vmem_shared>>
        tpu.enqueue_dma source(%arg10 : memref<64x128xf32, #tpu.memory_space<vmem>>) target(%dma_start3A_426 : memref<64x128xf32, #tpu.memory_space<vmem_shared>>) target_semaphore(%run_scoped3A_418 : memref<!tpu.dma_semaphore, #tpu.memory_space<semaphore_mem>>)
        %dma_wait3A_427 = arith.constant 0 : i32
        %dma_wait3A_428 = arith.constant 0 : i32
        %dma_wait3A_429 = tpu.memref_slice %arg15[%arg1, %run_scoped3A_392, %dma_wait3A_427, %dma_wait3A_428] : memref<16x4x64x128xf32, #tpu.memory_space<vmem_shared>> -> memref<1x1x64x128xf32, #tpu.memory_space<vmem_shared>>
        %dma_wait3A_430 = tpu.memref_squeeze %dma_wait3A_429 : memref<1x1x64x128xf32, #tpu.memory_space<vmem_shared>> -> memref<64x128xf32, #tpu.memory_space<vmem_shared>>
        %dma_wait3A_431 = arith.constant 0 : i32
        %dma_wait3A_432 = arith.constant 0 : i32
        %dma_wait3A_433 = tpu.memref_slice %arg15[%arg1, %run_scoped3A_392, %dma_wait3A_431, %dma_wait3A_432] : memref<16x4x64x128xf32, #tpu.memory_space<vmem_shared>> -> memref<1x1x64x128xf32, #tpu.memory_space<vmem_shared>>
        %dma_wait3A_434 = tpu.memref_squeeze %dma_wait3A_433 : memref<1x1x64x128xf32, #tpu.memory_space<vmem_shared>> -> memref<64x128xf32, #tpu.memory_space<vmem_shared>>
        tpu.wait_dma2 semaphore(%run_scoped3A_418 : memref<!tpu.dma_semaphore, #tpu.memory_space<semaphore_mem>>) src(%arg10 : memref<64x128xf32, #tpu.memory_space<vmem>>) dst(%dma_wait3A_434 : memref<64x128xf32, #tpu.memory_space<vmem_shared>>)
        tpu.yield
      }) : () -> ()
      %mul3A_393 = arith.constant 64 : i32
      %mul3A_394 = arith.muli %add3A_371, %mul3A_393 : i32
      %add3A_395 = arith.addi %mul3A_2, %mul3A_394 : i32
      %dma_start3A_396 = arith.constant 3 : i32
      %dma_start3A_397 = arith.constant 0 : i32
      %dma_start3A_398 = tpu.memref_slice %arg5[%add3A_395, %dma_start3A_397] : memref<204800x128xf32, #tpu.memory_space<hbm>> -> memref<64x128xf32, #tpu.memory_space<hbm>>
      %dma_start3A_399 = arith.constant 0 : i32
      %dma_start3A_400 = arith.constant 0 : i32
      %dma_start3A_401 = tpu.memref_slice %arg15[%arg1, %dma_start3A_396, %dma_start3A_399, %dma_start3A_400] : memref<16x4x64x128xf32, #tpu.memory_space<vmem_shared>> -> memref<1x1x64x128xf32, #tpu.memory_space<vmem_shared>>
      %dma_start3A_402 = tpu.memref_squeeze %dma_start3A_401 : memref<1x1x64x128xf32, #tpu.memory_space<vmem_shared>> -> memref<64x128xf32, #tpu.memory_space<vmem_shared>>
      tpu.enqueue_dma source(%dma_start3A_402 : memref<64x128xf32, #tpu.memory_space<vmem_shared>>) target(%dma_start3A_398 : memref<64x128xf32, #tpu.memory_space<hbm>>) target_semaphore(%arg23 : memref<!tpu.dma_semaphore, #tpu.memory_space<semaphore_mem>>)
      %add3A_403 = arith.constant 3 : i32
      %add3A_404 = arith.addi %add3A_371, %add3A_403 : i32
      %mul3A_405 = arith.constant 64 : i32
      %mul3A_406 = arith.muli %add3A_404, %mul3A_405 : i32
      %add3A_407 = arith.addi %mul3A_2, %mul3A_406 : i32
      %dma_start3A_408 = arith.constant 0 : i32
      %dma_start3A_409 = tpu.memref_slice %arg2[%add3A_407, %dma_start3A_408] : memref<204800x128xf32, #tpu.memory_space<hbm>> -> memref<64x128xf32, #tpu.memory_space<hbm>>
      %dma_start3A_410 = arith.constant 0 : i32
      %dma_start3A_411 = tpu.memref_slice %arg2[%add3A_407, %dma_start3A_410] : memref<204800x128xf32, #tpu.memory_space<hbm>> -> memref<64x128xf32, #tpu.memory_space<hbm>>
      tpu.enqueue_dma source(%dma_start3A_411 : memref<64x128xf32, #tpu.memory_space<hbm>>) target(%arg9 : memref<64x128xf32, #tpu.memory_space<vmem>>) target_semaphore(%arg18 : memref<!tpu.dma_semaphore, #tpu.memory_space<semaphore_mem>>)
      %dma_start3A_412 = arith.constant 0 : i32
      %dma_start3A_413 = tpu.memref_slice %arg6[%add3A_404, %dma_start3A_412] : memref<100x64xi32, #tpu.memory_space<vmem>> -> memref<1x64xi32, #tpu.memory_space<vmem>>
      %dma_start3A_414 = tpu.memref_squeeze %dma_start3A_413 : memref<1x64xi32, #tpu.memory_space<vmem>> -> memref<64xi32, #tpu.memory_space<vmem>>
      %dma_start3A_415 = arith.constant 0 : i32
      %dma_start3A_416 = arith.constant 0 : i32
      %dma_start3A_417 = tpu.memref_slice %arg4[%dma_start3A_415, %dma_start3A_416] : memref<100000x128xf32, #tpu.memory_space<hbm>> -> memref<100000x128xf32, #tpu.memory_space<hbm>>
      tpu.enqueue_indirect_dma source(%dma_start3A_417 : memref<100000x128xf32, #tpu.memory_space<hbm>>) target(%arg13 : memref<64x128xf32, #tpu.memory_space<vmem>>) offsets(%dma_start3A_414 : memref<64xi32, #tpu.memory_space<vmem>>) semaphore(%arg18 : memref<!tpu.dma_semaphore, #tpu.memory_space<semaphore_mem>>)
    }
    %scan3A_45 = arith.constant 24 : i32
    %dma_wait3A = arith.constant 0 : i32
    %dma_wait3A_46 = arith.constant 0 : i32
    %dma_wait3A_47 = tpu.memref_slice %arg2[%dma_wait3A, %dma_wait3A_46] : memref<204800x128xf32, #tpu.memory_space<hbm>> -> memref<64x128xf32, #tpu.memory_space<hbm>>
    %dma_wait3A_48 = arith.constant 0 : i32
    %dma_wait3A_49 = arith.constant 0 : i32
    %dma_wait3A_50 = tpu.memref_slice %arg2[%dma_wait3A_48, %dma_wait3A_49] : memref<204800x128xf32, #tpu.memory_space<hbm>> -> memref<64x128xf32, #tpu.memory_space<hbm>>
    tpu.wait_dma2 semaphore(%arg16 : memref<!tpu.dma_semaphore, #tpu.memory_space<semaphore_mem>>) src(%dma_wait3A_50 : memref<64x128xf32, #tpu.memory_space<hbm>>) dst(%arg7 : memref<64x128xf32, #tpu.memory_space<vmem>>)
    %dma_wait3A_51 = arith.constant 0 : i32
    %dma_wait3A_52 = arith.constant 0 : i32
    %dma_wait3A_53 = tpu.memref_slice %arg2[%dma_wait3A_51, %dma_wait3A_52] : memref<204800x128xf32, #tpu.memory_space<hbm>> -> memref<64x128xf32, #tpu.memory_space<hbm>>
    %dma_wait3A_54 = arith.constant 0 : i32
    %dma_wait3A_55 = arith.constant 0 : i32
    %dma_wait3A_56 = tpu.memref_slice %arg2[%dma_wait3A_54, %dma_wait3A_55] : memref<204800x128xf32, #tpu.memory_space<hbm>> -> memref<64x128xf32, #tpu.memory_space<hbm>>
    tpu.wait_dma2 semaphore(%arg16 : memref<!tpu.dma_semaphore, #tpu.memory_space<semaphore_mem>>) src(%dma_wait3A_56 : memref<64x128xf32, #tpu.memory_space<hbm>>) dst(%arg11 : memref<64x128xf32, #tpu.memory_space<vmem>>)
    %parallel_loop3A = arith.constant 0 : i32
    %parallel_loop3A_57 = arith.constant 64 : i32
    %parallel_loop3A_58 = arith.constant 1 : i32
    scf.for %parallel_loop3A_220 = %parallel_loop3A to %parallel_loop3A_57 step %parallel_loop3A_58  : i32 {
      %parallel_loop3A_221 = arith.index_cast %parallel_loop3A_220 : i32 to index
      %parallel_loop3A_222 = arith.constant 0 : index
      %parallel_loop3A_223 = tpu.vector_load %arg7[%parallel_loop3A_221, %parallel_loop3A_222] {strides = array<i32>} : memref<64x128xf32, #tpu.memory_space<vmem>>, vector<1x16xf32>,
      %parallel_loop3A_224 = vector.shape_cast %parallel_loop3A_223 : vector<1x16xf32> to vector<16xf32>
      %parallel_loop3A_225 = arith.index_cast %parallel_loop3A_220 : i32 to index
      %parallel_loop3A_226 = arith.constant 0 : index
      %parallel_loop3A_227 = tpu.vector_load %arg11[%parallel_loop3A_225, %parallel_loop3A_226] {strides = array<i32>} : memref<64x128xf32, #tpu.memory_space<vmem>>, vector<1x16xf32>,
      %parallel_loop3A_228 = vector.shape_cast %parallel_loop3A_227 : vector<1x16xf32> to vector<16xf32>
      %parallel_loop3A_229 = arith.addf %parallel_loop3A_224, %parallel_loop3A_228 : vector<16xf32>
      %parallel_loop3A_230 = arith.index_cast %parallel_loop3A_220 : i32 to index
      %parallel_loop3A_231 = arith.constant 0 : index
      %parallel_loop3A_232 = tpu.vector_load %arg7[%parallel_loop3A_230, %parallel_loop3A_231] {strides = array<i32>} : memref<64x128xf32, #tpu.memory_space<vmem>>, vector<1x16xf32>,
      %parallel_loop3A_233 = vector.shape_cast %parallel_loop3A_232 : vector<1x16xf32> to vector<16xf32>
      %parallel_loop3A_234 = vector.shape_cast %parallel_loop3A_229 : vector<16xf32> to vector<1x16xf32>
      tpu.vector_store %arg7[%parallel_loop3A_230, %parallel_loop3A_231], %parallel_loop3A_234 {strides = array<i32>} : memref<64x128xf32, #tpu.memory_space<vmem>>, vector<1x16xf32>,
      %parallel_loop3A_235 = arith.index_cast %parallel_loop3A_220 : i32 to index
      %parallel_loop3A_236 = arith.constant 16 : index
      %parallel_loop3A_237 = tpu.vector_load %arg7[%parallel_loop3A_235, %parallel_loop3A_236] {strides = array<i32>} : memref<64x128xf32, #tpu.memory_space<vmem>>, vector<1x16xf32>,
      %parallel_loop3A_238 = vector.shape_cast %parallel_loop3A_237 : vector<1x16xf32> to vector<16xf32>
      %parallel_loop3A_239 = arith.index_cast %parallel_loop3A_220 : i32 to index
      %parallel_loop3A_240 = arith.constant 16 : index
      %parallel_loop3A_241 = tpu.vector_load %arg11[%parallel_loop3A_239, %parallel_loop3A_240] {strides = array<i32>} : memref<64x128xf32, #tpu.memory_space<vmem>>, vector<1x16xf32>,
      %parallel_loop3A_242 = vector.shape_cast %parallel_loop3A_241 : vector<1x16xf32> to vector<16xf32>
      %parallel_loop3A_243 = arith.addf %parallel_loop3A_238, %parallel_loop3A_242 : vector<16xf32>
      %parallel_loop3A_244 = arith.index_cast %parallel_loop3A_220 : i32 to index
      %parallel_loop3A_245 = arith.constant 16 : index
      %parallel_loop3A_246 = tpu.vector_load %arg7[%parallel_loop3A_244, %parallel_loop3A_245] {strides = array<i32>} : memref<64x128xf32, #tpu.memory_space<vmem>>, vector<1x16xf32>,
      %parallel_loop3A_247 = vector.shape_cast %parallel_loop3A_246 : vector<1x16xf32> to vector<16xf32>
      %parallel_loop3A_248 = vector.shape_cast %parallel_loop3A_243 : vector<16xf32> to vector<1x16xf32>
      tpu.vector_store %arg7[%parallel_loop3A_244, %parallel_loop3A_245], %parallel_loop3A_248 {strides = array<i32>} : memref<64x128xf32, #tpu.memory_space<vmem>>, vector<1x16xf32>,
      %parallel_loop3A_249 = arith.index_cast %parallel_loop3A_220 : i32 to index
      %parallel_loop3A_250 = arith.constant 32 : index
      %parallel_loop3A_251 = tpu.vector_load %arg7[%parallel_loop3A_249, %parallel_loop3A_250] {strides = array<i32>} : memref<64x128xf32, #tpu.memory_space<vmem>>, vector<1x16xf32>,
      %parallel_loop3A_252 = vector.shape_cast %parallel_loop3A_251 : vector<1x16xf32> to vector<16xf32>
      %parallel_loop3A_253 = arith.index_cast %parallel_loop3A_220 : i32 to index
      %parallel_loop3A_254 = arith.constant 32 : index
      %parallel_loop3A_255 = tpu.vector_load %arg11[%parallel_loop3A_253, %parallel_loop3A_254] {strides = array<i32>} : memref<64x128xf32, #tpu.memory_space<vmem>>, vector<1x16xf32>,
      %parallel_loop3A_256 = vector.shape_cast %parallel_loop3A_255 : vector<1x16xf32> to vector<16xf32>
      %parallel_loop3A_257 = arith.addf %parallel_loop3A_252, %parallel_loop3A_256 : vector<16xf32>
      %parallel_loop3A_258 = arith.index_cast %parallel_loop3A_220 : i32 to index
      %parallel_loop3A_259 = arith.constant 32 : index
      %parallel_loop3A_260 = tpu.vector_load %arg7[%parallel_loop3A_258, %parallel_loop3A_259] {strides = array<i32>} : memref<64x128xf32, #tpu.memory_space<vmem>>, vector<1x16xf32>,
      %parallel_loop3A_261 = vector.shape_cast %parallel_loop3A_260 : vector<1x16xf32> to vector<16xf32>
      %parallel_loop3A_262 = vector.shape_cast %parallel_loop3A_257 : vector<16xf32> to vector<1x16xf32>
      tpu.vector_store %arg7[%parallel_loop3A_258, %parallel_loop3A_259], %parallel_loop3A_262 {strides = array<i32>} : memref<64x128xf32, #tpu.memory_space<vmem>>, vector<1x16xf32>,
      %parallel_loop3A_263 = arith.index_cast %parallel_loop3A_220 : i32 to index
      %parallel_loop3A_264 = arith.constant 48 : index
      %parallel_loop3A_265 = tpu.vector_load %arg7[%parallel_loop3A_263, %parallel_loop3A_264] {strides = array<i32>} : memref<64x128xf32, #tpu.memory_space<vmem>>, vector<1x16xf32>,
      %parallel_loop3A_266 = vector.shape_cast %parallel_loop3A_265 : vector<1x16xf32> to vector<16xf32>
      %parallel_loop3A_267 = arith.index_cast %parallel_loop3A_220 : i32 to index
      %parallel_loop3A_268 = arith.constant 48 : index
      %parallel_loop3A_269 = tpu.vector_load %arg11[%parallel_loop3A_267, %parallel_loop3A_268] {strides = array<i32>} : memref<64x128xf32, #tpu.memory_space<vmem>>, vector<1x16xf32>,
      %parallel_loop3A_270 = vector.shape_cast %parallel_loop3A_269 : vector<1x16xf32> to vector<16xf32>
      %parallel_loop3A_271 = arith.addf %parallel_loop3A_266, %parallel_loop3A_270 : vector<16xf32>
      %parallel_loop3A_272 = arith.index_cast %parallel_loop3A_220 : i32 to index
      %parallel_loop3A_273 = arith.constant 48 : index
      %parallel_loop3A_274 = tpu.vector_load %arg7[%parallel_loop3A_272, %parallel_loop3A_273] {strides = array<i32>} : memref<64x128xf32, #tpu.memory_space<vmem>>, vector<1x16xf32>,
      %parallel_loop3A_275 = vector.shape_cast %parallel_loop3A_274 : vector<1x16xf32> to vector<16xf32>
      %parallel_loop3A_276 = vector.shape_cast %parallel_loop3A_271 : vector<16xf32> to vector<1x16xf32>
      tpu.vector_store %arg7[%parallel_loop3A_272, %parallel_loop3A_273], %parallel_loop3A_276 {strides = array<i32>} : memref<64x128xf32, #tpu.memory_space<vmem>>, vector<1x16xf32>,
      %parallel_loop3A_277 = arith.index_cast %parallel_loop3A_220 : i32 to index
      %parallel_loop3A_278 = arith.constant 64 : index
      %parallel_loop3A_279 = tpu.vector_load %arg7[%parallel_loop3A_277, %parallel_loop3A_278] {strides = array<i32>} : memref<64x128xf32, #tpu.memory_space<vmem>>, vector<1x16xf32>,
      %parallel_loop3A_280 = vector.shape_cast %parallel_loop3A_279 : vector<1x16xf32> to vector<16xf32>
      %parallel_loop3A_281 = arith.index_cast %parallel_loop3A_220 : i32 to index
      %parallel_loop3A_282 = arith.constant 64 : index
      %parallel_loop3A_283 = tpu.vector_load %arg11[%parallel_loop3A_281, %parallel_loop3A_282] {strides = array<i32>} : memref<64x128xf32, #tpu.memory_space<vmem>>, vector<1x16xf32>,
      %parallel_loop3A_284 = vector.shape_cast %parallel_loop3A_283 : vector<1x16xf32> to vector<16xf32>
      %parallel_loop3A_285 = arith.addf %parallel_loop3A_280, %parallel_loop3A_284 : vector<16xf32>
      %parallel_loop3A_286 = arith.index_cast %parallel_loop3A_220 : i32 to index
      %parallel_loop3A_287 = arith.constant 64 : index
      %parallel_loop3A_288 = tpu.vector_load %arg7[%parallel_loop3A_286, %parallel_loop3A_287] {strides = array<i32>} : memref<64x128xf32, #tpu.memory_space<vmem>>, vector<1x16xf32>,
      %parallel_loop3A_289 = vector.shape_cast %parallel_loop3A_288 : vector<1x16xf32> to vector<16xf32>
      %parallel_loop3A_290 = vector.shape_cast %parallel_loop3A_285 : vector<16xf32> to vector<1x16xf32>
      tpu.vector_store %arg7[%parallel_loop3A_286, %parallel_loop3A_287], %parallel_loop3A_290 {strides = array<i32>} : memref<64x128xf32, #tpu.memory_space<vmem>>, vector<1x16xf32>,
      %parallel_loop3A_291 = arith.index_cast %parallel_loop3A_220 : i32 to index
      %parallel_loop3A_292 = arith.constant 80 : index
      %parallel_loop3A_293 = tpu.vector_load %arg7[%parallel_loop3A_291, %parallel_loop3A_292] {strides = array<i32>} : memref<64x128xf32, #tpu.memory_space<vmem>>, vector<1x16xf32>,
      %parallel_loop3A_294 = vector.shape_cast %parallel_loop3A_293 : vector<1x16xf32> to vector<16xf32>
      %parallel_loop3A_295 = arith.index_cast %parallel_loop3A_220 : i32 to index
      %parallel_loop3A_296 = arith.constant 80 : index
      %parallel_loop3A_297 = tpu.vector_load %arg11[%parallel_loop3A_295, %parallel_loop3A_296] {strides = array<i32>} : memref<64x128xf32, #tpu.memory_space<vmem>>, vector<1x16xf32>,
      %parallel_loop3A_298 = vector.shape_cast %parallel_loop3A_297 : vector<1x16xf32> to vector<16xf32>
      %parallel_loop3A_299 = arith.addf %parallel_loop3A_294, %parallel_loop3A_298 : vector<16xf32>
      %parallel_loop3A_300 = arith.index_cast %parallel_loop3A_220 : i32 to index
      %parallel_loop3A_301 = arith.constant 80 : index
      %parallel_loop3A_302 = tpu.vector_load %arg7[%parallel_loop3A_300, %parallel_loop3A_301] {strides = array<i32>} : memref<64x128xf32, #tpu.memory_space<vmem>>, vector<1x16xf32>,
      %parallel_loop3A_303 = vector.shape_cast %parallel_loop3A_302 : vector<1x16xf32> to vector<16xf32>
      %parallel_loop3A_304 = vector.shape_cast %parallel_loop3A_299 : vector<16xf32> to vector<1x16xf32>
      tpu.vector_store %arg7[%parallel_loop3A_300, %parallel_loop3A_301], %parallel_loop3A_304 {strides = array<i32>} : memref<64x128xf32, #tpu.memory_space<vmem>>, vector<1x16xf32>,
      %parallel_loop3A_305 = arith.index_cast %parallel_loop3A_220 : i32 to index
      %parallel_loop3A_306 = arith.constant 96 : index
      %parallel_loop3A_307 = tpu.vector_load %arg7[%parallel_loop3A_305, %parallel_loop3A_306] {strides = array<i32>} : memref<64x128xf32, #tpu.memory_space<vmem>>, vector<1x16xf32>,
      %parallel_loop3A_308 = vector.shape_cast %parallel_loop3A_307 : vector<1x16xf32> to vector<16xf32>
      %parallel_loop3A_309 = arith.index_cast %parallel_loop3A_220 : i32 to index
      %parallel_loop3A_310 = arith.constant 96 : index
      %parallel_loop3A_311 = tpu.vector_load %arg11[%parallel_loop3A_309, %parallel_loop3A_310] {strides = array<i32>} : memref<64x128xf32, #tpu.memory_space<vmem>>, vector<1x16xf32>,
      %parallel_loop3A_312 = vector.shape_cast %parallel_loop3A_311 : vector<1x16xf32> to vector<16xf32>
      %parallel_loop3A_313 = arith.addf %parallel_loop3A_308, %parallel_loop3A_312 : vector<16xf32>
      %parallel_loop3A_314 = arith.index_cast %parallel_loop3A_220 : i32 to index
      %parallel_loop3A_315 = arith.constant 96 : index
      %parallel_loop3A_316 = tpu.vector_load %arg7[%parallel_loop3A_314, %parallel_loop3A_315] {strides = array<i32>} : memref<64x128xf32, #tpu.memory_space<vmem>>, vector<1x16xf32>,
      %parallel_loop3A_317 = vector.shape_cast %parallel_loop3A_316 : vector<1x16xf32> to vector<16xf32>
      %parallel_loop3A_318 = vector.shape_cast %parallel_loop3A_313 : vector<16xf32> to vector<1x16xf32>
      tpu.vector_store %arg7[%parallel_loop3A_314, %parallel_loop3A_315], %parallel_loop3A_318 {strides = array<i32>} : memref<64x128xf32, #tpu.memory_space<vmem>>, vector<1x16xf32>,
      %parallel_loop3A_319 = arith.index_cast %parallel_loop3A_220 : i32 to index
      %parallel_loop3A_320 = arith.constant 112 : index
      %parallel_loop3A_321 = tpu.vector_load %arg7[%parallel_loop3A_319, %parallel_loop3A_320] {strides = array<i32>} : memref<64x128xf32, #tpu.memory_space<vmem>>, vector<1x16xf32>,
      %parallel_loop3A_322 = vector.shape_cast %parallel_loop3A_321 : vector<1x16xf32> to vector<16xf32>
      %parallel_loop3A_323 = arith.index_cast %parallel_loop3A_220 : i32 to index
      %parallel_loop3A_324 = arith.constant 112 : index
      %parallel_loop3A_325 = tpu.vector_load %arg11[%parallel_loop3A_323, %parallel_loop3A_324] {strides = array<i32>} : memref<64x128xf32, #tpu.memory_space<vmem>>, vector<1x16xf32>,
      %parallel_loop3A_326 = vector.shape_cast %parallel_loop3A_325 : vector<1x16xf32> to vector<16xf32>
      %parallel_loop3A_327 = arith.addf %parallel_loop3A_322, %parallel_loop3A_326 : vector<16xf32>
      %parallel_loop3A_328 = arith.index_cast %parallel_loop3A_220 : i32 to index
      %parallel_loop3A_329 = arith.constant 112 : index
      %parallel_loop3A_330 = tpu.vector_load %arg7[%parallel_loop3A_328, %parallel_loop3A_329] {strides = array<i32>} : memref<64x128xf32, #tpu.memory_space<vmem>>, vector<1x16xf32>,
      %parallel_loop3A_331 = vector.shape_cast %parallel_loop3A_330 : vector<1x16xf32> to vector<16xf32>
      %parallel_loop3A_332 = vector.shape_cast %parallel_loop3A_327 : vector<16xf32> to vector<1x16xf32>
      tpu.vector_store %arg7[%parallel_loop3A_328, %parallel_loop3A_329], %parallel_loop3A_332 {strides = array<i32>} : memref<64x128xf32, #tpu.memory_space<vmem>>, vector<1x16xf32>,
    } {sc.loop_unroll_factor = 4 : i64, sc.parallel_access}
    %dma_wait3A_59 = arith.constant 0 : i32
    %dma_wait3A_60 = arith.constant 0 : i32
    %dma_wait3A_61 = arith.constant 0 : i32
    %dma_wait3A_62 = tpu.memref_slice %arg5[%dma_wait3A_60, %dma_wait3A_61] : memref<204800x128xf32, #tpu.memory_space<hbm>> -> memref<64x128xf32, #tpu.memory_space<hbm>>
    %dma_wait3A_63 = arith.constant 0 : i32
    %dma_wait3A_64 = arith.constant 0 : i32
    %dma_wait3A_65 = tpu.memref_slice %arg15[%arg1, %dma_wait3A_59, %dma_wait3A_63, %dma_wait3A_64] : memref<16x4x64x128xf32, #tpu.memory_space<vmem_shared>> -> memref<1x1x64x128xf32, #tpu.memory_space<vmem_shared>>
    %dma_wait3A_66 = tpu.memref_squeeze %dma_wait3A_65 : memref<1x1x64x128xf32, #tpu.memory_space<vmem_shared>> -> memref<64x128xf32, #tpu.memory_space<vmem_shared>>
    tpu.wait_dma2 semaphore(%arg20 : memref<!tpu.dma_semaphore, #tpu.memory_space<semaphore_mem>>) src(%dma_wait3A_66 : memref<64x128xf32, #tpu.memory_space<vmem_shared>>) dst(%dma_wait3A_62 : memref<64x128xf32, #tpu.memory_space<hbm>>)
    %run_scoped3A = arith.constant 0 : i32
    "tpu.region"() ({
      %run_scoped3A_220 = tpu.sem_alloc : memref<!tpu.dma_semaphore, #tpu.memory_space<semaphore_mem>>
      %dma_start3A_221 = arith.constant 0 : i32
      %dma_start3A_222 = arith.constant 0 : i32
      %dma_start3A_223 = tpu.memref_slice %arg15[%arg1, %run_scoped3A, %dma_start3A_221, %dma_start3A_222] : memref<16x4x64x128xf32, #tpu.memory_space<vmem_shared>> -> memref<1x1x64x128xf32, #tpu.memory_space<vmem_shared>>
      %dma_start3A_224 = tpu.memref_squeeze %dma_start3A_223 : memref<1x1x64x128xf32, #tpu.memory_space<vmem_shared>> -> memref<64x128xf32, #tpu.memory_space<vmem_shared>>
      %dma_start3A_225 = arith.constant 0 : i32
      %dma_start3A_226 = arith.constant 0 : i32
      %dma_start3A_227 = tpu.memref_slice %arg15[%arg1, %run_scoped3A, %dma_start3A_225, %dma_start3A_226] : memref<16x4x64x128xf32, #tpu.memory_space<vmem_shared>> -> memref<1x1x64x128xf32, #tpu.memory_space<vmem_shared>>
      %dma_start3A_228 = tpu.memref_squeeze %dma_start3A_227 : memref<1x1x64x128xf32, #tpu.memory_space<vmem_shared>> -> memref<64x128xf32, #tpu.memory_space<vmem_shared>>
      tpu.enqueue_dma source(%arg7 : memref<64x128xf32, #tpu.memory_space<vmem>>) target(%dma_start3A_228 : memref<64x128xf32, #tpu.memory_space<vmem_shared>>) target_semaphore(%run_scoped3A_220 : memref<!tpu.dma_semaphore, #tpu.memory_space<semaphore_mem>>)
      %dma_wait3A_229 = arith.constant 0 : i32
      %dma_wait3A_230 = arith.constant 0 : i32
      %dma_wait3A_231 = tpu.memref_slice %arg15[%arg1, %run_scoped3A, %dma_wait3A_229, %dma_wait3A_230] : memref<16x4x64x128xf32, #tpu.memory_space<vmem_shared>> -> memref<1x1x64x128xf32, #tpu.memory_space<vmem_shared>>
      %dma_wait3A_232 = tpu.memref_squeeze %dma_wait3A_231 : memref<1x1x64x128xf32, #tpu.memory_space<vmem_shared>> -> memref<64x128xf32, #tpu.memory_space<vmem_shared>>
      %dma_wait3A_233 = arith.constant 0 : i32
      %dma_wait3A_234 = arith.constant 0 : i32
      %dma_wait3A_235 = tpu.memref_slice %arg15[%arg1, %run_scoped3A, %dma_wait3A_233, %dma_wait3A_234] : memref<16x4x64x128xf32, #tpu.memory_space<vmem_shared>> -> memref<1x1x64x128xf32, #tpu.memory_space<vmem_shared>>
      %dma_wait3A_236 = tpu.memref_squeeze %dma_wait3A_235 : memref<1x1x64x128xf32, #tpu.memory_space<vmem_shared>> -> memref<64x128xf32, #tpu.memory_space<vmem_shared>>
      tpu.wait_dma2 semaphore(%run_scoped3A_220 : memref<!tpu.dma_semaphore, #tpu.memory_space<semaphore_mem>>) src(%arg7 : memref<64x128xf32, #tpu.memory_space<vmem>>) dst(%dma_wait3A_236 : memref<64x128xf32, #tpu.memory_space<vmem_shared>>)
      tpu.yield
    }) : () -> ()
    %add3A_67 = arith.constant 6144 : i32
    %add3A_68 = arith.addi %mul3A_2, %add3A_67 : i32
    %dma_start3A_69 = arith.constant 0 : i32
    %dma_start3A_70 = arith.constant 0 : i32
    %dma_start3A_71 = tpu.memref_slice %arg5[%add3A_68, %dma_start3A_70] : memref<204800x128xf32, #tpu.memory_space<hbm>> -> memref<64x128xf32, #tpu.memory_space<hbm>>
    %dma_start3A_72 = arith.constant 0 : i32
    %dma_start3A_73 = arith.constant 0 : i32
    %dma_start3A_74 = tpu.memref_slice %arg15[%arg1, %dma_start3A_69, %dma_start3A_72, %dma_start3A_73] : memref<16x4x64x128xf32, #tpu.memory_space<vmem_shared>> -> memref<1x1x64x128xf32, #tpu.memory_space<vmem_shared>>
    %dma_start3A_75 = tpu.memref_squeeze %dma_start3A_74 : memref<1x1x64x128xf32, #tpu.memory_space<vmem_shared>> -> memref<64x128xf32, #tpu.memory_space<vmem_shared>>
    tpu.enqueue_dma source(%dma_start3A_75 : memref<64x128xf32, #tpu.memory_space<vmem_shared>>) target(%dma_start3A_71 : memref<64x128xf32, #tpu.memory_space<hbm>>) target_semaphore(%arg20 : memref<!tpu.dma_semaphore, #tpu.memory_space<semaphore_mem>>)
    %add3A_76 = arith.constant 6336 : i32
    %add3A_77 = arith.addi %mul3A_2, %add3A_76 : i32
    %dma_start3A_78 = arith.constant 0 : i32
    %dma_start3A_79 = tpu.memref_slice %arg2[%add3A_77, %dma_start3A_78] : memref<204800x128xf32, #tpu.memory_space<hbm>> -> memref<64x128xf32, #tpu.memory_space<hbm>>
    %dma_start3A_80 = arith.constant 0 : i32
    %dma_start3A_81 = tpu.memref_slice %arg2[%add3A_77, %dma_start3A_80] : memref<204800x128xf32, #tpu.memory_space<hbm>> -> memref<64x128xf32, #tpu.memory_space<hbm>>
    tpu.enqueue_dma source(%dma_start3A_81 : memref<64x128xf32, #tpu.memory_space<hbm>>) target(%arg10 : memref<64x128xf32, #tpu.memory_space<vmem>>) target_semaphore(%arg19 : memref<!tpu.dma_semaphore, #tpu.memory_space<semaphore_mem>>)
    %dma_start3A_82 = arith.constant 99 : i32
    %dma_start3A_83 = arith.constant 0 : i32
    %dma_start3A_84 = tpu.memref_slice %arg6[%dma_start3A_82, %dma_start3A_83] : memref<100x64xi32, #tpu.memory_space<vmem>> -> memref<1x64xi32, #tpu.memory_space<vmem>>
    %dma_start3A_85 = tpu.memref_squeeze %dma_start3A_84 : memref<1x64xi32, #tpu.memory_space<vmem>> -> memref<64xi32, #tpu.memory_space<vmem>>
    %dma_start3A_86 = arith.constant 0 : i32
    %dma_start3A_87 = arith.constant 0 : i32
    %dma_start3A_88 = tpu.memref_slice %arg4[%dma_start3A_86, %dma_start3A_87] : memref<100000x128xf32, #tpu.memory_space<hbm>> -> memref<100000x128xf32, #tpu.memory_space<hbm>>
    tpu.enqueue_indirect_dma source(%dma_start3A_88 : memref<100000x128xf32, #tpu.memory_space<hbm>>) target(%arg14 : memref<64x128xf32, #tpu.memory_space<vmem>>) offsets(%dma_start3A_85 : memref<64xi32, #tpu.memory_space<vmem>>) semaphore(%arg19 : memref<!tpu.dma_semaphore, #tpu.memory_space<semaphore_mem>>)
    %dma_wait3A_89 = arith.constant 0 : i32
    %dma_wait3A_90 = arith.constant 0 : i32
    %dma_wait3A_91 = tpu.memref_slice %arg2[%dma_wait3A_89, %dma_wait3A_90] : memref<204800x128xf32, #tpu.memory_space<hbm>> -> memref<64x128xf32, #tpu.memory_space<hbm>>
    %dma_wait3A_92 = arith.constant 0 : i32
    %dma_wait3A_93 = arith.constant 0 : i32
    %dma_wait3A_94 = tpu.memref_slice %arg2[%dma_wait3A_92, %dma_wait3A_93] : memref<204800x128xf32, #tpu.memory_space<hbm>> -> memref<64x128xf32, #tpu.memory_space<hbm>>
    tpu.wait_dma2 semaphore(%arg17 : memref<!tpu.dma_semaphore, #tpu.memory_space<semaphore_mem>>) src(%dma_wait3A_94 : memref<64x128xf32, #tpu.memory_space<hbm>>) dst(%arg8 : memref<64x128xf32, #tpu.memory_space<vmem>>)
    %dma_wait3A_95 = arith.constant 0 : i32
    %dma_wait3A_96 = arith.constant 0 : i32
    %dma_wait3A_97 = tpu.memref_slice %arg2[%dma_wait3A_95, %dma_wait3A_96] : memref<204800x128xf32, #tpu.memory_space<hbm>> -> memref<64x128xf32, #tpu.memory_space<hbm>>
    %dma_wait3A_98 = arith.constant 0 : i32
    %dma_wait3A_99 = arith.constant 0 : i32
    %dma_wait3A_100 = tpu.memref_slice %arg2[%dma_wait3A_98, %dma_wait3A_99] : memref<204800x128xf32, #tpu.memory_space<hbm>> -> memref<64x128xf32, #tpu.memory_space<hbm>>
    tpu.wait_dma2 semaphore(%arg17 : memref<!tpu.dma_semaphore, #tpu.memory_space<semaphore_mem>>) src(%dma_wait3A_100 : memref<64x128xf32, #tpu.memory_space<hbm>>) dst(%arg12 : memref<64x128xf32, #tpu.memory_space<vmem>>)
    %parallel_loop3A_101 = arith.constant 0 : i32
    %parallel_loop3A_102 = arith.constant 64 : i32
    %parallel_loop3A_103 = arith.constant 1 : i32
    scf.for %parallel_loop3A_220 = %parallel_loop3A_101 to %parallel_loop3A_102 step %parallel_loop3A_103  : i32 {
      %parallel_loop3A_221 = arith.index_cast %parallel_loop3A_220 : i32 to index
      %parallel_loop3A_222 = arith.constant 0 : index
      %parallel_loop3A_223 = tpu.vector_load %arg8[%parallel_loop3A_221, %parallel_loop3A_222] {strides = array<i32>} : memref<64x128xf32, #tpu.memory_space<vmem>>, vector<1x16xf32>,
      %parallel_loop3A_224 = vector.shape_cast %parallel_loop3A_223 : vector<1x16xf32> to vector<16xf32>
      %parallel_loop3A_225 = arith.index_cast %parallel_loop3A_220 : i32 to index
      %parallel_loop3A_226 = arith.constant 0 : index
      %parallel_loop3A_227 = tpu.vector_load %arg12[%parallel_loop3A_225, %parallel_loop3A_226] {strides = array<i32>} : memref<64x128xf32, #tpu.memory_space<vmem>>, vector<1x16xf32>,
      %parallel_loop3A_228 = vector.shape_cast %parallel_loop3A_227 : vector<1x16xf32> to vector<16xf32>
      %parallel_loop3A_229 = arith.addf %parallel_loop3A_224, %parallel_loop3A_228 : vector<16xf32>
      %parallel_loop3A_230 = arith.index_cast %parallel_loop3A_220 : i32 to index
      %parallel_loop3A_231 = arith.constant 0 : index
      %parallel_loop3A_232 = tpu.vector_load %arg8[%parallel_loop3A_230, %parallel_loop3A_231] {strides = array<i32>} : memref<64x128xf32, #tpu.memory_space<vmem>>, vector<1x16xf32>,
      %parallel_loop3A_233 = vector.shape_cast %parallel_loop3A_232 : vector<1x16xf32> to vector<16xf32>
      %parallel_loop3A_234 = vector.shape_cast %parallel_loop3A_229 : vector<16xf32> to vector<1x16xf32>
      tpu.vector_store %arg8[%parallel_loop3A_230, %parallel_loop3A_231], %parallel_loop3A_234 {strides = array<i32>} : memref<64x128xf32, #tpu.memory_space<vmem>>, vector<1x16xf32>,
      %parallel_loop3A_235 = arith.index_cast %parallel_loop3A_220 : i32 to index
      %parallel_loop3A_236 = arith.constant 16 : index
      %parallel_loop3A_237 = tpu.vector_load %arg8[%parallel_loop3A_235, %parallel_loop3A_236] {strides = array<i32>} : memref<64x128xf32, #tpu.memory_space<vmem>>, vector<1x16xf32>,
      %parallel_loop3A_238 = vector.shape_cast %parallel_loop3A_237 : vector<1x16xf32> to vector<16xf32>
      %parallel_loop3A_239 = arith.index_cast %parallel_loop3A_220 : i32 to index
      %parallel_loop3A_240 = arith.constant 16 : index
      %parallel_loop3A_241 = tpu.vector_load %arg12[%parallel_loop3A_239, %parallel_loop3A_240] {strides = array<i32>} : memref<64x128xf32, #tpu.memory_space<vmem>>, vector<1x16xf32>,
      %parallel_loop3A_242 = vector.shape_cast %parallel_loop3A_241 : vector<1x16xf32> to vector<16xf32>
      %parallel_loop3A_243 = arith.addf %parallel_loop3A_238, %parallel_loop3A_242 : vector<16xf32>
      %parallel_loop3A_244 = arith.index_cast %parallel_loop3A_220 : i32 to index
      %parallel_loop3A_245 = arith.constant 16 : index
      %parallel_loop3A_246 = tpu.vector_load %arg8[%parallel_loop3A_244, %parallel_loop3A_245] {strides = array<i32>} : memref<64x128xf32, #tpu.memory_space<vmem>>, vector<1x16xf32>,
      %parallel_loop3A_247 = vector.shape_cast %parallel_loop3A_246 : vector<1x16xf32> to vector<16xf32>
      %parallel_loop3A_248 = vector.shape_cast %parallel_loop3A_243 : vector<16xf32> to vector<1x16xf32>
      tpu.vector_store %arg8[%parallel_loop3A_244, %parallel_loop3A_245], %parallel_loop3A_248 {strides = array<i32>} : memref<64x128xf32, #tpu.memory_space<vmem>>, vector<1x16xf32>,
      %parallel_loop3A_249 = arith.index_cast %parallel_loop3A_220 : i32 to index
      %parallel_loop3A_250 = arith.constant 32 : index
      %parallel_loop3A_251 = tpu.vector_load %arg8[%parallel_loop3A_249, %parallel_loop3A_250] {strides = array<i32>} : memref<64x128xf32, #tpu.memory_space<vmem>>, vector<1x16xf32>,
      %parallel_loop3A_252 = vector.shape_cast %parallel_loop3A_251 : vector<1x16xf32> to vector<16xf32>
      %parallel_loop3A_253 = arith.index_cast %parallel_loop3A_220 : i32 to index
      %parallel_loop3A_254 = arith.constant 32 : index
      %parallel_loop3A_255 = tpu.vector_load %arg12[%parallel_loop3A_253, %parallel_loop3A_254] {strides = array<i32>} : memref<64x128xf32, #tpu.memory_space<vmem>>, vector<1x16xf32>,
      %parallel_loop3A_256 = vector.shape_cast %parallel_loop3A_255 : vector<1x16xf32> to vector<16xf32>
      %parallel_loop3A_257 = arith.addf %parallel_loop3A_252, %parallel_loop3A_256 : vector<16xf32>
      %parallel_loop3A_258 = arith.index_cast %parallel_loop3A_220 : i32 to index
      %parallel_loop3A_259 = arith.constant 32 : index
      %parallel_loop3A_260 = tpu.vector_load %arg8[%parallel_loop3A_258, %parallel_loop3A_259] {strides = array<i32>} : memref<64x128xf32, #tpu.memory_space<vmem>>, vector<1x16xf32>,
      %parallel_loop3A_261 = vector.shape_cast %parallel_loop3A_260 : vector<1x16xf32> to vector<16xf32>
      %parallel_loop3A_262 = vector.shape_cast %parallel_loop3A_257 : vector<16xf32> to vector<1x16xf32>
      tpu.vector_store %arg8[%parallel_loop3A_258, %parallel_loop3A_259], %parallel_loop3A_262 {strides = array<i32>} : memref<64x128xf32, #tpu.memory_space<vmem>>, vector<1x16xf32>,
      %parallel_loop3A_263 = arith.index_cast %parallel_loop3A_220 : i32 to index
      %parallel_loop3A_264 = arith.constant 48 : index
      %parallel_loop3A_265 = tpu.vector_load %arg8[%parallel_loop3A_263, %parallel_loop3A_264] {strides = array<i32>} : memref<64x128xf32, #tpu.memory_space<vmem>>, vector<1x16xf32>,
      %parallel_loop3A_266 = vector.shape_cast %parallel_loop3A_265 : vector<1x16xf32> to vector<16xf32>
      %parallel_loop3A_267 = arith.index_cast %parallel_loop3A_220 : i32 to index
      %parallel_loop3A_268 = arith.constant 48 : index
      %parallel_loop3A_269 = tpu.vector_load %arg12[%parallel_loop3A_267, %parallel_loop3A_268] {strides = array<i32>} : memref<64x128xf32, #tpu.memory_space<vmem>>, vector<1x16xf32>,
      %parallel_loop3A_270 = vector.shape_cast %parallel_loop3A_269 : vector<1x16xf32> to vector<16xf32>
      %parallel_loop3A_271 = arith.addf %parallel_loop3A_266, %parallel_loop3A_270 : vector<16xf32>
      %parallel_loop3A_272 = arith.index_cast %parallel_loop3A_220 : i32 to index
      %parallel_loop3A_273 = arith.constant 48 : index
      %parallel_loop3A_274 = tpu.vector_load %arg8[%parallel_loop3A_272, %parallel_loop3A_273] {strides = array<i32>} : memref<64x128xf32, #tpu.memory_space<vmem>>, vector<1x16xf32>,
      %parallel_loop3A_275 = vector.shape_cast %parallel_loop3A_274 : vector<1x16xf32> to vector<16xf32>
      %parallel_loop3A_276 = vector.shape_cast %parallel_loop3A_271 : vector<16xf32> to vector<1x16xf32>
      tpu.vector_store %arg8[%parallel_loop3A_272, %parallel_loop3A_273], %parallel_loop3A_276 {strides = array<i32>} : memref<64x128xf32, #tpu.memory_space<vmem>>, vector<1x16xf32>,
      %parallel_loop3A_277 = arith.index_cast %parallel_loop3A_220 : i32 to index
      %parallel_loop3A_278 = arith.constant 64 : index
      %parallel_loop3A_279 = tpu.vector_load %arg8[%parallel_loop3A_277, %parallel_loop3A_278] {strides = array<i32>} : memref<64x128xf32, #tpu.memory_space<vmem>>, vector<1x16xf32>,
      %parallel_loop3A_280 = vector.shape_cast %parallel_loop3A_279 : vector<1x16xf32> to vector<16xf32>
      %parallel_loop3A_281 = arith.index_cast %parallel_loop3A_220 : i32 to index
      %parallel_loop3A_282 = arith.constant 64 : index
      %parallel_loop3A_283 = tpu.vector_load %arg12[%parallel_loop3A_281, %parallel_loop3A_282] {strides = array<i32>} : memref<64x128xf32, #tpu.memory_space<vmem>>, vector<1x16xf32>,
      %parallel_loop3A_284 = vector.shape_cast %parallel_loop3A_283 : vector<1x16xf32> to vector<16xf32>
      %parallel_loop3A_285 = arith.addf %parallel_loop3A_280, %parallel_loop3A_284 : vector<16xf32>
      %parallel_loop3A_286 = arith.index_cast %parallel_loop3A_220 : i32 to index
      %parallel_loop3A_287 = arith.constant 64 : index
      %parallel_loop3A_288 = tpu.vector_load %arg8[%parallel_loop3A_286, %parallel_loop3A_287] {strides = array<i32>} : memref<64x128xf32, #tpu.memory_space<vmem>>, vector<1x16xf32>,
      %parallel_loop3A_289 = vector.shape_cast %parallel_loop3A_288 : vector<1x16xf32> to vector<16xf32>
      %parallel_loop3A_290 = vector.shape_cast %parallel_loop3A_285 : vector<16xf32> to vector<1x16xf32>
      tpu.vector_store %arg8[%parallel_loop3A_286, %parallel_loop3A_287], %parallel_loop3A_290 {strides = array<i32>} : memref<64x128xf32, #tpu.memory_space<vmem>>, vector<1x16xf32>,
      %parallel_loop3A_291 = arith.index_cast %parallel_loop3A_220 : i32 to index
      %parallel_loop3A_292 = arith.constant 80 : index
      %parallel_loop3A_293 = tpu.vector_load %arg8[%parallel_loop3A_291, %parallel_loop3A_292] {strides = array<i32>} : memref<64x128xf32, #tpu.memory_space<vmem>>, vector<1x16xf32>,
      %parallel_loop3A_294 = vector.shape_cast %parallel_loop3A_293 : vector<1x16xf32> to vector<16xf32>
      %parallel_loop3A_295 = arith.index_cast %parallel_loop3A_220 : i32 to index
      %parallel_loop3A_296 = arith.constant 80 : index
      %parallel_loop3A_297 = tpu.vector_load %arg12[%parallel_loop3A_295, %parallel_loop3A_296] {strides = array<i32>} : memref<64x128xf32, #tpu.memory_space<vmem>>, vector<1x16xf32>,
      %parallel_loop3A_298 = vector.shape_cast %parallel_loop3A_297 : vector<1x16xf32> to vector<16xf32>
      %parallel_loop3A_299 = arith.addf %parallel_loop3A_294, %parallel_loop3A_298 : vector<16xf32>
      %parallel_loop3A_300 = arith.index_cast %parallel_loop3A_220 : i32 to index
      %parallel_loop3A_301 = arith.constant 80 : index
      %parallel_loop3A_302 = tpu.vector_load %arg8[%parallel_loop3A_300, %parallel_loop3A_301] {strides = array<i32>} : memref<64x128xf32, #tpu.memory_space<vmem>>, vector<1x16xf32>,
      %parallel_loop3A_303 = vector.shape_cast %parallel_loop3A_302 : vector<1x16xf32> to vector<16xf32>
      %parallel_loop3A_304 = vector.shape_cast %parallel_loop3A_299 : vector<16xf32> to vector<1x16xf32>
      tpu.vector_store %arg8[%parallel_loop3A_300, %parallel_loop3A_301], %parallel_loop3A_304 {strides = array<i32>} : memref<64x128xf32, #tpu.memory_space<vmem>>, vector<1x16xf32>,
      %parallel_loop3A_305 = arith.index_cast %parallel_loop3A_220 : i32 to index
      %parallel_loop3A_306 = arith.constant 96 : index
      %parallel_loop3A_307 = tpu.vector_load %arg8[%parallel_loop3A_305, %parallel_loop3A_306] {strides = array<i32>} : memref<64x128xf32, #tpu.memory_space<vmem>>, vector<1x16xf32>,
      %parallel_loop3A_308 = vector.shape_cast %parallel_loop3A_307 : vector<1x16xf32> to vector<16xf32>
      %parallel_loop3A_309 = arith.index_cast %parallel_loop3A_220 : i32 to index
      %parallel_loop3A_310 = arith.constant 96 : index
      %parallel_loop3A_311 = tpu.vector_load %arg12[%parallel_loop3A_309, %parallel_loop3A_310] {strides = array<i32>} : memref<64x128xf32, #tpu.memory_space<vmem>>, vector<1x16xf32>,
      %parallel_loop3A_312 = vector.shape_cast %parallel_loop3A_311 : vector<1x16xf32> to vector<16xf32>
      %parallel_loop3A_313 = arith.addf %parallel_loop3A_308, %parallel_loop3A_312 : vector<16xf32>
      %parallel_loop3A_314 = arith.index_cast %parallel_loop3A_220 : i32 to index
      %parallel_loop3A_315 = arith.constant 96 : index
      %parallel_loop3A_316 = tpu.vector_load %arg8[%parallel_loop3A_314, %parallel_loop3A_315] {strides = array<i32>} : memref<64x128xf32, #tpu.memory_space<vmem>>, vector<1x16xf32>,
      %parallel_loop3A_317 = vector.shape_cast %parallel_loop3A_316 : vector<1x16xf32> to vector<16xf32>
      %parallel_loop3A_318 = vector.shape_cast %parallel_loop3A_313 : vector<16xf32> to vector<1x16xf32>
      tpu.vector_store %arg8[%parallel_loop3A_314, %parallel_loop3A_315], %parallel_loop3A_318 {strides = array<i32>} : memref<64x128xf32, #tpu.memory_space<vmem>>, vector<1x16xf32>,
      %parallel_loop3A_319 = arith.index_cast %parallel_loop3A_220 : i32 to index
      %parallel_loop3A_320 = arith.constant 112 : index
      %parallel_loop3A_321 = tpu.vector_load %arg8[%parallel_loop3A_319, %parallel_loop3A_320] {strides = array<i32>} : memref<64x128xf32, #tpu.memory_space<vmem>>, vector<1x16xf32>,
      %parallel_loop3A_322 = vector.shape_cast %parallel_loop3A_321 : vector<1x16xf32> to vector<16xf32>
      %parallel_loop3A_323 = arith.index_cast %parallel_loop3A_220 : i32 to index
      %parallel_loop3A_324 = arith.constant 112 : index
      %parallel_loop3A_325 = tpu.vector_load %arg12[%parallel_loop3A_323, %parallel_loop3A_324] {strides = array<i32>} : memref<64x128xf32, #tpu.memory_space<vmem>>, vector<1x16xf32>,
      %parallel_loop3A_326 = vector.shape_cast %parallel_loop3A_325 : vector<1x16xf32> to vector<16xf32>
      %parallel_loop3A_327 = arith.addf %parallel_loop3A_322, %parallel_loop3A_326 : vector<16xf32>
      %parallel_loop3A_328 = arith.index_cast %parallel_loop3A_220 : i32 to index
      %parallel_loop3A_329 = arith.constant 112 : index
      %parallel_loop3A_330 = tpu.vector_load %arg8[%parallel_loop3A_328, %parallel_loop3A_329] {strides = array<i32>} : memref<64x128xf32, #tpu.memory_space<vmem>>, vector<1x16xf32>,
      %parallel_loop3A_331 = vector.shape_cast %parallel_loop3A_330 : vector<1x16xf32> to vector<16xf32>
      %parallel_loop3A_332 = vector.shape_cast %parallel_loop3A_327 : vector<16xf32> to vector<1x16xf32>
      tpu.vector_store %arg8[%parallel_loop3A_328, %parallel_loop3A_329], %parallel_loop3A_332 {strides = array<i32>} : memref<64x128xf32, #tpu.memory_space<vmem>>, vector<1x16xf32>,
    } {sc.loop_unroll_factor = 4 : i64, sc.parallel_access}
    %dma_wait3A_104 = arith.constant 1 : i32
    %dma_wait3A_105 = arith.constant 0 : i32
    %dma_wait3A_106 = arith.constant 0 : i32
    %dma_wait3A_107 = tpu.memref_slice %arg5[%dma_wait3A_105, %dma_wait3A_106] : memref<204800x128xf32, #tpu.memory_space<hbm>> -> memref<64x128xf32, #tpu.memory_space<hbm>>
    %dma_wait3A_108 = arith.constant 0 : i32
    %dma_wait3A_109 = arith.constant 0 : i32
    %dma_wait3A_110 = tpu.memref_slice %arg15[%arg1, %dma_wait3A_104, %dma_wait3A_108, %dma_wait3A_109] : memref<16x4x64x128xf32, #tpu.memory_space<vmem_shared>> -> memref<1x1x64x128xf32, #tpu.memory_space<vmem_shared>>
    %dma_wait3A_111 = tpu.memref_squeeze %dma_wait3A_110 : memref<1x1x64x128xf32, #tpu.memory_space<vmem_shared>> -> memref<64x128xf32, #tpu.memory_space<vmem_shared>>
    tpu.wait_dma2 semaphore(%arg21 : memref<!tpu.dma_semaphore, #tpu.memory_space<semaphore_mem>>) src(%dma_wait3A_111 : memref<64x128xf32, #tpu.memory_space<vmem_shared>>) dst(%dma_wait3A_107 : memref<64x128xf32, #tpu.memory_space<hbm>>)
    %run_scoped3A_112 = arith.constant 1 : i32
    "tpu.region"() ({
      %run_scoped3A_220 = tpu.sem_alloc : memref<!tpu.dma_semaphore, #tpu.memory_space<semaphore_mem>>
      %dma_start3A_221 = arith.constant 0 : i32
      %dma_start3A_222 = arith.constant 0 : i32
      %dma_start3A_223 = tpu.memref_slice %arg15[%arg1, %run_scoped3A_112, %dma_start3A_221, %dma_start3A_222] : memref<16x4x64x128xf32, #tpu.memory_space<vmem_shared>> -> memref<1x1x64x128xf32, #tpu.memory_space<vmem_shared>>
      %dma_start3A_224 = tpu.memref_squeeze %dma_start3A_223 : memref<1x1x64x128xf32, #tpu.memory_space<vmem_shared>> -> memref<64x128xf32, #tpu.memory_space<vmem_shared>>
      %dma_start3A_225 = arith.constant 0 : i32
      %dma_start3A_226 = arith.constant 0 : i32
      %dma_start3A_227 = tpu.memref_slice %arg15[%arg1, %run_scoped3A_112, %dma_start3A_225, %dma_start3A_226] : memref<16x4x64x128xf32, #tpu.memory_space<vmem_shared>> -> memref<1x1x64x128xf32, #tpu.memory_space<vmem_shared>>
      %dma_start3A_228 = tpu.memref_squeeze %dma_start3A_227 : memref<1x1x64x128xf32, #tpu.memory_space<vmem_shared>> -> memref<64x128xf32, #tpu.memory_space<vmem_shared>>
      tpu.enqueue_dma source(%arg8 : memref<64x128xf32, #tpu.memory_space<vmem>>) target(%dma_start3A_228 : memref<64x128xf32, #tpu.memory_space<vmem_shared>>) target_semaphore(%run_scoped3A_220 : memref<!tpu.dma_semaphore, #tpu.memory_space<semaphore_mem>>)
      %dma_wait3A_229 = arith.constant 0 : i32
      %dma_wait3A_230 = arith.constant 0 : i32
      %dma_wait3A_231 = tpu.memref_slice %arg15[%arg1, %run_scoped3A_112, %dma_wait3A_229, %dma_wait3A_230] : memref<16x4x64x128xf32, #tpu.memory_space<vmem_shared>> -> memref<1x1x64x128xf32, #tpu.memory_space<vmem_shared>>
      %dma_wait3A_232 = tpu.memref_squeeze %dma_wait3A_231 : memref<1x1x64x128xf32, #tpu.memory_space<vmem_shared>> -> memref<64x128xf32, #tpu.memory_space<vmem_shared>>
      %dma_wait3A_233 = arith.constant 0 : i32
      %dma_wait3A_234 = arith.constant 0 : i32
      %dma_wait3A_235 = tpu.memref_slice %arg15[%arg1, %run_scoped3A_112, %dma_wait3A_233, %dma_wait3A_234] : memref<16x4x64x128xf32, #tpu.memory_space<vmem_shared>> -> memref<1x1x64x128xf32, #tpu.memory_space<vmem_shared>>
      %dma_wait3A_236 = tpu.memref_squeeze %dma_wait3A_235 : memref<1x1x64x128xf32, #tpu.memory_space<vmem_shared>> -> memref<64x128xf32, #tpu.memory_space<vmem_shared>>
      tpu.wait_dma2 semaphore(%run_scoped3A_220 : memref<!tpu.dma_semaphore, #tpu.memory_space<semaphore_mem>>) src(%arg8 : memref<64x128xf32, #tpu.memory_space<vmem>>) dst(%dma_wait3A_236 : memref<64x128xf32, #tpu.memory_space<vmem_shared>>)
      tpu.yield
    }) : () -> ()
    %add3A_113 = arith.constant 6208 : i32
    %add3A_114 = arith.addi %mul3A_2, %add3A_113 : i32
    %dma_start3A_115 = arith.constant 1 : i32
    %dma_start3A_116 = arith.constant 0 : i32
    %dma_start3A_117 = tpu.memref_slice %arg5[%add3A_114, %dma_start3A_116] : memref<204800x128xf32, #tpu.memory_space<hbm>> -> memref<64x128xf32, #tpu.memory_space<hbm>>
    %dma_start3A_118 = arith.constant 0 : i32
    %dma_start3A_119 = arith.constant 0 : i32
    %dma_start3A_120 = tpu.memref_slice %arg15[%arg1, %dma_start3A_115, %dma_start3A_118, %dma_start3A_119] : memref<16x4x64x128xf32, #tpu.memory_space<vmem_shared>> -> memref<1x1x64x128xf32, #tpu.memory_space<vmem_shared>>
    %dma_start3A_121 = tpu.memref_squeeze %dma_start3A_120 : memref<1x1x64x128xf32, #tpu.memory_space<vmem_shared>> -> memref<64x128xf32, #tpu.memory_space<vmem_shared>>
    tpu.enqueue_dma source(%dma_start3A_121 : memref<64x128xf32, #tpu.memory_space<vmem_shared>>) target(%dma_start3A_117 : memref<64x128xf32, #tpu.memory_space<hbm>>) target_semaphore(%arg21 : memref<!tpu.dma_semaphore, #tpu.memory_space<semaphore_mem>>)
    %dma_wait3A_122 = arith.constant 0 : i32
    %dma_wait3A_123 = arith.constant 0 : i32
    %dma_wait3A_124 = tpu.memref_slice %arg2[%dma_wait3A_122, %dma_wait3A_123] : memref<204800x128xf32, #tpu.memory_space<hbm>> -> memref<64x128xf32, #tpu.memory_space<hbm>>
    %dma_wait3A_125 = arith.constant 0 : i32
    %dma_wait3A_126 = arith.constant 0 : i32
    %dma_wait3A_127 = tpu.memref_slice %arg2[%dma_wait3A_125, %dma_wait3A_126] : memref<204800x128xf32, #tpu.memory_space<hbm>> -> memref<64x128xf32, #tpu.memory_space<hbm>>
    tpu.wait_dma2 semaphore(%arg18 : memref<!tpu.dma_semaphore, #tpu.memory_space<semaphore_mem>>) src(%dma_wait3A_127 : memref<64x128xf32, #tpu.memory_space<hbm>>) dst(%arg9 : memref<64x128xf32, #tpu.memory_space<vmem>>)
    %dma_wait3A_128 = arith.constant 0 : i32
    %dma_wait3A_129 = arith.constant 0 : i32
    %dma_wait3A_130 = tpu.memref_slice %arg2[%dma_wait3A_128, %dma_wait3A_129] : memref<204800x128xf32, #tpu.memory_space<hbm>> -> memref<64x128xf32, #tpu.memory_space<hbm>>
    %dma_wait3A_131 = arith.constant 0 : i32
    %dma_wait3A_132 = arith.constant 0 : i32
    %dma_wait3A_133 = tpu.memref_slice %arg2[%dma_wait3A_131, %dma_wait3A_132] : memref<204800x128xf32, #tpu.memory_space<hbm>> -> memref<64x128xf32, #tpu.memory_space<hbm>>
    tpu.wait_dma2 semaphore(%arg18 : memref<!tpu.dma_semaphore, #tpu.memory_space<semaphore_mem>>) src(%dma_wait3A_133 : memref<64x128xf32, #tpu.memory_space<hbm>>) dst(%arg13 : memref<64x128xf32, #tpu.memory_space<vmem>>)
    %parallel_loop3A_134 = arith.constant 0 : i32
    %parallel_loop3A_135 = arith.constant 64 : i32
    %parallel_loop3A_136 = arith.constant 1 : i32
    scf.for %parallel_loop3A_220 = %parallel_loop3A_134 to %parallel_loop3A_135 step %parallel_loop3A_136  : i32 {
      %parallel_loop3A_221 = arith.index_cast %parallel_loop3A_220 : i32 to index
      %parallel_loop3A_222 = arith.constant 0 : index
      %parallel_loop3A_223 = tpu.vector_load %arg9[%parallel_loop3A_221, %parallel_loop3A_222] {strides = array<i32>} : memref<64x128xf32, #tpu.memory_space<vmem>>, vector<1x16xf32>,
      %parallel_loop3A_224 = vector.shape_cast %parallel_loop3A_223 : vector<1x16xf32> to vector<16xf32>
      %parallel_loop3A_225 = arith.index_cast %parallel_loop3A_220 : i32 to index
      %parallel_loop3A_226 = arith.constant 0 : index
      %parallel_loop3A_227 = tpu.vector_load %arg13[%parallel_loop3A_225, %parallel_loop3A_226] {strides = array<i32>} : memref<64x128xf32, #tpu.memory_space<vmem>>, vector<1x16xf32>,
      %parallel_loop3A_228 = vector.shape_cast %parallel_loop3A_227 : vector<1x16xf32> to vector<16xf32>
      %parallel_loop3A_229 = arith.addf %parallel_loop3A_224, %parallel_loop3A_228 : vector<16xf32>
      %parallel_loop3A_230 = arith.index_cast %parallel_loop3A_220 : i32 to index
      %parallel_loop3A_231 = arith.constant 0 : index
      %parallel_loop3A_232 = tpu.vector_load %arg9[%parallel_loop3A_230, %parallel_loop3A_231] {strides = array<i32>} : memref<64x128xf32, #tpu.memory_space<vmem>>, vector<1x16xf32>,
      %parallel_loop3A_233 = vector.shape_cast %parallel_loop3A_232 : vector<1x16xf32> to vector<16xf32>
      %parallel_loop3A_234 = vector.shape_cast %parallel_loop3A_229 : vector<16xf32> to vector<1x16xf32>
      tpu.vector_store %arg9[%parallel_loop3A_230, %parallel_loop3A_231], %parallel_loop3A_234 {strides = array<i32>} : memref<64x128xf32, #tpu.memory_space<vmem>>, vector<1x16xf32>,
      %parallel_loop3A_235 = arith.index_cast %parallel_loop3A_220 : i32 to index
      %parallel_loop3A_236 = arith.constant 16 : index
      %parallel_loop3A_237 = tpu.vector_load %arg9[%parallel_loop3A_235, %parallel_loop3A_236] {strides = array<i32>} : memref<64x128xf32, #tpu.memory_space<vmem>>, vector<1x16xf32>,
      %parallel_loop3A_238 = vector.shape_cast %parallel_loop3A_237 : vector<1x16xf32> to vector<16xf32>
      %parallel_loop3A_239 = arith.index_cast %parallel_loop3A_220 : i32 to index
      %parallel_loop3A_240 = arith.constant 16 : index
      %parallel_loop3A_241 = tpu.vector_load %arg13[%parallel_loop3A_239, %parallel_loop3A_240] {strides = array<i32>} : memref<64x128xf32, #tpu.memory_space<vmem>>, vector<1x16xf32>,
      %parallel_loop3A_242 = vector.shape_cast %parallel_loop3A_241 : vector<1x16xf32> to vector<16xf32>
      %parallel_loop3A_243 = arith.addf %parallel_loop3A_238, %parallel_loop3A_242 : vector<16xf32>
      %parallel_loop3A_244 = arith.index_cast %parallel_loop3A_220 : i32 to index
      %parallel_loop3A_245 = arith.constant 16 : index
      %parallel_loop3A_246 = tpu.vector_load %arg9[%parallel_loop3A_244, %parallel_loop3A_245] {strides = array<i32>} : memref<64x128xf32, #tpu.memory_space<vmem>>, vector<1x16xf32>,
      %parallel_loop3A_247 = vector.shape_cast %parallel_loop3A_246 : vector<1x16xf32> to vector<16xf32>
      %parallel_loop3A_248 = vector.shape_cast %parallel_loop3A_243 : vector<16xf32> to vector<1x16xf32>
      tpu.vector_store %arg9[%parallel_loop3A_244, %parallel_loop3A_245], %parallel_loop3A_248 {strides = array<i32>} : memref<64x128xf32, #tpu.memory_space<vmem>>, vector<1x16xf32>,
      %parallel_loop3A_249 = arith.index_cast %parallel_loop3A_220 : i32 to index
      %parallel_loop3A_250 = arith.constant 32 : index
      %parallel_loop3A_251 = tpu.vector_load %arg9[%parallel_loop3A_249, %parallel_loop3A_250] {strides = array<i32>} : memref<64x128xf32, #tpu.memory_space<vmem>>, vector<1x16xf32>,
      %parallel_loop3A_252 = vector.shape_cast %parallel_loop3A_251 : vector<1x16xf32> to vector<16xf32>
      %parallel_loop3A_253 = arith.index_cast %parallel_loop3A_220 : i32 to index
      %parallel_loop3A_254 = arith.constant 32 : index
      %parallel_loop3A_255 = tpu.vector_load %arg13[%parallel_loop3A_253, %parallel_loop3A_254] {strides = array<i32>} : memref<64x128xf32, #tpu.memory_space<vmem>>, vector<1x16xf32>,
      %parallel_loop3A_256 = vector.shape_cast %parallel_loop3A_255 : vector<1x16xf32> to vector<16xf32>
      %parallel_loop3A_257 = arith.addf %parallel_loop3A_252, %parallel_loop3A_256 : vector<16xf32>
      %parallel_loop3A_258 = arith.index_cast %parallel_loop3A_220 : i32 to index
      %parallel_loop3A_259 = arith.constant 32 : index
      %parallel_loop3A_260 = tpu.vector_load %arg9[%parallel_loop3A_258, %parallel_loop3A_259] {strides = array<i32>} : memref<64x128xf32, #tpu.memory_space<vmem>>, vector<1x16xf32>,
      %parallel_loop3A_261 = vector.shape_cast %parallel_loop3A_260 : vector<1x16xf32> to vector<16xf32>
      %parallel_loop3A_262 = vector.shape_cast %parallel_loop3A_257 : vector<16xf32> to vector<1x16xf32>
      tpu.vector_store %arg9[%parallel_loop3A_258, %parallel_loop3A_259], %parallel_loop3A_262 {strides = array<i32>} : memref<64x128xf32, #tpu.memory_space<vmem>>, vector<1x16xf32>,
      %parallel_loop3A_263 = arith.index_cast %parallel_loop3A_220 : i32 to index
      %parallel_loop3A_264 = arith.constant 48 : index
      %parallel_loop3A_265 = tpu.vector_load %arg9[%parallel_loop3A_263, %parallel_loop3A_264] {strides = array<i32>} : memref<64x128xf32, #tpu.memory_space<vmem>>, vector<1x16xf32>,
      %parallel_loop3A_266 = vector.shape_cast %parallel_loop3A_265 : vector<1x16xf32> to vector<16xf32>
      %parallel_loop3A_267 = arith.index_cast %parallel_loop3A_220 : i32 to index
      %parallel_loop3A_268 = arith.constant 48 : index
      %parallel_loop3A_269 = tpu.vector_load %arg13[%parallel_loop3A_267, %parallel_loop3A_268] {strides = array<i32>} : memref<64x128xf32, #tpu.memory_space<vmem>>, vector<1x16xf32>,
      %parallel_loop3A_270 = vector.shape_cast %parallel_loop3A_269 : vector<1x16xf32> to vector<16xf32>
      %parallel_loop3A_271 = arith.addf %parallel_loop3A_266, %parallel_loop3A_270 : vector<16xf32>
      %parallel_loop3A_272 = arith.index_cast %parallel_loop3A_220 : i32 to index
      %parallel_loop3A_273 = arith.constant 48 : index
      %parallel_loop3A_274 = tpu.vector_load %arg9[%parallel_loop3A_272, %parallel_loop3A_273] {strides = array<i32>} : memref<64x128xf32, #tpu.memory_space<vmem>>, vector<1x16xf32>,
      %parallel_loop3A_275 = vector.shape_cast %parallel_loop3A_274 : vector<1x16xf32> to vector<16xf32>
      %parallel_loop3A_276 = vector.shape_cast %parallel_loop3A_271 : vector<16xf32> to vector<1x16xf32>
      tpu.vector_store %arg9[%parallel_loop3A_272, %parallel_loop3A_273], %parallel_loop3A_276 {strides = array<i32>} : memref<64x128xf32, #tpu.memory_space<vmem>>, vector<1x16xf32>,
      %parallel_loop3A_277 = arith.index_cast %parallel_loop3A_220 : i32 to index
      %parallel_loop3A_278 = arith.constant 64 : index
      %parallel_loop3A_279 = tpu.vector_load %arg9[%parallel_loop3A_277, %parallel_loop3A_278] {strides = array<i32>} : memref<64x128xf32, #tpu.memory_space<vmem>>, vector<1x16xf32>,
      %parallel_loop3A_280 = vector.shape_cast %parallel_loop3A_279 : vector<1x16xf32> to vector<16xf32>
      %parallel_loop3A_281 = arith.index_cast %parallel_loop3A_220 : i32 to index
      %parallel_loop3A_282 = arith.constant 64 : index
      %parallel_loop3A_283 = tpu.vector_load %arg13[%parallel_loop3A_281, %parallel_loop3A_282] {strides = array<i32>} : memref<64x128xf32, #tpu.memory_space<vmem>>, vector<1x16xf32>,
      %parallel_loop3A_284 = vector.shape_cast %parallel_loop3A_283 : vector<1x16xf32> to vector<16xf32>
      %parallel_loop3A_285 = arith.addf %parallel_loop3A_280, %parallel_loop3A_284 : vector<16xf32>
      %parallel_loop3A_286 = arith.index_cast %parallel_loop3A_220 : i32 to index
      %parallel_loop3A_287 = arith.constant 64 : index
      %parallel_loop3A_288 = tpu.vector_load %arg9[%parallel_loop3A_286, %parallel_loop3A_287] {strides = array<i32>} : memref<64x128xf32, #tpu.memory_space<vmem>>, vector<1x16xf32>,
      %parallel_loop3A_289 = vector.shape_cast %parallel_loop3A_288 : vector<1x16xf32> to vector<16xf32>
      %parallel_loop3A_290 = vector.shape_cast %parallel_loop3A_285 : vector<16xf32> to vector<1x16xf32>
      tpu.vector_store %arg9[%parallel_loop3A_286, %parallel_loop3A_287], %parallel_loop3A_290 {strides = array<i32>} : memref<64x128xf32, #tpu.memory_space<vmem>>, vector<1x16xf32>,
      %parallel_loop3A_291 = arith.index_cast %parallel_loop3A_220 : i32 to index
      %parallel_loop3A_292 = arith.constant 80 : index
      %parallel_loop3A_293 = tpu.vector_load %arg9[%parallel_loop3A_291, %parallel_loop3A_292] {strides = array<i32>} : memref<64x128xf32, #tpu.memory_space<vmem>>, vector<1x16xf32>,
      %parallel_loop3A_294 = vector.shape_cast %parallel_loop3A_293 : vector<1x16xf32> to vector<16xf32>
      %parallel_loop3A_295 = arith.index_cast %parallel_loop3A_220 : i32 to index
      %parallel_loop3A_296 = arith.constant 80 : index
      %parallel_loop3A_297 = tpu.vector_load %arg13[%parallel_loop3A_295, %parallel_loop3A_296] {strides = array<i32>} : memref<64x128xf32, #tpu.memory_space<vmem>>, vector<1x16xf32>,
      %parallel_loop3A_298 = vector.shape_cast %parallel_loop3A_297 : vector<1x16xf32> to vector<16xf32>
      %parallel_loop3A_299 = arith.addf %parallel_loop3A_294, %parallel_loop3A_298 : vector<16xf32>
      %parallel_loop3A_300 = arith.index_cast %parallel_loop3A_220 : i32 to index
      %parallel_loop3A_301 = arith.constant 80 : index
      %parallel_loop3A_302 = tpu.vector_load %arg9[%parallel_loop3A_300, %parallel_loop3A_301] {strides = array<i32>} : memref<64x128xf32, #tpu.memory_space<vmem>>, vector<1x16xf32>,
      %parallel_loop3A_303 = vector.shape_cast %parallel_loop3A_302 : vector<1x16xf32> to vector<16xf32>
      %parallel_loop3A_304 = vector.shape_cast %parallel_loop3A_299 : vector<16xf32> to vector<1x16xf32>
      tpu.vector_store %arg9[%parallel_loop3A_300, %parallel_loop3A_301], %parallel_loop3A_304 {strides = array<i32>} : memref<64x128xf32, #tpu.memory_space<vmem>>, vector<1x16xf32>,
      %parallel_loop3A_305 = arith.index_cast %parallel_loop3A_220 : i32 to index
      %parallel_loop3A_306 = arith.constant 96 : index
      %parallel_loop3A_307 = tpu.vector_load %arg9[%parallel_loop3A_305, %parallel_loop3A_306] {strides = array<i32>} : memref<64x128xf32, #tpu.memory_space<vmem>>, vector<1x16xf32>,
      %parallel_loop3A_308 = vector.shape_cast %parallel_loop3A_307 : vector<1x16xf32> to vector<16xf32>
      %parallel_loop3A_309 = arith.index_cast %parallel_loop3A_220 : i32 to index
      %parallel_loop3A_310 = arith.constant 96 : index
      %parallel_loop3A_311 = tpu.vector_load %arg13[%parallel_loop3A_309, %parallel_loop3A_310] {strides = array<i32>} : memref<64x128xf32, #tpu.memory_space<vmem>>, vector<1x16xf32>,
      %parallel_loop3A_312 = vector.shape_cast %parallel_loop3A_311 : vector<1x16xf32> to vector<16xf32>
      %parallel_loop3A_313 = arith.addf %parallel_loop3A_308, %parallel_loop3A_312 : vector<16xf32>
      %parallel_loop3A_314 = arith.index_cast %parallel_loop3A_220 : i32 to index
      %parallel_loop3A_315 = arith.constant 96 : index
      %parallel_loop3A_316 = tpu.vector_load %arg9[%parallel_loop3A_314, %parallel_loop3A_315] {strides = array<i32>} : memref<64x128xf32, #tpu.memory_space<vmem>>, vector<1x16xf32>,
      %parallel_loop3A_317 = vector.shape_cast %parallel_loop3A_316 : vector<1x16xf32> to vector<16xf32>
      %parallel_loop3A_318 = vector.shape_cast %parallel_loop3A_313 : vector<16xf32> to vector<1x16xf32>
      tpu.vector_store %arg9[%parallel_loop3A_314, %parallel_loop3A_315], %parallel_loop3A_318 {strides = array<i32>} : memref<64x128xf32, #tpu.memory_space<vmem>>, vector<1x16xf32>,
      %parallel_loop3A_319 = arith.index_cast %parallel_loop3A_220 : i32 to index
      %parallel_loop3A_320 = arith.constant 112 : index
      %parallel_loop3A_321 = tpu.vector_load %arg9[%parallel_loop3A_319, %parallel_loop3A_320] {strides = array<i32>} : memref<64x128xf32, #tpu.memory_space<vmem>>, vector<1x16xf32>,
      %parallel_loop3A_322 = vector.shape_cast %parallel_loop3A_321 : vector<1x16xf32> to vector<16xf32>
      %parallel_loop3A_323 = arith.index_cast %parallel_loop3A_220 : i32 to index
      %parallel_loop3A_324 = arith.constant 112 : index
      %parallel_loop3A_325 = tpu.vector_load %arg13[%parallel_loop3A_323, %parallel_loop3A_324] {strides = array<i32>} : memref<64x128xf32, #tpu.memory_space<vmem>>, vector<1x16xf32>,
      %parallel_loop3A_326 = vector.shape_cast %parallel_loop3A_325 : vector<1x16xf32> to vector<16xf32>
      %parallel_loop3A_327 = arith.addf %parallel_loop3A_322, %parallel_loop3A_326 : vector<16xf32>
      %parallel_loop3A_328 = arith.index_cast %parallel_loop3A_220 : i32 to index
      %parallel_loop3A_329 = arith.constant 112 : index
      %parallel_loop3A_330 = tpu.vector_load %arg9[%parallel_loop3A_328, %parallel_loop3A_329] {strides = array<i32>} : memref<64x128xf32, #tpu.memory_space<vmem>>, vector<1x16xf32>,
      %parallel_loop3A_331 = vector.shape_cast %parallel_loop3A_330 : vector<1x16xf32> to vector<16xf32>
      %parallel_loop3A_332 = vector.shape_cast %parallel_loop3A_327 : vector<16xf32> to vector<1x16xf32>
      tpu.vector_store %arg9[%parallel_loop3A_328, %parallel_loop3A_329], %parallel_loop3A_332 {strides = array<i32>} : memref<64x128xf32, #tpu.memory_space<vmem>>, vector<1x16xf32>,
    } {sc.loop_unroll_factor = 4 : i64, sc.parallel_access}
    %dma_wait3A_137 = arith.constant 2 : i32
    %dma_wait3A_138 = arith.constant 0 : i32
    %dma_wait3A_139 = arith.constant 0 : i32
    %dma_wait3A_140 = tpu.memref_slice %arg5[%dma_wait3A_138, %dma_wait3A_139] : memref<204800x128xf32, #tpu.memory_space<hbm>> -> memref<64x128xf32, #tpu.memory_space<hbm>>
    %dma_wait3A_141 = arith.constant 0 : i32
    %dma_wait3A_142 = arith.constant 0 : i32
    %dma_wait3A_143 = tpu.memref_slice %arg15[%arg1, %dma_wait3A_137, %dma_wait3A_141, %dma_wait3A_142] : memref<16x4x64x128xf32, #tpu.memory_space<vmem_shared>> -> memref<1x1x64x128xf32, #tpu.memory_space<vmem_shared>>
    %dma_wait3A_144 = tpu.memref_squeeze %dma_wait3A_143 : memref<1x1x64x128xf32, #tpu.memory_space<vmem_shared>> -> memref<64x128xf32, #tpu.memory_space<vmem_shared>>
    tpu.wait_dma2 semaphore(%arg22 : memref<!tpu.dma_semaphore, #tpu.memory_space<semaphore_mem>>) src(%dma_wait3A_144 : memref<64x128xf32, #tpu.memory_space<vmem_shared>>) dst(%dma_wait3A_140 : memref<64x128xf32, #tpu.memory_space<hbm>>)
    %run_scoped3A_145 = arith.constant 2 : i32
    "tpu.region"() ({
      %run_scoped3A_220 = tpu.sem_alloc : memref<!tpu.dma_semaphore, #tpu.memory_space<semaphore_mem>>
      %dma_start3A_221 = arith.constant 0 : i32
      %dma_start3A_222 = arith.constant 0 : i32
      %dma_start3A_223 = tpu.memref_slice %arg15[%arg1, %run_scoped3A_145, %dma_start3A_221, %dma_start3A_222] : memref<16x4x64x128xf32, #tpu.memory_space<vmem_shared>> -> memref<1x1x64x128xf32, #tpu.memory_space<vmem_shared>>
      %dma_start3A_224 = tpu.memref_squeeze %dma_start3A_223 : memref<1x1x64x128xf32, #tpu.memory_space<vmem_shared>> -> memref<64x128xf32, #tpu.memory_space<vmem_shared>>
      %dma_start3A_225 = arith.constant 0 : i32
      %dma_start3A_226 = arith.constant 0 : i32
      %dma_start3A_227 = tpu.memref_slice %arg15[%arg1, %run_scoped3A_145, %dma_start3A_225, %dma_start3A_226] : memref<16x4x64x128xf32, #tpu.memory_space<vmem_shared>> -> memref<1x1x64x128xf32, #tpu.memory_space<vmem_shared>>
      %dma_start3A_228 = tpu.memref_squeeze %dma_start3A_227 : memref<1x1x64x128xf32, #tpu.memory_space<vmem_shared>> -> memref<64x128xf32, #tpu.memory_space<vmem_shared>>
      tpu.enqueue_dma source(%arg9 : memref<64x128xf32, #tpu.memory_space<vmem>>) target(%dma_start3A_228 : memref<64x128xf32, #tpu.memory_space<vmem_shared>>) target_semaphore(%run_scoped3A_220 : memref<!tpu.dma_semaphore, #tpu.memory_space<semaphore_mem>>)
      %dma_wait3A_229 = arith.constant 0 : i32
      %dma_wait3A_230 = arith.constant 0 : i32
      %dma_wait3A_231 = tpu.memref_slice %arg15[%arg1, %run_scoped3A_145, %dma_wait3A_229, %dma_wait3A_230] : memref<16x4x64x128xf32, #tpu.memory_space<vmem_shared>> -> memref<1x1x64x128xf32, #tpu.memory_space<vmem_shared>>
      %dma_wait3A_232 = tpu.memref_squeeze %dma_wait3A_231 : memref<1x1x64x128xf32, #tpu.memory_space<vmem_shared>> -> memref<64x128xf32, #tpu.memory_space<vmem_shared>>
      %dma_wait3A_233 = arith.constant 0 : i32
      %dma_wait3A_234 = arith.constant 0 : i32
      %dma_wait3A_235 = tpu.memref_slice %arg15[%arg1, %run_scoped3A_145, %dma_wait3A_233, %dma_wait3A_234] : memref<16x4x64x128xf32, #tpu.memory_space<vmem_shared>> -> memref<1x1x64x128xf32, #tpu.memory_space<vmem_shared>>
      %dma_wait3A_236 = tpu.memref_squeeze %dma_wait3A_235 : memref<1x1x64x128xf32, #tpu.memory_space<vmem_shared>> -> memref<64x128xf32, #tpu.memory_space<vmem_shared>>
      tpu.wait_dma2 semaphore(%run_scoped3A_220 : memref<!tpu.dma_semaphore, #tpu.memory_space<semaphore_mem>>) src(%arg9 : memref<64x128xf32, #tpu.memory_space<vmem>>) dst(%dma_wait3A_236 : memref<64x128xf32, #tpu.memory_space<vmem_shared>>)
      tpu.yield
    }) : () -> ()
    %add3A_146 = arith.constant 6272 : i32
    %add3A_147 = arith.addi %mul3A_2, %add3A_146 : i32
    %dma_start3A_148 = arith.constant 2 : i32
    %dma_start3A_149 = arith.constant 0 : i32
    %dma_start3A_150 = tpu.memref_slice %arg5[%add3A_147, %dma_start3A_149] : memref<204800x128xf32, #tpu.memory_space<hbm>> -> memref<64x128xf32, #tpu.memory_space<hbm>>
    %dma_start3A_151 = arith.constant 0 : i32
    %dma_start3A_152 = arith.constant 0 : i32
    %dma_start3A_153 = tpu.memref_slice %arg15[%arg1, %dma_start3A_148, %dma_start3A_151, %dma_start3A_152] : memref<16x4x64x128xf32, #tpu.memory_space<vmem_shared>> -> memref<1x1x64x128xf32, #tpu.memory_space<vmem_shared>>
    %dma_start3A_154 = tpu.memref_squeeze %dma_start3A_153 : memref<1x1x64x128xf32, #tpu.memory_space<vmem_shared>> -> memref<64x128xf32, #tpu.memory_space<vmem_shared>>
    tpu.enqueue_dma source(%dma_start3A_154 : memref<64x128xf32, #tpu.memory_space<vmem_shared>>) target(%dma_start3A_150 : memref<64x128xf32, #tpu.memory_space<hbm>>) target_semaphore(%arg22 : memref<!tpu.dma_semaphore, #tpu.memory_space<semaphore_mem>>)
    %dma_wait3A_155 = arith.constant 0 : i32
    %dma_wait3A_156 = arith.constant 0 : i32
    %dma_wait3A_157 = tpu.memref_slice %arg2[%dma_wait3A_155, %dma_wait3A_156] : memref<204800x128xf32, #tpu.memory_space<hbm>> -> memref<64x128xf32, #tpu.memory_space<hbm>>
    %dma_wait3A_158 = arith.constant 0 : i32
    %dma_wait3A_159 = arith.constant 0 : i32
    %dma_wait3A_160 = tpu.memref_slice %arg2[%dma_wait3A_158, %dma_wait3A_159] : memref<204800x128xf32, #tpu.memory_space<hbm>> -> memref<64x128xf32, #tpu.memory_space<hbm>>
    tpu.wait_dma2 semaphore(%arg19 : memref<!tpu.dma_semaphore, #tpu.memory_space<semaphore_mem>>) src(%dma_wait3A_160 : memref<64x128xf32, #tpu.memory_space<hbm>>) dst(%arg10 : memref<64x128xf32, #tpu.memory_space<vmem>>)
    %dma_wait3A_161 = arith.constant 0 : i32
    %dma_wait3A_162 = arith.constant 0 : i32
    %dma_wait3A_163 = tpu.memref_slice %arg2[%dma_wait3A_161, %dma_wait3A_162] : memref<204800x128xf32, #tpu.memory_space<hbm>> -> memref<64x128xf32, #tpu.memory_space<hbm>>
    %dma_wait3A_164 = arith.constant 0 : i32
    %dma_wait3A_165 = arith.constant 0 : i32
    %dma_wait3A_166 = tpu.memref_slice %arg2[%dma_wait3A_164, %dma_wait3A_165] : memref<204800x128xf32, #tpu.memory_space<hbm>> -> memref<64x128xf32, #tpu.memory_space<hbm>>
    tpu.wait_dma2 semaphore(%arg19 : memref<!tpu.dma_semaphore, #tpu.memory_space<semaphore_mem>>) src(%dma_wait3A_166 : memref<64x128xf32, #tpu.memory_space<hbm>>) dst(%arg14 : memref<64x128xf32, #tpu.memory_space<vmem>>)
    %parallel_loop3A_167 = arith.constant 0 : i32
    %parallel_loop3A_168 = arith.constant 64 : i32
    %parallel_loop3A_169 = arith.constant 1 : i32
    scf.for %parallel_loop3A_220 = %parallel_loop3A_167 to %parallel_loop3A_168 step %parallel_loop3A_169  : i32 {
      %parallel_loop3A_221 = arith.index_cast %parallel_loop3A_220 : i32 to index
      %parallel_loop3A_222 = arith.constant 0 : index
      %parallel_loop3A_223 = tpu.vector_load %arg10[%parallel_loop3A_221, %parallel_loop3A_222] {strides = array<i32>} : memref<64x128xf32, #tpu.memory_space<vmem>>, vector<1x16xf32>,
      %parallel_loop3A_224 = vector.shape_cast %parallel_loop3A_223 : vector<1x16xf32> to vector<16xf32>
      %parallel_loop3A_225 = arith.index_cast %parallel_loop3A_220 : i32 to index
      %parallel_loop3A_226 = arith.constant 0 : index
      %parallel_loop3A_227 = tpu.vector_load %arg14[%parallel_loop3A_225, %parallel_loop3A_226] {strides = array<i32>} : memref<64x128xf32, #tpu.memory_space<vmem>>, vector<1x16xf32>,
      %parallel_loop3A_228 = vector.shape_cast %parallel_loop3A_227 : vector<1x16xf32> to vector<16xf32>
      %parallel_loop3A_229 = arith.addf %parallel_loop3A_224, %parallel_loop3A_228 : vector<16xf32>
      %parallel_loop3A_230 = arith.index_cast %parallel_loop3A_220 : i32 to index
      %parallel_loop3A_231 = arith.constant 0 : index
      %parallel_loop3A_232 = tpu.vector_load %arg10[%parallel_loop3A_230, %parallel_loop3A_231] {strides = array<i32>} : memref<64x128xf32, #tpu.memory_space<vmem>>, vector<1x16xf32>,
      %parallel_loop3A_233 = vector.shape_cast %parallel_loop3A_232 : vector<1x16xf32> to vector<16xf32>
      %parallel_loop3A_234 = vector.shape_cast %parallel_loop3A_229 : vector<16xf32> to vector<1x16xf32>
      tpu.vector_store %arg10[%parallel_loop3A_230, %parallel_loop3A_231], %parallel_loop3A_234 {strides = array<i32>} : memref<64x128xf32, #tpu.memory_space<vmem>>, vector<1x16xf32>,
      %parallel_loop3A_235 = arith.index_cast %parallel_loop3A_220 : i32 to index
      %parallel_loop3A_236 = arith.constant 16 : index
      %parallel_loop3A_237 = tpu.vector_load %arg10[%parallel_loop3A_235, %parallel_loop3A_236] {strides = array<i32>} : memref<64x128xf32, #tpu.memory_space<vmem>>, vector<1x16xf32>,
      %parallel_loop3A_238 = vector.shape_cast %parallel_loop3A_237 : vector<1x16xf32> to vector<16xf32>
      %parallel_loop3A_239 = arith.index_cast %parallel_loop3A_220 : i32 to index
      %parallel_loop3A_240 = arith.constant 16 : index
      %parallel_loop3A_241 = tpu.vector_load %arg14[%parallel_loop3A_239, %parallel_loop3A_240] {strides = array<i32>} : memref<64x128xf32, #tpu.memory_space<vmem>>, vector<1x16xf32>,
      %parallel_loop3A_242 = vector.shape_cast %parallel_loop3A_241 : vector<1x16xf32> to vector<16xf32>
      %parallel_loop3A_243 = arith.addf %parallel_loop3A_238, %parallel_loop3A_242 : vector<16xf32>
      %parallel_loop3A_244 = arith.index_cast %parallel_loop3A_220 : i32 to index
      %parallel_loop3A_245 = arith.constant 16 : index
      %parallel_loop3A_246 = tpu.vector_load %arg10[%parallel_loop3A_244, %parallel_loop3A_245] {strides = array<i32>} : memref<64x128xf32, #tpu.memory_space<vmem>>, vector<1x16xf32>,
      %parallel_loop3A_247 = vector.shape_cast %parallel_loop3A_246 : vector<1x16xf32> to vector<16xf32>
      %parallel_loop3A_248 = vector.shape_cast %parallel_loop3A_243 : vector<16xf32> to vector<1x16xf32>
      tpu.vector_store %arg10[%parallel_loop3A_244, %parallel_loop3A_245], %parallel_loop3A_248 {strides = array<i32>} : memref<64x128xf32, #tpu.memory_space<vmem>>, vector<1x16xf32>,
      %parallel_loop3A_249 = arith.index_cast %parallel_loop3A_220 : i32 to index
      %parallel_loop3A_250 = arith.constant 32 : index
      %parallel_loop3A_251 = tpu.vector_load %arg10[%parallel_loop3A_249, %parallel_loop3A_250] {strides = array<i32>} : memref<64x128xf32, #tpu.memory_space<vmem>>, vector<1x16xf32>,
      %parallel_loop3A_252 = vector.shape_cast %parallel_loop3A_251 : vector<1x16xf32> to vector<16xf32>
      %parallel_loop3A_253 = arith.index_cast %parallel_loop3A_220 : i32 to index
      %parallel_loop3A_254 = arith.constant 32 : index
      %parallel_loop3A_255 = tpu.vector_load %arg14[%parallel_loop3A_253, %parallel_loop3A_254] {strides = array<i32>} : memref<64x128xf32, #tpu.memory_space<vmem>>, vector<1x16xf32>,
      %parallel_loop3A_256 = vector.shape_cast %parallel_loop3A_255 : vector<1x16xf32> to vector<16xf32>
      %parallel_loop3A_257 = arith.addf %parallel_loop3A_252, %parallel_loop3A_256 : vector<16xf32>
      %parallel_loop3A_258 = arith.index_cast %parallel_loop3A_220 : i32 to index
      %parallel_loop3A_259 = arith.constant 32 : index
      %parallel_loop3A_260 = tpu.vector_load %arg10[%parallel_loop3A_258, %parallel_loop3A_259] {strides = array<i32>} : memref<64x128xf32, #tpu.memory_space<vmem>>, vector<1x16xf32>,
      %parallel_loop3A_261 = vector.shape_cast %parallel_loop3A_260 : vector<1x16xf32> to vector<16xf32>
      %parallel_loop3A_262 = vector.shape_cast %parallel_loop3A_257 : vector<16xf32> to vector<1x16xf32>
      tpu.vector_store %arg10[%parallel_loop3A_258, %parallel_loop3A_259], %parallel_loop3A_262 {strides = array<i32>} : memref<64x128xf32, #tpu.memory_space<vmem>>, vector<1x16xf32>,
      %parallel_loop3A_263 = arith.index_cast %parallel_loop3A_220 : i32 to index
      %parallel_loop3A_264 = arith.constant 48 : index
      %parallel_loop3A_265 = tpu.vector_load %arg10[%parallel_loop3A_263, %parallel_loop3A_264] {strides = array<i32>} : memref<64x128xf32, #tpu.memory_space<vmem>>, vector<1x16xf32>,
      %parallel_loop3A_266 = vector.shape_cast %parallel_loop3A_265 : vector<1x16xf32> to vector<16xf32>
      %parallel_loop3A_267 = arith.index_cast %parallel_loop3A_220 : i32 to index
      %parallel_loop3A_268 = arith.constant 48 : index
      %parallel_loop3A_269 = tpu.vector_load %arg14[%parallel_loop3A_267, %parallel_loop3A_268] {strides = array<i32>} : memref<64x128xf32, #tpu.memory_space<vmem>>, vector<1x16xf32>,
      %parallel_loop3A_270 = vector.shape_cast %parallel_loop3A_269 : vector<1x16xf32> to vector<16xf32>
      %parallel_loop3A_271 = arith.addf %parallel_loop3A_266, %parallel_loop3A_270 : vector<16xf32>
      %parallel_loop3A_272 = arith.index_cast %parallel_loop3A_220 : i32 to index
      %parallel_loop3A_273 = arith.constant 48 : index
      %parallel_loop3A_274 = tpu.vector_load %arg10[%parallel_loop3A_272, %parallel_loop3A_273] {strides = array<i32>} : memref<64x128xf32, #tpu.memory_space<vmem>>, vector<1x16xf32>,
      %parallel_loop3A_275 = vector.shape_cast %parallel_loop3A_274 : vector<1x16xf32> to vector<16xf32>
      %parallel_loop3A_276 = vector.shape_cast %parallel_loop3A_271 : vector<16xf32> to vector<1x16xf32>
      tpu.vector_store %arg10[%parallel_loop3A_272, %parallel_loop3A_273], %parallel_loop3A_276 {strides = array<i32>} : memref<64x128xf32, #tpu.memory_space<vmem>>, vector<1x16xf32>,
      %parallel_loop3A_277 = arith.index_cast %parallel_loop3A_220 : i32 to index
      %parallel_loop3A_278 = arith.constant 64 : index
      %parallel_loop3A_279 = tpu.vector_load %arg10[%parallel_loop3A_277, %parallel_loop3A_278] {strides = array<i32>} : memref<64x128xf32, #tpu.memory_space<vmem>>, vector<1x16xf32>,
      %parallel_loop3A_280 = vector.shape_cast %parallel_loop3A_279 : vector<1x16xf32> to vector<16xf32>
      %parallel_loop3A_281 = arith.index_cast %parallel_loop3A_220 : i32 to index
      %parallel_loop3A_282 = arith.constant 64 : index
      %parallel_loop3A_283 = tpu.vector_load %arg14[%parallel_loop3A_281, %parallel_loop3A_282] {strides = array<i32>} : memref<64x128xf32, #tpu.memory_space<vmem>>, vector<1x16xf32>,
      %parallel_loop3A_284 = vector.shape_cast %parallel_loop3A_283 : vector<1x16xf32> to vector<16xf32>
      %parallel_loop3A_285 = arith.addf %parallel_loop3A_280, %parallel_loop3A_284 : vector<16xf32>
      %parallel_loop3A_286 = arith.index_cast %parallel_loop3A_220 : i32 to index
      %parallel_loop3A_287 = arith.constant 64 : index
      %parallel_loop3A_288 = tpu.vector_load %arg10[%parallel_loop3A_286, %parallel_loop3A_287] {strides = array<i32>} : memref<64x128xf32, #tpu.memory_space<vmem>>, vector<1x16xf32>,
      %parallel_loop3A_289 = vector.shape_cast %parallel_loop3A_288 : vector<1x16xf32> to vector<16xf32>
      %parallel_loop3A_290 = vector.shape_cast %parallel_loop3A_285 : vector<16xf32> to vector<1x16xf32>
      tpu.vector_store %arg10[%parallel_loop3A_286, %parallel_loop3A_287], %parallel_loop3A_290 {strides = array<i32>} : memref<64x128xf32, #tpu.memory_space<vmem>>, vector<1x16xf32>,
      %parallel_loop3A_291 = arith.index_cast %parallel_loop3A_220 : i32 to index
      %parallel_loop3A_292 = arith.constant 80 : index
      %parallel_loop3A_293 = tpu.vector_load %arg10[%parallel_loop3A_291, %parallel_loop3A_292] {strides = array<i32>} : memref<64x128xf32, #tpu.memory_space<vmem>>, vector<1x16xf32>,
      %parallel_loop3A_294 = vector.shape_cast %parallel_loop3A_293 : vector<1x16xf32> to vector<16xf32>
      %parallel_loop3A_295 = arith.index_cast %parallel_loop3A_220 : i32 to index
      %parallel_loop3A_296 = arith.constant 80 : index
      %parallel_loop3A_297 = tpu.vector_load %arg14[%parallel_loop3A_295, %parallel_loop3A_296] {strides = array<i32>} : memref<64x128xf32, #tpu.memory_space<vmem>>, vector<1x16xf32>,
      %parallel_loop3A_298 = vector.shape_cast %parallel_loop3A_297 : vector<1x16xf32> to vector<16xf32>
      %parallel_loop3A_299 = arith.addf %parallel_loop3A_294, %parallel_loop3A_298 : vector<16xf32>
      %parallel_loop3A_300 = arith.index_cast %parallel_loop3A_220 : i32 to index
      %parallel_loop3A_301 = arith.constant 80 : index
      %parallel_loop3A_302 = tpu.vector_load %arg10[%parallel_loop3A_300, %parallel_loop3A_301] {strides = array<i32>} : memref<64x128xf32, #tpu.memory_space<vmem>>, vector<1x16xf32>,
      %parallel_loop3A_303 = vector.shape_cast %parallel_loop3A_302 : vector<1x16xf32> to vector<16xf32>
      %parallel_loop3A_304 = vector.shape_cast %parallel_loop3A_299 : vector<16xf32> to vector<1x16xf32>
      tpu.vector_store %arg10[%parallel_loop3A_300, %parallel_loop3A_301], %parallel_loop3A_304 {strides = array<i32>} : memref<64x128xf32, #tpu.memory_space<vmem>>, vector<1x16xf32>,
      %parallel_loop3A_305 = arith.index_cast %parallel_loop3A_220 : i32 to index
      %parallel_loop3A_306 = arith.constant 96 : index
      %parallel_loop3A_307 = tpu.vector_load %arg10[%parallel_loop3A_305, %parallel_loop3A_306] {strides = array<i32>} : memref<64x128xf32, #tpu.memory_space<vmem>>, vector<1x16xf32>,
      %parallel_loop3A_308 = vector.shape_cast %parallel_loop3A_307 : vector<1x16xf32> to vector<16xf32>
      %parallel_loop3A_309 = arith.index_cast %parallel_loop3A_220 : i32 to index
      %parallel_loop3A_310 = arith.constant 96 : index
      %parallel_loop3A_311 = tpu.vector_load %arg14[%parallel_loop3A_309, %parallel_loop3A_310] {strides = array<i32>} : memref<64x128xf32, #tpu.memory_space<vmem>>, vector<1x16xf32>,
      %parallel_loop3A_312 = vector.shape_cast %parallel_loop3A_311 : vector<1x16xf32> to vector<16xf32>
      %parallel_loop3A_313 = arith.addf %parallel_loop3A_308, %parallel_loop3A_312 : vector<16xf32>
      %parallel_loop3A_314 = arith.index_cast %parallel_loop3A_220 : i32 to index
      %parallel_loop3A_315 = arith.constant 96 : index
      %parallel_loop3A_316 = tpu.vector_load %arg10[%parallel_loop3A_314, %parallel_loop3A_315] {strides = array<i32>} : memref<64x128xf32, #tpu.memory_space<vmem>>, vector<1x16xf32>,
      %parallel_loop3A_317 = vector.shape_cast %parallel_loop3A_316 : vector<1x16xf32> to vector<16xf32>
      %parallel_loop3A_318 = vector.shape_cast %parallel_loop3A_313 : vector<16xf32> to vector<1x16xf32>
      tpu.vector_store %arg10[%parallel_loop3A_314, %parallel_loop3A_315], %parallel_loop3A_318 {strides = array<i32>} : memref<64x128xf32, #tpu.memory_space<vmem>>, vector<1x16xf32>,
      %parallel_loop3A_319 = arith.index_cast %parallel_loop3A_220 : i32 to index
      %parallel_loop3A_320 = arith.constant 112 : index
      %parallel_loop3A_321 = tpu.vector_load %arg10[%parallel_loop3A_319, %parallel_loop3A_320] {strides = array<i32>} : memref<64x128xf32, #tpu.memory_space<vmem>>, vector<1x16xf32>,
      %parallel_loop3A_322 = vector.shape_cast %parallel_loop3A_321 : vector<1x16xf32> to vector<16xf32>
      %parallel_loop3A_323 = arith.index_cast %parallel_loop3A_220 : i32 to index
      %parallel_loop3A_324 = arith.constant 112 : index
      %parallel_loop3A_325 = tpu.vector_load %arg14[%parallel_loop3A_323, %parallel_loop3A_324] {strides = array<i32>} : memref<64x128xf32, #tpu.memory_space<vmem>>, vector<1x16xf32>,
      %parallel_loop3A_326 = vector.shape_cast %parallel_loop3A_325 : vector<1x16xf32> to vector<16xf32>
      %parallel_loop3A_327 = arith.addf %parallel_loop3A_322, %parallel_loop3A_326 : vector<16xf32>
      %parallel_loop3A_328 = arith.index_cast %parallel_loop3A_220 : i32 to index
      %parallel_loop3A_329 = arith.constant 112 : index
      %parallel_loop3A_330 = tpu.vector_load %arg10[%parallel_loop3A_328, %parallel_loop3A_329] {strides = array<i32>} : memref<64x128xf32, #tpu.memory_space<vmem>>, vector<1x16xf32>,
      %parallel_loop3A_331 = vector.shape_cast %parallel_loop3A_330 : vector<1x16xf32> to vector<16xf32>
      %parallel_loop3A_332 = vector.shape_cast %parallel_loop3A_327 : vector<16xf32> to vector<1x16xf32>
      tpu.vector_store %arg10[%parallel_loop3A_328, %parallel_loop3A_329], %parallel_loop3A_332 {strides = array<i32>} : memref<64x128xf32, #tpu.memory_space<vmem>>, vector<1x16xf32>,
    } {sc.loop_unroll_factor = 4 : i64, sc.parallel_access}
    %dma_wait3A_170 = arith.constant 3 : i32
    %dma_wait3A_171 = arith.constant 0 : i32
    %dma_wait3A_172 = arith.constant 0 : i32
    %dma_wait3A_173 = tpu.memref_slice %arg5[%dma_wait3A_171, %dma_wait3A_172] : memref<204800x128xf32, #tpu.memory_space<hbm>> -> memref<64x128xf32, #tpu.memory_space<hbm>>
    %dma_wait3A_174 = arith.constant 0 : i32
    %dma_wait3A_175 = arith.constant 0 : i32
    %dma_wait3A_176 = tpu.memref_slice %arg15[%arg1, %dma_wait3A_170, %dma_wait3A_174, %dma_wait3A_175] : memref<16x4x64x128xf32, #tpu.memory_space<vmem_shared>> -> memref<1x1x64x128xf32, #tpu.memory_space<vmem_shared>>
    %dma_wait3A_177 = tpu.memref_squeeze %dma_wait3A_176 : memref<1x1x64x128xf32, #tpu.memory_space<vmem_shared>> -> memref<64x128xf32, #tpu.memory_space<vmem_shared>>
    tpu.wait_dma2 semaphore(%arg23 : memref<!tpu.dma_semaphore, #tpu.memory_space<semaphore_mem>>) src(%dma_wait3A_177 : memref<64x128xf32, #tpu.memory_space<vmem_shared>>) dst(%dma_wait3A_173 : memref<64x128xf32, #tpu.memory_space<hbm>>)
    %run_scoped3A_178 = arith.constant 3 : i32
    "tpu.region"() ({
      %run_scoped3A_220 = tpu.sem_alloc : memref<!tpu.dma_semaphore, #tpu.memory_space<semaphore_mem>>
      %dma_start3A_221 = arith.constant 0 : i32
      %dma_start3A_222 = arith.constant 0 : i32
      %dma_start3A_223 = tpu.memref_slice %arg15[%arg1, %run_scoped3A_178, %dma_start3A_221, %dma_start3A_222] : memref<16x4x64x128xf32, #tpu.memory_space<vmem_shared>> -> memref<1x1x64x128xf32, #tpu.memory_space<vmem_shared>>
      %dma_start3A_224 = tpu.memref_squeeze %dma_start3A_223 : memref<1x1x64x128xf32, #tpu.memory_space<vmem_shared>> -> memref<64x128xf32, #tpu.memory_space<vmem_shared>>
      %dma_start3A_225 = arith.constant 0 : i32
      %dma_start3A_226 = arith.constant 0 : i32
      %dma_start3A_227 = tpu.memref_slice %arg15[%arg1, %run_scoped3A_178, %dma_start3A_225, %dma_start3A_226] : memref<16x4x64x128xf32, #tpu.memory_space<vmem_shared>> -> memref<1x1x64x128xf32, #tpu.memory_space<vmem_shared>>
      %dma_start3A_228 = tpu.memref_squeeze %dma_start3A_227 : memref<1x1x64x128xf32, #tpu.memory_space<vmem_shared>> -> memref<64x128xf32, #tpu.memory_space<vmem_shared>>
      tpu.enqueue_dma source(%arg10 : memref<64x128xf32, #tpu.memory_space<vmem>>) target(%dma_start3A_228 : memref<64x128xf32, #tpu.memory_space<vmem_shared>>) target_semaphore(%run_scoped3A_220 : memref<!tpu.dma_semaphore, #tpu.memory_space<semaphore_mem>>)
      %dma_wait3A_229 = arith.constant 0 : i32
      %dma_wait3A_230 = arith.constant 0 : i32
      %dma_wait3A_231 = tpu.memref_slice %arg15[%arg1, %run_scoped3A_178, %dma_wait3A_229, %dma_wait3A_230] : memref<16x4x64x128xf32, #tpu.memory_space<vmem_shared>> -> memref<1x1x64x128xf32, #tpu.memory_space<vmem_shared>>
      %dma_wait3A_232 = tpu.memref_squeeze %dma_wait3A_231 : memref<1x1x64x128xf32, #tpu.memory_space<vmem_shared>> -> memref<64x128xf32, #tpu.memory_space<vmem_shared>>
      %dma_wait3A_233 = arith.constant 0 : i32
      %dma_wait3A_234 = arith.constant 0 : i32
      %dma_wait3A_235 = tpu.memref_slice %arg15[%arg1, %run_scoped3A_178, %dma_wait3A_233, %dma_wait3A_234] : memref<16x4x64x128xf32, #tpu.memory_space<vmem_shared>> -> memref<1x1x64x128xf32, #tpu.memory_space<vmem_shared>>
      %dma_wait3A_236 = tpu.memref_squeeze %dma_wait3A_235 : memref<1x1x64x128xf32, #tpu.memory_space<vmem_shared>> -> memref<64x128xf32, #tpu.memory_space<vmem_shared>>
      tpu.wait_dma2 semaphore(%run_scoped3A_220 : memref<!tpu.dma_semaphore, #tpu.memory_space<semaphore_mem>>) src(%arg10 : memref<64x128xf32, #tpu.memory_space<vmem>>) dst(%dma_wait3A_236 : memref<64x128xf32, #tpu.memory_space<vmem_shared>>)
      tpu.yield
    }) : () -> ()
    %add3A_179 = arith.constant 6336 : i32
    %add3A_180 = arith.addi %mul3A_2, %add3A_179 : i32
    %dma_start3A_181 = arith.constant 3 : i32
    %dma_start3A_182 = arith.constant 0 : i32
    %dma_start3A_183 = tpu.memref_slice %arg5[%add3A_180, %dma_start3A_182] : memref<204800x128xf32, #tpu.memory_space<hbm>> -> memref<64x128xf32, #tpu.memory_space<hbm>>
    %dma_start3A_184 = arith.constant 0 : i32
    %dma_start3A_185 = arith.constant 0 : i32
    %dma_start3A_186 = tpu.memref_slice %arg15[%arg1, %dma_start3A_181, %dma_start3A_184, %dma_start3A_185] : memref<16x4x64x128xf32, #tpu.memory_space<vmem_shared>> -> memref<1x1x64x128xf32, #tpu.memory_space<vmem_shared>>
    %dma_start3A_187 = tpu.memref_squeeze %dma_start3A_186 : memref<1x1x64x128xf32, #tpu.memory_space<vmem_shared>> -> memref<64x128xf32, #tpu.memory_space<vmem_shared>>
    tpu.enqueue_dma source(%dma_start3A_187 : memref<64x128xf32, #tpu.memory_space<vmem_shared>>) target(%dma_start3A_183 : memref<64x128xf32, #tpu.memory_space<hbm>>) target_semaphore(%arg23 : memref<!tpu.dma_semaphore, #tpu.memory_space<semaphore_mem>>)
    %dma_wait3A_188 = arith.constant 0 : i32
    %dma_wait3A_189 = arith.constant 0 : i32
    %dma_wait3A_190 = arith.constant 0 : i32
    %dma_wait3A_191 = tpu.memref_slice %arg5[%dma_wait3A_189, %dma_wait3A_190] : memref<204800x128xf32, #tpu.memory_space<hbm>> -> memref<64x128xf32, #tpu.memory_space<hbm>>
    %dma_wait3A_192 = arith.constant 0 : i32
    %dma_wait3A_193 = arith.constant 0 : i32
    %dma_wait3A_194 = tpu.memref_slice %arg15[%arg1, %dma_wait3A_188, %dma_wait3A_192, %dma_wait3A_193] : memref<16x4x64x128xf32, #tpu.memory_space<vmem_shared>> -> memref<1x1x64x128xf32, #tpu.memory_space<vmem_shared>>
    %dma_wait3A_195 = tpu.memref_squeeze %dma_wait3A_194 : memref<1x1x64x128xf32, #tpu.memory_space<vmem_shared>> -> memref<64x128xf32, #tpu.memory_space<vmem_shared>>
    tpu.wait_dma2 semaphore(%arg20 : memref<!tpu.dma_semaphore, #tpu.memory_space<semaphore_mem>>) src(%dma_wait3A_195 : memref<64x128xf32, #tpu.memory_space<vmem_shared>>) dst(%dma_wait3A_191 : memref<64x128xf32, #tpu.memory_space<hbm>>)
    %dma_wait3A_196 = arith.constant 1 : i32
    %dma_wait3A_197 = arith.constant 0 : i32
    %dma_wait3A_198 = arith.constant 0 : i32
    %dma_wait3A_199 = tpu.memref_slice %arg5[%dma_wait3A_197, %dma_wait3A_198] : memref<204800x128xf32, #tpu.memory_space<hbm>> -> memref<64x128xf32, #tpu.memory_space<hbm>>
    %dma_wait3A_200 = arith.constant 0 : i32
    %dma_wait3A_201 = arith.constant 0 : i32
    %dma_wait3A_202 = tpu.memref_slice %arg15[%arg1, %dma_wait3A_196, %dma_wait3A_200, %dma_wait3A_201] : memref<16x4x64x128xf32, #tpu.memory_space<vmem_shared>> -> memref<1x1x64x128xf32, #tpu.memory_space<vmem_shared>>
    %dma_wait3A_203 = tpu.memref_squeeze %dma_wait3A_202 : memref<1x1x64x128xf32, #tpu.memory_space<vmem_shared>> -> memref<64x128xf32, #tpu.memory_space<vmem_shared>>
    tpu.wait_dma2 semaphore(%arg21 : memref<!tpu.dma_semaphore, #tpu.memory_space<semaphore_mem>>) src(%dma_wait3A_203 : memref<64x128xf32, #tpu.memory_space<vmem_shared>>) dst(%dma_wait3A_199 : memref<64x128xf32, #tpu.memory_space<hbm>>)
    %dma_wait3A_204 = arith.constant 2 : i32
    %dma_wait3A_205 = arith.constant 0 : i32
    %dma_wait3A_206 = arith.constant 0 : i32
    %dma_wait3A_207 = tpu.memref_slice %arg5[%dma_wait3A_205, %dma_wait3A_206] : memref<204800x128xf32, #tpu.memory_space<hbm>> -> memref<64x128xf32, #tpu.memory_space<hbm>>
    %dma_wait3A_208 = arith.constant 0 : i32
    %dma_wait3A_209 = arith.constant 0 : i32
    %dma_wait3A_210 = tpu.memref_slice %arg15[%arg1, %dma_wait3A_204, %dma_wait3A_208, %dma_wait3A_209] : memref<16x4x64x128xf32, #tpu.memory_space<vmem_shared>> -> memref<1x1x64x128xf32, #tpu.memory_space<vmem_shared>>
    %dma_wait3A_211 = tpu.memref_squeeze %dma_wait3A_210 : memref<1x1x64x128xf32, #tpu.memory_space<vmem_shared>> -> memref<64x128xf32, #tpu.memory_space<vmem_shared>>
    tpu.wait_dma2 semaphore(%arg22 : memref<!tpu.dma_semaphore, #tpu.memory_space<semaphore_mem>>) src(%dma_wait3A_211 : memref<64x128xf32, #tpu.memory_space<vmem_shared>>) dst(%dma_wait3A_207 : memref<64x128xf32, #tpu.memory_space<hbm>>)
    %dma_wait3A_212 = arith.constant 3 : i32
    %dma_wait3A_213 = arith.constant 0 : i32
    %dma_wait3A_214 = arith.constant 0 : i32
    %dma_wait3A_215 = tpu.memref_slice %arg5[%dma_wait3A_213, %dma_wait3A_214] : memref<204800x128xf32, #tpu.memory_space<hbm>> -> memref<64x128xf32, #tpu.memory_space<hbm>>
    %dma_wait3A_216 = arith.constant 0 : i32
    %dma_wait3A_217 = arith.constant 0 : i32
    %dma_wait3A_218 = tpu.memref_slice %arg15[%arg1, %dma_wait3A_212, %dma_wait3A_216, %dma_wait3A_217] : memref<16x4x64x128xf32, #tpu.memory_space<vmem_shared>> -> memref<1x1x64x128xf32, #tpu.memory_space<vmem_shared>>
    %dma_wait3A_219 = tpu.memref_squeeze %dma_wait3A_218 : memref<1x1x64x128xf32, #tpu.memory_space<vmem_shared>> -> memref<64x128xf32, #tpu.memory_space<vmem_shared>>
    tpu.wait_dma2 semaphore(%arg23 : memref<!tpu.dma_semaphore, #tpu.memory_space<semaphore_mem>>) src(%dma_wait3A_219 : memref<64x128xf32, #tpu.memory_space<vmem_shared>>) dst(%dma_wait3A_215 : memref<64x128xf32, #tpu.memory_space<hbm>>)
    return
  }
}

</mosaic_0001>

<sc_bundles>
// kernel: _sc_gather_add.3.cloned.1.call-start
scs
__scs_entry_jumppad:
0x0: {  	(pc) =	sbr.rel $0x88, $3  }
0x1: {  	(tag) =	ssettag $0x0;
	lr =	simm.s32 $0x1  }
0x2: {  	[smem:$0x3F9E] =	sst lr;
	_ =	strace $0xD0000000  }
0x3: {  	_ = 	snop  }
0x4: {  	_ = 	snop  }
0x5: {  	_ = 	snop  }
0x6: {  	_ = 	snop  }
0x7: {  	_ = 	snop  }
__scs_overlays_trampoline_lowered:
0x8: {  	[smem:$0x3FAD] =	sst s0  }
0x9: {  	[smem:$0x3FAE] =	sst s1  }
0xa: {  	[smem:$0x3FAF] =	sst s2  }
0xb: {  	[smem:$0x3FB0] =	sst s3  }
0xc: {  	[smem:$0x3FB1] =	sst s4  }
0xd: {  	[smem:$0x3FB2] =	sst s5  }
0xe: {  	[smem:$0x3FB3] =	sst s6  }
0xf: {  	[smem:$0x3FB4] =	sst s7  }
0x10: {  	[smem:$0x3FB5] =	sst s8  }
0x11: {  	[smem:$0x3FB6] =	sst s9;
	s0 =	simm.s32 @!p0 $0x0  }
0x12: {  	s1 =	sld [smem:$0x3F9C];
	s0 =	simm.s32 @p0 $0x1  }
0x13: {  	[smem:$0x3FB7] =	sst s0;
	s0 =	simm.s32 @!p1 $0x0  }
0x14: {  	s2 =	sld [smem:$0x3F9B];
	s0 =	simm.s32 @p1 $0x1  }
0x15: {  	[smem:$0x3FB8] =	sst s0;
	s0 =	simm.s32 @!p2 $0x0  }
0x16: {  	s3 =	sld [smem:$0x3FDB];
	s0 =	simm.s32 @p2 $0x1  }
0x17: {  	s4 =	simm.s32 $0x1BF5;
	[smem:$0x3FBA] =	sst s0  }
0x18: {  	s0 =	sld [smem:$0x3F9D];
	_ =	swait.ge [sflag:s4], $0x0  }
0x19: {  	s7 =	sld [smem:$0x3F9E]  }
0x1a: {  	s8 =	sadd.s32 $0xFFFFE003, lr  }
0x1b: {  	s9 =	sadd.s32 $0xFFFFFEF7, lr;
	s5 =	simm.s32 $0xFFFFFFFF;
	p2 =	slt.u32 s8, $0xFFFFF086  }
0x1c: {  	p1 =	slt.u32 s9, $0xF7A;
	s5 =	simm.s32 @!p2 $0x0  }
0x1d: {  	s5 =	simm.s32 @p1 $0x1;
	p0 =	seq.s32 s7, s2  }
0x1e: {  	s7 =	smul.u32 @!p0 $0xF7A, s2;
	p2 =	seq.s32 @!p0 s5, $0x0  }
0x1f: {  	s9 =	smul.u32 $0xF7A, s1;
	s8 =	simm.s32 @!p0 $0x1BF5;
	p2 =	por !p2, p0  }
0x20: {  	[sflag:s8] =	ssyncset.s32 @!p0 $0xFFFFF086;
	s6 =	sadd.s32 @!p0 s3, s7;
	s7 =	simm.s32 @!p0 $0x108  }
0x21: {  	s3 =	sadd.s32 s3, s9;
	s6 =	sadd.s32 @!p0 $0x88, s6;
	s7 =	simm.s32 @p2 $0x1082  }
0x22: {  	[simem:s7], [sflag:s8] =	dma.local @!p0 [hbm:s6], $0xF7A  }
0x23: {  	s9 =	sor.u32 $0xD0000000, s2;
	s6 =	simm.s32 $0x108;
	_ =	swait.ge @!p0 [sflag:s8], $0x0  }
0x24: {  	s3 =	sadd.s32 $0x88, s3;
	s6 =	simm.s32 @!p1 $0x1082;
	[sflag:s4] =	ssyncset.s32 $0xFFFFF086  }
0x25: {  	[simem:s6], [sflag:s4] =	dma.local [hbm:s3], $0xF7A  }
0x26: {  	[smem:$0x3F9E] =	sst s1;
	(tag) =	ssettag s2;
	_ =	strace s9  }
0x27: {  	s1 =	sld [smem:$0x3FAE]  }
0x28: {  	s2 =	sld [smem:$0x3FAF]  }
0x29: {  	s4 =	sld [smem:$0x3FB1]  }
0x2a: {  	p0 =	seq.s32 s5, $0x0;
	s5 =	sld [smem:$0x3FB2]  }
0x2b: {  	s6 =	sld [smem:$0x3FB3]  }
0x2c: {  	s7 =	sld [smem:$0x3FB4]  }
0x2d: {  	s3 =	simm.s32 $0x108;
	s8 =	sld [smem:$0x3FB5]  }
0x2e: {  	s3 =	simm.s32 @!p0 $0x1082;
	s9 =	sld [smem:$0x3FB6]  }
0x2f: {  	lr =	sadd.s32 s0, s3;
	s0 =	sld [smem:$0x3FAD]  }
0x30: {  	s3 =	sld [smem:$0x3FB0]  }
0x31: {  	[smem:$0x3FB9] =	sst s10  }
0x32: {  	s10 =	sld [smem:$0x3FB7];
	_ =	sdelay $0x3  }
0x33: {  	p0 =	seq.s32 s10, $0x1;
	s10 =	sld [smem:$0x3FB9];
	_ =	sdelay $0x3  }
0x34: {  	[smem:$0x3FB9] =	sst s10  }
0x35: {  	s10 =	sld [smem:$0x3FB8];
	_ =	sdelay $0x3  }
0x36: {  	p1 =	seq.s32 s10, $0x1;
	s10 =	sld [smem:$0x3FB9];
	_ =	sdelay $0x3  }
0x37: {  	[smem:$0x3FB9] =	sst s10  }
0x38: {  	s10 =	sld [smem:$0x3FBA]  }
0x39: {  	_ = 	snop;
	(pc) =	sbr.ind lr, $3  }
0x3a: {  	_ = 	snop  }
0x3b: {  	_ = 	snop  }
0x3c: {  	p2 =	seq.s32 s10, $0x1;
	s10 =	sld [smem:$0x3FB9]  }
0x3d: {  	_ =	shalt  }
0x3e: {  	_ =	shalt  }
0x3f: {  	_ =	shalt  }
0x40: {  	_ =	shalt  }
0x41: {  	_ =	shalt  }
0x42: {  	_ =	shalt  }
0x43: {  	_ =	shalt  }
0x44: {  	_ =	shalt  }
0x45: {  	_ =	shalt  }
0x46: {  	_ =	shalt  }
0x47: {  	_ =	shalt  }
0x48: {  	_ =	shalt  }
0x49: {  	_ =	shalt  }
0x4a: {  	_ =	shalt  }
0x4b: {  	_ =	shalt  }
0x4c: {  	_ =	shalt  }
0x4d: {  	_ =	shalt  }
0x4e: {  	_ =	shalt  }
0x4f: {  	_ =	shalt  }
0x50: {  	_ =	shalt  }
0x51: {  	_ =	shalt  }
0x52: {  	_ =	shalt  }
0x53: {  	_ =	shalt  }
0x54: {  	_ =	shalt  }
0x55: {  	_ =	shalt  }
0x56: {  	_ =	shalt  }
0x57: {  	_ =	shalt  }
0x58: {  	_ =	shalt  }
0x59: {  	_ =	shalt  }
0x5a: {  	_ =	shalt  }
0x5b: {  	_ =	shalt  }
0x5c: {  	_ =	shalt  }
0x5d: {  	_ =	shalt  }
0x5e: {  	_ =	shalt  }
0x5f: {  	_ =	shalt  }
0x60: {  	_ =	shalt  }
0x61: {  	_ =	shalt  }
0x62: {  	_ =	shalt  }
0x63: {  	_ =	shalt  }
0x64: {  	_ =	shalt  }
0x65: {  	_ =	shalt  }
0x66: {  	_ =	shalt  }
0x67: {  	_ =	shalt  }
0x68: {  	_ =	shalt  }
0x69: {  	_ =	shalt  }
0x6a: {  	_ =	shalt  }
0x6b: {  	_ =	shalt  }
0x6c: {  	_ =	shalt  }
0x6d: {  	_ =	shalt  }
0x6e: {  	_ =	shalt  }
0x6f: {  	_ =	shalt  }
0x70: {  	_ =	shalt  }
0x71: {  	_ =	shalt  }
0x72: {  	_ =	shalt  }
0x73: {  	_ =	shalt  }
0x74: {  	_ =	shalt  }
0x75: {  	_ =	shalt  }
0x76: {  	_ =	shalt  }
0x77: {  	_ =	shalt  }
0x78: {  	_ =	shalt  }
0x79: {  	_ =	shalt  }
0x7a: {  	_ =	shalt  }
0x7b: {  	_ =	shalt  }
0x7c: {  	_ =	shalt  }
0x7d: {  	_ =	shalt  }
0x7e: {  	_ =	shalt  }
0x7f: {  	_ =	shalt  }
0x80: {  	_ =	shalt  }
0x81: {  	_ =	shalt  }
0x82: {  	_ =	shalt  }
0x83: {  	_ =	shalt  }
0x84: {  	_ =	shalt  }
0x85: {  	_ =	shalt  }
0x86: {  	_ =	shalt  }
0x87: {  	_ =	shalt  }
.Lfunc_end0:
.L_simem_size_0:
called_computation_lowered:
.L_overlay_start_0:
0x88: {  	s2 =	sld [smem:$0x3FD9]  }
0x89: {  	s3 =	sld [smem:$0x3FFE];
	_ =	sdelay $0x1  }
0x8a: {  	s1 =	srdreg.scid  }
0x8b: {  	s0 =	sand.u32 $0x1, s1  }
0x8c: {  	s17 =	sshll.u32 s0, $0xA;
	s2 =	sadd.s32 s3, s2  }
0x8d: {  	s2 =	sadd.s32 s2, s17  }
0x8e: {  	[smem:$0x3FC5] =	sst s2  }
0x8f: {  	_ = 	snop  }
0x90: {  	s2 =	sld [smem:$0x3FC9]  }
0x91: {  	s18 =	sld [smem:$0x3FC7]  }
0x92: {  	s4 =	sld [smem:$0x3FD0];
	(tm) =	ssettm $0x1  }
0x93: {  	s5 =	sld [smem:$0x3FFB];
	_ =	sdelay $0x3  }
0x94: {  	_ =	strace s5  }
0x95: {  	s5 =	sld [smem:$0x3FFC];
	_ =	sdelay $0x3  }
0x96: {  	_ =	strace s5  }
0x97: {  	s5 =	sld [smem:$0x3FFD];
	_ =	sdelay $0x3  }
0x98: {  	_ =	strace s5  }
0x99: {  	_ =	strace $0x8FFFFFFF  }
0x9a: {  	s19 =	sld [smem:$0x3FDB];
	_ =	sdelay $0x1  }
0x9b: {  	s6 =	simm.s32 $_scs_section_size  }
0x9c: {  	s7 =	simm.s32 $_size__tile_overlayer_lowered;
	s8 =	simm.s32 $_tile_overlayer_lowered  }
0x9d: {  	s22 =	simm.s32 $0x1BFF;
	s21 =	sshll.u32 s8, $0x1;
	s5 =	sadd.s32 s6, s19  }
0x9e: {  	s9 =	simm.s32 $0x0;
	s20 =	sshll.u32 s7, $0x1;
	s7 =	sadd.s32 s21, s5  }
0x9f: {  	[timem:s9], [sflag:s22] =	dma.local [hbm:s7], s20  }
0xa0: {  	_ =	swait.ge [sflag:s22], s20  }
0xa1: {  	s6 =	ssub.s32 $0x0, s20;
	[sflag:s22] =	ssyncset.done $0x0  }
0xa2: {  	[sflag:s22] =	ssyncadd.s32 s6;
	_ =	sdelay $0x1  }
0xa3: {  	s23 =	simm.s32 $0x1B8B  }
0xa4: {  	_ =	swait.ge [sflag:s23], $0x1  }
0xa5: {  	[sflag:s23] =	ssyncset.done $0x0  }
0xa6: {  	s25 =	simm.s32 $0x1B8E;
	s24 =	sld [smem:$0x3FFE];
	[sflag:s23] =	ssyncadd.s32 $0xFFFFFFFF  }
0xa7: {  	s26 =	simm.s32 $execute0_lowered;
	[smem:$0x3FD2] =	sst s25  }
0xa8: {  	s7 =	sshll.u32 s26, $0x1;
	_ =	strace $0x80000046;
	[dreg:$0x1] =	wrdreg $0xFFFFFFFF  }
0xa9: {  	s28 =	simm.s32 $_size_execute0_lowered;
	s5 =	sadd.s32 s5, s7;
	[dreg:$0x0] =	wrdreg $0x0  }
0xaa: {  	s7 =	sshll.u32 s28, $0x1;
	[dreg:$0x2] =	wrdreg s5  }
0xab: {  	[dreg:$0x3] =	wrdreg s7  }
0xac: {  	[dreg:$0x4] =	wrdreg $0xC0  }
0xad: {  	_ =	task [dreg:s9], $0x5FFFF  }
0xae: {  	[dreg:$0x1] =	wrdreg $0xFFFFFFFF  }
0xaf: {  	[dreg:$0x0] =	wrdreg $0x60  }
0xb0: {  	[dreg:$0x2] =	wrdreg s2  }
0xb1: {  	[dreg:$0x3] =	wrdreg s24  }
0xb2: {  	[dreg:$0x4] =	wrdreg s18  }
0xb3: {  	[dreg:$0x5] =	wrdreg s4  }
0xb4: {  	[dreg:$0x6] =	wrdreg $0x134000  }
0xb5: {  	[dreg:$0x7] =	wrdreg $0x9  }
0xb6: {  	_ =	task.clear_ibuf [dreg:s9], $0x8FFFF;
	_ =	strace $0x90000046  }
0xb7: {  	s29 =	simm.s32 $0x9;
	_ =	strace $0x80000048  }
0xb8: {  	_ =	swait.ge [sflag:s29], $0x1  }
0xb9: {  	[sflag:s29] =	ssyncadd.s32 $0xFFFFFFFF  }
0xba: {  	_ =	strace $0x90000048  }
0xbb: {  	_ =	sfence  }
0xbc: {  	s30 =	sld [smem:$0x0];
	_ =	sdelay $0x2  }
0xbd: {  	s31 =	sshll.u32 s1, $0xD;
	s1 =	sshrl.u32 s1, $0x2  }
0xbe: {  	s3 =	sand.u32 $0x4000, s31;
	s1 =	sadd.s32 s1, s30  }
0xbf: {  	s0 =	sor.u32 s3, s0;
	s1 =	sshll.u32 s1, $0x11  }
0xc0: {  	s0 =	sor.u32 s1, s0  }
0xc1: {  	s0 =	sadd.s32 $0x8F2B, s0  }
0xc2: {  	[sflag:s0] =	ssyncadd.remote.s32 $0x1  }
0xc3: {  	_ =	sfence.sel $0xFFFF  }
0xc4: {  	[dreg:$0x0] =	wrdreg $0xFFFFFFFF;
	(pc) =	sbr.abs _section_cstart, $3  }
0xc5: {  	[dreg:$0x1] =	wrdreg $0xFFFFFFFF  }
0xc6: {  	_ =	task.clear_ibuf [dreg:s9], $0x2FFFF;
	_ =	strace $0x9FFFFFFF  }
0xc7: {  	(tm) =	ssettm $0x7FFFFFFF  }
tec
execute0_lowered:
.L_overlay_start_1:
0x0: {  	(tag) =	ssettag $0x1  }
0x1: {  	s0 =	rddreg [dreg:$0x0]  }
0x2: {  	s1 =	rddreg [dreg:$0x1]  }
0x3: {  	s2 =	rddreg [dreg:$0x2]  }
0x4: {  	s4 =	rddreg [dreg:$0x3];
	s3 =	srdreg.scid  }
0x5: {  	s11 =	stileid.u32;
	s6 =	rddreg [dreg:$0x4]  }
0x6: {  	s5 =	simm.s32 $0x0;
	s28 =	simm.s32 $0x5400;
	s31 =	simm.s32 $0x7400  }
0x7: {  	s3 =	sand.u32 $0x1, s3;
	s7 =	sshll.u32 s11, $0x1;
	[smem:$0x7FF] =	sst s5  }
0x8: {  	s18 =	sshll.u32 s11, $0xF;
	s7 =	sor.u32 s3, s7;
	_ =	strace $0x80000047  }
0x9: {  	s3 =	ssub.s32 $0x2, s3;
	s11 =	sadd.s32 s18, s6;
	s8 =	smul.u32 $0x680, s7  }
0xa: {  	s18 =	simm.s32 $0x4;
	s17 =	sshrl.u32 s3, $0x1;
	s9 =	smul.u32 $0x19000, s7  }
0xb: {  	s10 =	smul.u32 $0x1900, s7;
	s12 =	sadd.s32 $0x2000, s11;
	s14 =	sadd.s32 $0x4000, s11  }
0xc: {  	s16 =	sadd.s32 $0x6000, s11;
	s3 =	ssub.s32 s3, s17;
	s9 =	sadd.s32 s0, s9  }
0xd: {  	s17 =	simm.s32 $0x3;
	s21 =	sor.u32 $0x40, s10;
	[dreg:$0x7] =	wrdreg s9  }
0xe: {  	s1 =	sadd.s32 s8, s1;
	s23 =	sor.u32 $0x80, s10;
	[dreg:$0xa] =	wrdreg s21  }
0xf: {  	s8 =	smul.u32 $0xC8000, s7;
	s30 =	smax.u32 s3, $0x1;
	[dreg:$0xb] =	wrdreg s23  }
0x10: {  	s3 =	simm.s32 $0x1;
	s1 =	sadd.s32 $0x400, s1;
	[dreg:$0x11] =	wrdreg s30  }
0x11: {  	s19 =	sadd.s32 $0x400, s9;
	[dreg:$0x6] =	wrdreg s1;
	s22 =	sshrl.u32 s8, $0x3  }
0x12: {  	s20 =	sadd.s32 $0x800, s9;
	[dreg:$0x8] =	wrdreg s19;
	s24 =	sadd.s32 s4, s22  }
0x13: {  	[dreg:$0x9] =	wrdreg s20;
	s1 =	sadd.s32 $0x18C00, s22;
	s25 =	sadd.s32 $0x18000, s24  }
0x14: {  	s10 =	simm.s32 $0x2;
	s26 =	sadd.s32 s0, s1;
	[dreg:$0xc] =	wrdreg s25  }
0x15: {  	s23 =	simm.s32 $0x9;
	s29 =	sadd.s32 $0x18400, s24;
	[dreg:$0xd] =	wrdreg s26  }
0x16: {  	s9 =	simm.s32 $0x0;
	s6 =	sadd.s32 $0x18800, s24;
	[dreg:$0xe] =	wrdreg s29  }
0x17: {  	s1 =	sadd.s32 s4, s1;
	s24 =	simm.s32 $0x3400;
	[dreg:$0xf] =	wrdreg s6  }
0x18: {  	[dreg:$0x10] =	wrdreg s1;
	s25 =	simm.s32 $0x40;
	s6 =	simm.s32 $0x9400  }
.LBB2_1:
0x19: {  	[dreg:$0x12] =	wrdreg s9  }
0x1a: {  	s1 =	rddreg [dreg:$0x6]  }
0x1b: {  	[tilespmem:s5], [sflag:$0x9] =	stream.linear.gather [hbm4b:s1+s5], $0x3200, $0x38;
	[tilespmem:$0x1B400] =	vst v63  }
0x1c: {  	_ =	swait.ge [sflag:s23], $0x3200  }
0x1d: {  	[sflag:s23] =	ssyncset.done $0x0  }
0x1e: {  	s19 =	rddreg [dreg:$0x7];
	[sflag:s23] =	ssyncadd.s32 $0xFFFFCE00  }
0x1f: {  	[tilespmem:s24], [sflag:$0x1] =	stream.linear.gather [hbm4b:s19+s5], $0x2000, $0x38;
	[tilespmem:$0x1B400] =	vst v63  }
0x20: {  	s20 =	simm.s32 $0xB400  }
0x21: {  	[tilespmem:s20], [sflag:$0x1] =	stream.indirect.gather [hbm4b:s2+s25], $0x80, s5, s25, $0xb8;
	[tilespmem:$0x1B400] =	vst v63  }
0x22: {  	s21 =	rddreg [dreg:$0x8]  }
0x23: {  	[tilespmem:s28], [sflag:$0x2] =	stream.linear.gather [hbm4b:s21+s5], $0x2000, $0x38;
	[tilespmem:$0x1B400] =	vst v63  }
0x24: {  	s22 =	simm.s32 $0x80;
	s7 =	simm.s32 $0xD400  }
0x25: {  	[tilespmem:s7], [sflag:$0x2] =	stream.indirect.gather [hbm4b:s2+s25], $0x80, s22, s25, $0xb8;
	[tilespmem:$0x1B400] =	vst v63  }
0x26: {  	s26 =	rddreg [dreg:$0x9]  }
0x27: {  	[tilespmem:s31], [sflag:$0x3] =	stream.linear.gather [hbm4b:s26+s5], $0x2000, $0x38;
	[tilespmem:$0x1B400] =	vst v63  }
0x28: {  	s29 =	simm.s32 $0x100;
	s30 =	simm.s32 $0xF400;
	s19 =	simm.s32 $0x0  }
0x29: {  	[tilespmem:s30], [sflag:$0x3] =	stream.indirect.gather [hbm4b:s2+s25], $0x80, s29, s25, $0xb8;
	[tilespmem:$0x1B400] =	vst v63  }
.LBB2_2:
0x2a: {  	_ =	swait.ge [sflag:s3], $0x2000  }
0x2b: {  	[sflag:s3] =	ssyncset.done $0x0  }
0x2c: {  	[sflag:s3] =	ssyncadd.s32 $0xFFFFE000  }
0x2d: {  	_ =	swait.ge [sflag:s3], $0x2000  }
0x2e: {  	[sflag:s3] =	ssyncset.done $0x0  }
0x2f: {  	s1 =	simm.s32 $0x3500;
	[sflag:s3] =	ssyncadd.s32 $0xFFFFE000  }
0x30: {  	s7 =	simm.s32 $0xB500;
	v0 =	vld [tilespmem:s1+$0x80]  }
0x31: {  	v1 =	vld [tilespmem:s7+$0x80]  }
0x32: {  	v2 =	vld [tilespmem:s1+$0xFFFFFF80]  }
0x33: {  	v3 =	vld [tilespmem:s7+$0xFFFFFF80]  }
0x34: {  	v4 =	vld [tilespmem:s1+$0x0]  }
0x35: {  	v5 =	vld [tilespmem:s7+$0x0]  }
0x36: {  	v6 =	vld [tilespmem:s1+$0xFFFFFF00];
	v0 =	vadd.f32 v1, v0  }
0x37: {  	v1 =	vld [tilespmem:s7+$0xFFFFFF00]  }
0x38: {  	[tilespmem:s1+$0x80] =	vst v0;
	v0 =	vld [tilespmem:s1+$0x90]  }
0x39: {  	v2 =	vadd.f32 v3, v2;
	v3 =	vld [tilespmem:s7+$0x90]  }
0x3a: {  	v7 =	vld [tilespmem:s1+$0xFFFFFF10]  }
0x3b: {  	[tilespmem:s1+$0xFFFFFF80] =	vst v2;
	v2 =	vadd.f32 v5, v4;
	v4 =	vld [tilespmem:s1+$0xFFFFFF90]  }
0x3c: {  	v5 =	vld [tilespmem:s7+$0xFFFFFF90];
	v1 =	vadd.f32 v1, v6  }
0x3d: {  	[tilespmem:s1+$0x0] =	vst v2;
	v2 =	vld [tilespmem:s1+$0x10]  }
0x3e: {  	v6 =	vld [tilespmem:s7+$0x10];
	[tilespmem:s1+$0xFFFFFF00] =	vst v1;
	v0 =	vadd.f32 v3, v0  }
0x3f: {  	v1 =	vld [tilespmem:s7+$0xFFFFFF10]  }
0x40: {  	[tilespmem:s1+$0x90] =	vst v0;
	v0 =	vld [tilespmem:s1+$0xA0]  }
0x41: {  	v3 =	vadd.f32 v5, v4;
	v4 =	vld [tilespmem:s7+$0xA0]  }
0x42: {  	v5 =	vld [tilespmem:s1+$0xFFFFFF20]  }
0x43: {  	[tilespmem:s1+$0xFFFFFF90] =	vst v3;
	v2 =	vadd.f32 v6, v2;
	v3 =	vld [tilespmem:s1+$0xFFFFFFA0]  }
0x44: {  	v6 =	vld [tilespmem:s7+$0xFFFFFFA0];
	v1 =	vadd.f32 v1, v7  }
0x45: {  	[tilespmem:s1+$0x10] =	vst v2;
	v2 =	vld [tilespmem:s1+$0x20]  }
0x46: {  	v7 =	vld [tilespmem:s7+$0x20];
	[tilespmem:s1+$0xFFFFFF10] =	vst v1;
	v0 =	vadd.f32 v4, v0  }
0x47: {  	v1 =	vld [tilespmem:s7+$0xFFFFFF20]  }
0x48: {  	[tilespmem:s1+$0xA0] =	vst v0;
	v0 =	vld [tilespmem:s1+$0xB0]  }
0x49: {  	v3 =	vadd.f32 v6, v3;
	v4 =	vld [tilespmem:s7+$0xB0]  }
0x4a: {  	v6 =	vld [tilespmem:s1+$0xFFFFFF30]  }
0x4b: {  	[tilespmem:s1+$0xFFFFFFA0] =	vst v3;
	v2 =	vadd.f32 v7, v2;
	v3 =	vld [tilespmem:s1+$0xFFFFFFB0]  }
0x4c: {  	v7 =	vld [tilespmem:s7+$0xFFFFFFB0];
	v1 =	vadd.f32 v1, v5  }
0x4d: {  	[tilespmem:s1+$0x20] =	vst v2;
	v2 =	vld [tilespmem:s1+$0x30]  }
0x4e: {  	v5 =	vld [tilespmem:s7+$0x30];
	[tilespmem:s1+$0xFFFFFF20] =	vst v1;
	v0 =	vadd.f32 v4, v0  }
0x4f: {  	v1 =	vld [tilespmem:s7+$0xFFFFFF30]  }
0x50: {  	[tilespmem:s1+$0xB0] =	vst v0;
	v0 =	vld [tilespmem:s1+$0xC0]  }
0x51: {  	v3 =	vadd.f32 v7, v3;
	v4 =	vld [tilespmem:s7+$0xC0]  }
0x52: {  	v7 =	vld [tilespmem:s1+$0xFFFFFF40]  }
0x53: {  	[tilespmem:s1+$0xFFFFFFB0] =	vst v3;
	v2 =	vadd.f32 v5, v2;
	v3 =	vld [tilespmem:s1+$0xFFFFFFC0]  }
0x54: {  	v5 =	vld [tilespmem:s7+$0xFFFFFFC0];
	v1 =	vadd.f32 v1, v6  }
0x55: {  	[tilespmem:s1+$0x30] =	vst v2;
	v2 =	vld [tilespmem:s1+$0x40]  }
0x56: {  	v6 =	vld [tilespmem:s7+$0x40];
	[tilespmem:s1+$0xFFFFFF30] =	vst v1;
	v0 =	vadd.f32 v4, v0  }
0x57: {  	v1 =	vld [tilespmem:s7+$0xFFFFFF40]  }
0x58: {  	[tilespmem:s1+$0xC0] =	vst v0;
	v0 =	vld [tilespmem:s1+$0xD0]  }
0x59: {  	v3 =	vadd.f32 v5, v3;
	v4 =	vld [tilespmem:s7+$0xD0]  }
0x5a: {  	v5 =	vld [tilespmem:s1+$0xFFFFFF50]  }
0x5b: {  	[tilespmem:s1+$0xFFFFFFC0] =	vst v3;
	v2 =	vadd.f32 v6, v2;
	v3 =	vld [tilespmem:s1+$0xFFFFFFD0]  }
0x5c: {  	v6 =	vld [tilespmem:s7+$0xFFFFFFD0];
	v1 =	vadd.f32 v1, v7  }
0x5d: {  	[tilespmem:s1+$0x40] =	vst v2;
	v2 =	vld [tilespmem:s1+$0x50]  }
0x5e: {  	v7 =	vld [tilespmem:s7+$0x50];
	[tilespmem:s1+$0xFFFFFF40] =	vst v1;
	v0 =	vadd.f32 v4, v0  }
0x5f: {  	v1 =	vld [tilespmem:s7+$0xFFFFFF50]  }
0x60: {  	[tilespmem:s1+$0xD0] =	vst v0;
	v0 =	vld [tilespmem:s1+$0xE0]  }
0x61: {  	v3 =	vadd.f32 v6, v3;
	v4 =	vld [tilespmem:s7+$0xE0]  }
0x62: {  	v6 =	vld [tilespmem:s1+$0xFFFFFF60]  }
0x63: {  	[tilespmem:s1+$0xFFFFFFD0] =	vst v3;
	v2 =	vadd.f32 v7, v2;
	v3 =	vld [tilespmem:s1+$0xFFFFFFE0]  }
0x64: {  	v7 =	vld [tilespmem:s7+$0xFFFFFFE0];
	v1 =	vadd.f32 v1, v5  }
0x65: {  	[tilespmem:s1+$0x50] =	vst v2;
	v2 =	vld [tilespmem:s1+$0x60]  }
0x66: {  	v5 =	vld [tilespmem:s7+$0x60];
	[tilespmem:s1+$0xFFFFFF50] =	vst v1;
	v0 =	vadd.f32 v4, v0  }
0x67: {  	v4 =	vld [tilespmem:s7+$0xFFFFFF60]  }
0x68: {  	v8 =	vld [tilespmem:s1+$0xF0];
	[tilespmem:s1+$0xE0] =	vst v0  }
0x69: {  	v1 =	vadd.f32 v7, v3;
	v7 =	vld [tilespmem:s7+$0xF0]  }
0x6a: {  	v0 =	vld [tilespmem:s1+$0xFFFFFF70]  }
0x6b: {  	[tilespmem:s1+$0xFFFFFFE0] =	vst v1;
	v2 =	vadd.f32 v5, v2;
	v1 =	vld [tilespmem:s1+$0xFFFFFFF0]  }
0x6c: {  	v3 =	vld [tilespmem:s7+$0xFFFFFFF0];
	v4 =	vadd.f32 v4, v6  }
0x6d: {  	[tilespmem:s1+$0x60] =	vst v2;
	v2 =	vld [tilespmem:s1+$0x70]  }
0x6e: {  	[tilespmem:s1+$0xFFFFFF60] =	vst v4;
	v4 =	vld [tilespmem:s7+$0x70];
	v6 =	vadd.f32 v7, v8  }
0x6f: {  	s9 =	simm.s32 $0x0;
	s13 =	simm.s32 $0x3700;
	v5 =	vld [tilespmem:s7+$0xFFFFFF70]  }
.LBB2_3:
0x70: {  	v7 =	vld [tilespmem:s13+$0x80];
	[tilespmem:s1+$0xF0] =	vst v6;
	s7 =	sadd.s32 $0x200, s7  }
0x71: {  	s9 =	sadd.s32 $0x4, s9;
	v6 =	vld [tilespmem:s7+$0x80];
	v1 =	vadd.f32 v3, v1  }
0x72: {  	p0 =	slt.u32 s9, $0x3C;
	v3 =	vld [tilespmem:s7+$0xFFFFFF00]  }
0x73: {  	v8 =	vld [tilespmem:s13+$0xFFFFFF80];
	[tilespmem:s1+$0xFFFFFFF0] =	vst v1;
	v1 =	vadd.f32 v4, v2  }
0x74: {  	v2 =	vld [tilespmem:s7+$0xFFFFFF80];
	v0 =	vadd.f32 v5, v0  }
0x75: {  	v4 =	vld [tilespmem:s13+$0x0];
	[tilespmem:s1+$0x70] =	vst v1  }
0x76: {  	v1 =	vld [tilespmem:s7+$0x0];
	v5 =	vadd.f32 v6, v7;
	[tilespmem:s1+$0xFFFFFF70] =	vst v0;
	s1 =	smov.u32 s13  }
0x77: {  	v0 =	vld [tilespmem:s13+$0xFFFFFF00]  }
0x78: {  	[tilespmem:s13+$0x80] =	vst v5;
	v5 =	vld [tilespmem:s13+$0x90]  }
0x79: {  	v2 =	vadd.f32 v2, v8;
	v6 =	vld [tilespmem:s7+$0x90]  }
0x7a: {  	v7 =	vld [tilespmem:s13+$0xFFFFFF10]  }
0x7b: {  	[tilespmem:s13+$0xFFFFFF80] =	vst v2;
	v2 =	vld [tilespmem:s13+$0xFFFFFF90];
	v1 =	vadd.f32 v1, v4  }
0x7c: {  	v0 =	vadd.f32 v3, v0;
	v3 =	vld [tilespmem:s7+$0xFFFFFF90]  }
0x7d: {  	[tilespmem:s13+$0x0] =	vst v1;
	v1 =	vld [tilespmem:s13+$0x10]  }
0x7e: {  	[tilespmem:s13+$0xFFFFFF00] =	vst v0;
	v0 =	vld [tilespmem:s7+$0x10];
	v4 =	vadd.f32 v6, v5  }
0x7f: {  	v5 =	vld [tilespmem:s7+$0xFFFFFF10]  }
0x80: {  	[tilespmem:s13+$0x90] =	vst v4;
	v4 =	vld [tilespmem:s13+$0xA0]  }
0x81: {  	v2 =	vadd.f32 v3, v2;
	v3 =	vld [tilespmem:s7+$0xA0]  }
0x82: {  	v6 =	vld [tilespmem:s13+$0xFFFFFF20]  }
0x83: {  	[tilespmem:s13+$0xFFFFFF90] =	vst v2;
	v2 =	vld [tilespmem:s13+$0xFFFFFFA0];
	v0 =	vadd.f32 v0, v1  }
0x84: {  	v1 =	vadd.f32 v5, v7;
	v5 =	vld [tilespmem:s7+$0xFFFFFFA0]  }
0x85: {  	[tilespmem:s13+$0x10] =	vst v0;
	v0 =	vld [tilespmem:s13+$0x20]  }
0x86: {  	[tilespmem:s13+$0xFFFFFF10] =	vst v1;
	v1 =	vld [tilespmem:s7+$0x20];
	v3 =	vadd.f32 v3, v4  }
0x87: {  	v4 =	vld [tilespmem:s7+$0xFFFFFF20]  }
0x88: {  	[tilespmem:s13+$0xA0] =	vst v3;
	v3 =	vld [tilespmem:s13+$0xB0]  }
0x89: {  	v2 =	vadd.f32 v5, v2;
	v5 =	vld [tilespmem:s7+$0xB0]  }
0x8a: {  	v7 =	vld [tilespmem:s13+$0xFFFFFF30]  }
0x8b: {  	[tilespmem:s13+$0xFFFFFFA0] =	vst v2;
	v2 =	vld [tilespmem:s13+$0xFFFFFFB0];
	v0 =	vadd.f32 v1, v0  }
0x8c: {  	v1 =	vadd.f32 v4, v6;
	v4 =	vld [tilespmem:s7+$0xFFFFFFB0]  }
0x8d: {  	[tilespmem:s13+$0x20] =	vst v0;
	v0 =	vld [tilespmem:s13+$0x30]  }
0x8e: {  	[tilespmem:s13+$0xFFFFFF20] =	vst v1;
	v1 =	vld [tilespmem:s7+$0x30];
	v3 =	vadd.f32 v5, v3  }
0x8f: {  	v5 =	vld [tilespmem:s7+$0xFFFFFF30]  }
0x90: {  	[tilespmem:s13+$0xB0] =	vst v3;
	v3 =	vld [tilespmem:s13+$0xC0]  }
0x91: {  	v2 =	vadd.f32 v4, v2;
	v4 =	vld [tilespmem:s7+$0xC0]  }
0x92: {  	v6 =	vld [tilespmem:s13+$0xFFFFFF40]  }
0x93: {  	[tilespmem:s13+$0xFFFFFFB0] =	vst v2;
	v2 =	vld [tilespmem:s13+$0xFFFFFFC0];
	v0 =	vadd.f32 v1, v0  }
0x94: {  	v1 =	vadd.f32 v5, v7;
	v5 =	vld [tilespmem:s7+$0xFFFFFFC0]  }
0x95: {  	[tilespmem:s13+$0x30] =	vst v0;
	v0 =	vld [tilespmem:s13+$0x40]  }
0x96: {  	[tilespmem:s13+$0xFFFFFF30] =	vst v1;
	v1 =	vld [tilespmem:s7+$0x40];
	v3 =	vadd.f32 v4, v3  }
0x97: {  	v4 =	vld [tilespmem:s7+$0xFFFFFF40]  }
0x98: {  	[tilespmem:s13+$0xC0] =	vst v3;
	v3 =	vld [tilespmem:s13+$0xD0]  }
0x99: {  	v2 =	vadd.f32 v5, v2;
	v5 =	vld [tilespmem:s7+$0xD0]  }
0x9a: {  	v7 =	vld [tilespmem:s13+$0xFFFFFF50]  }
0x9b: {  	[tilespmem:s13+$0xFFFFFFC0] =	vst v2;
	v2 =	vld [tilespmem:s13+$0xFFFFFFD0];
	v0 =	vadd.f32 v1, v0  }
0x9c: {  	v1 =	vadd.f32 v4, v6;
	v4 =	vld [tilespmem:s7+$0xFFFFFFD0]  }
0x9d: {  	[tilespmem:s13+$0x40] =	vst v0;
	v0 =	vld [tilespmem:s13+$0x50]  }
0x9e: {  	[tilespmem:s13+$0xFFFFFF40] =	vst v1;
	v1 =	vld [tilespmem:s7+$0x50];
	v3 =	vadd.f32 v5, v3  }
0x9f: {  	v5 =	vld [tilespmem:s7+$0xFFFFFF50]  }
0xa0: {  	[tilespmem:s13+$0xD0] =	vst v3;
	v3 =	vld [tilespmem:s13+$0xE0]  }
0xa1: {  	v2 =	vadd.f32 v4, v2;
	v4 =	vld [tilespmem:s7+$0xE0]  }
0xa2: {  	v6 =	vld [tilespmem:s13+$0xFFFFFF60]  }
0xa3: {  	[tilespmem:s13+$0xFFFFFFD0] =	vst v2;
	v2 =	vld [tilespmem:s13+$0xFFFFFFE0];
	v0 =	vadd.f32 v1, v0  }
0xa4: {  	v1 =	vadd.f32 v5, v7;
	v5 =	vld [tilespmem:s7+$0xFFFFFFE0]  }
0xa5: {  	[tilespmem:s13+$0x50] =	vst v0;
	v7 =	vld [tilespmem:s13+$0x60]  }
0xa6: {  	[tilespmem:s13+$0xFFFFFF50] =	vst v1;
	v8 =	vld [tilespmem:s7+$0x60];
	v0 =	vadd.f32 v4, v3  }
0xa7: {  	v3 =	vld [tilespmem:s7+$0xFFFFFF60]  }
0xa8: {  	[tilespmem:s13+$0xE0] =	vst v0;
	v9 =	vld [tilespmem:s13+$0xF0]  }
0xa9: {  	v1 =	vadd.f32 v5, v2;
	v5 =	vld [tilespmem:s7+$0xF0]  }
0xaa: {  	v0 =	vld [tilespmem:s13+$0xFFFFFF70]  }
.Ltmp0:
0xab: {  	[tilespmem:s13+$0xFFFFFFE0] =	vst v1;
	v1 =	vld [tilespmem:s13+$0xFFFFFFF0];
	v2 =	vadd.f32 v8, v7;
	(pc) =	sbr.rel @p0 .LBB2_3-.Ltmp0, $4  }
0xac: {  	v4 =	vadd.f32 v3, v6;
	v3 =	vld [tilespmem:s7+$0xFFFFFFF0]  }
0xad: {  	[tilespmem:s13+$0x60] =	vst v2;
	v2 =	vld [tilespmem:s13+$0x70]  }
0xae: {  	[tilespmem:s13+$0xFFFFFF60] =	vst v4;
	v4 =	vld [tilespmem:s7+$0x70];
	v6 =	vadd.f32 v5, v9  }
0xaf: {  	s13 =	sadd.s32 $0x200, s13;
	v5 =	vld [tilespmem:s7+$0xFFFFFF70]  }
0xb0: {  	_ =	sdelay $0x1  }
0xb1: {  	v1 =	vadd.f32 v3, v1  }
0xb2: {  	[tilespmem:s1+$0xF0] =	vst v6;
	v2 =	vadd.f32 v4, v2  }
0xb3: {  	[tilespmem:s1+$0xFFFFFFF0] =	vst v1;
	v0 =	vadd.f32 v5, v0  }
0xb4: {  	p0 =	seq.s32 s19, $0x0;
	[tilespmem:s1+$0x70] =	vst v2  }
0xb5: {  	s13 =	sshll.u32 s19, $0xF;
	[tilespmem:s1+$0xFFFFFF70] =	vst v0;
	s1 =	simm.s32 @!p0 $0x5  }
0xb6: {  	s9 =	sshll.u32 s19, $0x2;
	s7 =	stileid.u32;
	_ =	swait.ge @!p0 [sflag:s1], $0x400  }
0xb7: {  	s21 =	sshrl.u32 s11, $0x3;
	s29 =	sshll.u32 s7, $0x6;
	[sflag:s1] =	ssyncset.done @!p0 $0x0  }
0xb8: {  	s15 =	sor.u32 $0x3, s9;
	s20 =	sor.u32 $0x1C05, s29;
	[sflag:s1] =	ssyncadd.s32 @!p0 $0xFFFFFC00  }
0xb9: {  	[spmem:s11] =	stream.linear.scatter [tilespmem:s24], [sflag:$0x9], $0x2000, $0x38;
	[tilespmem:$0x1B400] =	vst v63  }
0xba: {  	s22 =	sshll.u32 s15, $0xD;
	s1 =	sadd.s32 s8, s13;
	_ =	swait.ge [sflag:s23], $0x2000  }
0xbb: {  	s7 =	sadd.s32 s8, s22;
	s1 =	sshrl.u32 s1, $0x3;
	[sflag:s23] =	ssyncset.done $0x0  }
0xbc: {  	s30 =	sshrl.u32 s7, $0x3;
	s1 =	sadd.s32 s4, s1;
	[sflag:s23] =	ssyncadd.s32 $0xFFFFE000  }
0xbd: {  	[hbm:s1], [sflag:s20] =	dma.local [spmem:s21], $0x400  }
0xbe: {  	s7 =	sadd.s32 s0, s30;
	s1 =	sshll.u32 s15, $0x7  }
0xbf: {  	[tilespmem:s6], [sflag:$0x4] =	stream.linear.gather [hbm4b:s7+s5], $0x2000, $0x38;
	[tilespmem:$0x1B400] =	vst v63  }
0xc0: {  	s26 =	simm.s32 $0x11400;
	s1 =	sand.u32 $0x3FFFFF80, s1  }
0xc1: {  	[tilespmem:s26], [sflag:$0x4] =	stream.indirect.gather [hbm4b:s2+s25], $0x80, s1, s25, $0xb8;
	[tilespmem:$0x1B400] =	vst v63  }
0xc2: {  	_ =	swait.ge [sflag:s10], $0x2000  }
0xc3: {  	[sflag:s10] =	ssyncset.done $0x0  }
0xc4: {  	[sflag:s10] =	ssyncadd.s32 $0xFFFFE000  }
0xc5: {  	_ =	swait.ge [sflag:s10], $0x2000  }
0xc6: {  	[sflag:s10] =	ssyncset.done $0x0  }
0xc7: {  	s1 =	simm.s32 $0x5500;
	[sflag:s10] =	ssyncadd.s32 $0xFFFFE000  }
0xc8: {  	s7 =	simm.s32 $0xD500;
	v0 =	vld [tilespmem:s1+$0x80]  }
0xc9: {  	v1 =	vld [tilespmem:s7+$0x80]  }
0xca: {  	v2 =	vld [tilespmem:s1+$0xFFFFFF80]  }
0xcb: {  	v3 =	vld [tilespmem:s7+$0xFFFFFF80]  }
0xcc: {  	v4 =	vld [tilespmem:s1+$0x0]  }
0xcd: {  	v5 =	vld [tilespmem:s7+$0x0]  }
0xce: {  	v6 =	vld [tilespmem:s1+$0xFFFFFF00];
	v0 =	vadd.f32 v1, v0  }
0xcf: {  	v1 =	vld [tilespmem:s7+$0xFFFFFF00]  }
0xd0: {  	[tilespmem:s1+$0x80] =	vst v0;
	v0 =	vld [tilespmem:s1+$0x90]  }
0xd1: {  	v2 =	vadd.f32 v3, v2;
	v3 =	vld [tilespmem:s7+$0x90]  }
0xd2: {  	v7 =	vld [tilespmem:s1+$0xFFFFFF10]  }
0xd3: {  	[tilespmem:s1+$0xFFFFFF80] =	vst v2;
	v2 =	vadd.f32 v5, v4;
	v4 =	vld [tilespmem:s1+$0xFFFFFF90]  }
0xd4: {  	v5 =	vld [tilespmem:s7+$0xFFFFFF90];
	v1 =	vadd.f32 v1, v6  }
0xd5: {  	[tilespmem:s1+$0x0] =	vst v2;
	v2 =	vld [tilespmem:s1+$0x10]  }
0xd6: {  	v6 =	vld [tilespmem:s7+$0x10];
	[tilespmem:s1+$0xFFFFFF00] =	vst v1;
	v0 =	vadd.f32 v3, v0  }
0xd7: {  	v1 =	vld [tilespmem:s7+$0xFFFFFF10]  }
0xd8: {  	[tilespmem:s1+$0x90] =	vst v0;
	v0 =	vld [tilespmem:s1+$0xA0]  }
0xd9: {  	v3 =	vadd.f32 v5, v4;
	v4 =	vld [tilespmem:s7+$0xA0]  }
0xda: {  	v5 =	vld [tilespmem:s1+$0xFFFFFF20]  }
0xdb: {  	[tilespmem:s1+$0xFFFFFF90] =	vst v3;
	v2 =	vadd.f32 v6, v2;
	v3 =	vld [tilespmem:s1+$0xFFFFFFA0]  }
0xdc: {  	v6 =	vld [tilespmem:s7+$0xFFFFFFA0];
	v1 =	vadd.f32 v1, v7  }
0xdd: {  	[tilespmem:s1+$0x10] =	vst v2;
	v2 =	vld [tilespmem:s1+$0x20]  }
0xde: {  	v7 =	vld [tilespmem:s7+$0x20];
	[tilespmem:s1+$0xFFFFFF10] =	vst v1;
	v0 =	vadd.f32 v4, v0  }
0xdf: {  	v1 =	vld [tilespmem:s7+$0xFFFFFF20]  }
0xe0: {  	[tilespmem:s1+$0xA0] =	vst v0;
	v0 =	vld [tilespmem:s1+$0xB0]  }
0xe1: {  	v3 =	vadd.f32 v6, v3;
	v4 =	vld [tilespmem:s7+$0xB0]  }
0xe2: {  	v6 =	vld [tilespmem:s1+$0xFFFFFF30]  }
0xe3: {  	[tilespmem:s1+$0xFFFFFFA0] =	vst v3;
	v2 =	vadd.f32 v7, v2;
	v3 =	vld [tilespmem:s1+$0xFFFFFFB0]  }
0xe4: {  	v7 =	vld [tilespmem:s7+$0xFFFFFFB0];
	v1 =	vadd.f32 v1, v5  }
0xe5: {  	[tilespmem:s1+$0x20] =	vst v2;
	v2 =	vld [tilespmem:s1+$0x30]  }
0xe6: {  	v5 =	vld [tilespmem:s7+$0x30];
	[tilespmem:s1+$0xFFFFFF20] =	vst v1;
	v0 =	vadd.f32 v4, v0  }
0xe7: {  	v1 =	vld [tilespmem:s7+$0xFFFFFF30]  }
0xe8: {  	[tilespmem:s1+$0xB0] =	vst v0;
	v0 =	vld [tilespmem:s1+$0xC0]  }
0xe9: {  	v3 =	vadd.f32 v7, v3;
	v4 =	vld [tilespmem:s7+$0xC0]  }
0xea: {  	v7 =	vld [tilespmem:s1+$0xFFFFFF40]  }
0xeb: {  	[tilespmem:s1+$0xFFFFFFB0] =	vst v3;
	v2 =	vadd.f32 v5, v2;
	v3 =	vld [tilespmem:s1+$0xFFFFFFC0]  }
0xec: {  	v5 =	vld [tilespmem:s7+$0xFFFFFFC0];
	v1 =	vadd.f32 v1, v6  }
0xed: {  	[tilespmem:s1+$0x30] =	vst v2;
	v2 =	vld [tilespmem:s1+$0x40]  }
0xee: {  	v6 =	vld [tilespmem:s7+$0x40];
	[tilespmem:s1+$0xFFFFFF30] =	vst v1;
	v0 =	vadd.f32 v4, v0  }
0xef: {  	v1 =	vld [tilespmem:s7+$0xFFFFFF40]  }
0xf0: {  	[tilespmem:s1+$0xC0] =	vst v0;
	v0 =	vld [tilespmem:s1+$0xD0]  }
0xf1: {  	v3 =	vadd.f32 v5, v3;
	v4 =	vld [tilespmem:s7+$0xD0]  }
0xf2: {  	v5 =	vld [tilespmem:s1+$0xFFFFFF50]  }
0xf3: {  	[tilespmem:s1+$0xFFFFFFC0] =	vst v3;
	v2 =	vadd.f32 v6, v2;
	v3 =	vld [tilespmem:s1+$0xFFFFFFD0]  }
0xf4: {  	v6 =	vld [tilespmem:s7+$0xFFFFFFD0];
	v1 =	vadd.f32 v1, v7  }
0xf5: {  	[tilespmem:s1+$0x40] =	vst v2;
	v2 =	vld [tilespmem:s1+$0x50]  }
0xf6: {  	v7 =	vld [tilespmem:s7+$0x50];
	[tilespmem:s1+$0xFFFFFF40] =	vst v1;
	v0 =	vadd.f32 v4, v0  }
0xf7: {  	v1 =	vld [tilespmem:s7+$0xFFFFFF50]  }
0xf8: {  	[tilespmem:s1+$0xD0] =	vst v0;
	v0 =	vld [tilespmem:s1+$0xE0]  }
0xf9: {  	v3 =	vadd.f32 v6, v3;
	v4 =	vld [tilespmem:s7+$0xE0]  }
0xfa: {  	v6 =	vld [tilespmem:s1+$0xFFFFFF60]  }
0xfb: {  	[tilespmem:s1+$0xFFFFFFD0] =	vst v3;
	v2 =	vadd.f32 v7, v2;
	v3 =	vld [tilespmem:s1+$0xFFFFFFE0]  }
0xfc: {  	v7 =	vld [tilespmem:s7+$0xFFFFFFE0];
	v1 =	vadd.f32 v1, v5  }
0xfd: {  	[tilespmem:s1+$0x50] =	vst v2;
	v2 =	vld [tilespmem:s1+$0x60]  }
0xfe: {  	v5 =	vld [tilespmem:s7+$0x60];
	[tilespmem:s1+$0xFFFFFF50] =	vst v1;
	v0 =	vadd.f32 v4, v0  }
0xff: {  	v4 =	vld [tilespmem:s7+$0xFFFFFF60]  }
0x100: {  	v8 =	vld [tilespmem:s1+$0xF0];
	[tilespmem:s1+$0xE0] =	vst v0  }
0x101: {  	v1 =	vadd.f32 v7, v3;
	v7 =	vld [tilespmem:s7+$0xF0]  }
0x102: {  	v0 =	vld [tilespmem:s1+$0xFFFFFF70]  }
0x103: {  	[tilespmem:s1+$0xFFFFFFE0] =	vst v1;
	v2 =	vadd.f32 v5, v2;
	v1 =	vld [tilespmem:s1+$0xFFFFFFF0]  }
0x104: {  	v3 =	vld [tilespmem:s7+$0xFFFFFFF0];
	v4 =	vadd.f32 v4, v6  }
0x105: {  	[tilespmem:s1+$0x60] =	vst v2;
	v2 =	vld [tilespmem:s1+$0x70]  }
0x106: {  	[tilespmem:s1+$0xFFFFFF60] =	vst v4;
	v4 =	vld [tilespmem:s7+$0x70];
	v6 =	vadd.f32 v7, v8  }
0x107: {  	s13 =	simm.s32 $0x0;
	s15 =	simm.s32 $0x5700;
	v5 =	vld [tilespmem:s7+$0xFFFFFF70]  }
.LBB2_5:
0x108: {  	v7 =	vld [tilespmem:s15+$0x80];
	[tilespmem:s1+$0xF0] =	vst v6;
	s7 =	sadd.s32 $0x200, s7  }
0x109: {  	s13 =	sadd.s32 $0x4, s13;
	v6 =	vld [tilespmem:s7+$0x80];
	v1 =	vadd.f32 v3, v1  }
0x10a: {  	p1 =	slt.u32 s13, $0x3C;
	v3 =	vld [tilespmem:s7+$0xFFFFFF00]  }
0x10b: {  	v8 =	vld [tilespmem:s15+$0xFFFFFF80];
	[tilespmem:s1+$0xFFFFFFF0] =	vst v1;
	v1 =	vadd.f32 v4, v2  }
0x10c: {  	v2 =	vld [tilespmem:s7+$0xFFFFFF80];
	v0 =	vadd.f32 v5, v0  }
0x10d: {  	v4 =	vld [tilespmem:s15+$0x0];
	[tilespmem:s1+$0x70] =	vst v1  }
0x10e: {  	v1 =	vld [tilespmem:s7+$0x0];
	v5 =	vadd.f32 v6, v7;
	[tilespmem:s1+$0xFFFFFF70] =	vst v0;
	s1 =	smov.u32 s15  }
0x10f: {  	v0 =	vld [tilespmem:s15+$0xFFFFFF00]  }
0x110: {  	[tilespmem:s15+$0x80] =	vst v5;
	v5 =	vld [tilespmem:s15+$0x90]  }
0x111: {  	v2 =	vadd.f32 v2, v8;
	v6 =	vld [tilespmem:s7+$0x90]  }
0x112: {  	v7 =	vld [tilespmem:s15+$0xFFFFFF10]  }
0x113: {  	[tilespmem:s15+$0xFFFFFF80] =	vst v2;
	v2 =	vld [tilespmem:s15+$0xFFFFFF90];
	v1 =	vadd.f32 v1, v4  }
0x114: {  	v0 =	vadd.f32 v3, v0;
	v3 =	vld [tilespmem:s7+$0xFFFFFF90]  }
0x115: {  	[tilespmem:s15+$0x0] =	vst v1;
	v1 =	vld [tilespmem:s15+$0x10]  }
0x116: {  	[tilespmem:s15+$0xFFFFFF00] =	vst v0;
	v0 =	vld [tilespmem:s7+$0x10];
	v4 =	vadd.f32 v6, v5  }
0x117: {  	v5 =	vld [tilespmem:s7+$0xFFFFFF10]  }
0x118: {  	[tilespmem:s15+$0x90] =	vst v4;
	v4 =	vld [tilespmem:s15+$0xA0]  }
0x119: {  	v2 =	vadd.f32 v3, v2;
	v3 =	vld [tilespmem:s7+$0xA0]  }
0x11a: {  	v6 =	vld [tilespmem:s15+$0xFFFFFF20]  }
0x11b: {  	[tilespmem:s15+$0xFFFFFF90] =	vst v2;
	v2 =	vld [tilespmem:s15+$0xFFFFFFA0];
	v0 =	vadd.f32 v0, v1  }
0x11c: {  	v1 =	vadd.f32 v5, v7;
	v5 =	vld [tilespmem:s7+$0xFFFFFFA0]  }
0x11d: {  	[tilespmem:s15+$0x10] =	vst v0;
	v0 =	vld [tilespmem:s15+$0x20]  }
0x11e: {  	[tilespmem:s15+$0xFFFFFF10] =	vst v1;
	v1 =	vld [tilespmem:s7+$0x20];
	v3 =	vadd.f32 v3, v4  }
0x11f: {  	v4 =	vld [tilespmem:s7+$0xFFFFFF20]  }
0x120: {  	[tilespmem:s15+$0xA0] =	vst v3;
	v3 =	vld [tilespmem:s15+$0xB0]  }
0x121: {  	v2 =	vadd.f32 v5, v2;
	v5 =	vld [tilespmem:s7+$0xB0]  }
0x122: {  	v7 =	vld [tilespmem:s15+$0xFFFFFF30]  }
0x123: {  	[tilespmem:s15+$0xFFFFFFA0] =	vst v2;
	v2 =	vld [tilespmem:s15+$0xFFFFFFB0];
	v0 =	vadd.f32 v1, v0  }
0x124: {  	v1 =	vadd.f32 v4, v6;
	v4 =	vld [tilespmem:s7+$0xFFFFFFB0]  }
0x125: {  	[tilespmem:s15+$0x20] =	vst v0;
	v0 =	vld [tilespmem:s15+$0x30]  }
0x126: {  	[tilespmem:s15+$0xFFFFFF20] =	vst v1;
	v1 =	vld [tilespmem:s7+$0x30];
	v3 =	vadd.f32 v5, v3  }
0x127: {  	v5 =	vld [tilespmem:s7+$0xFFFFFF30]  }
0x128: {  	[tilespmem:s15+$0xB0] =	vst v3;
	v3 =	vld [tilespmem:s15+$0xC0]  }
0x129: {  	v2 =	vadd.f32 v4, v2;
	v4 =	vld [tilespmem:s7+$0xC0]  }
0x12a: {  	v6 =	vld [tilespmem:s15+$0xFFFFFF40]  }
0x12b: {  	[tilespmem:s15+$0xFFFFFFB0] =	vst v2;
	v2 =	vld [tilespmem:s15+$0xFFFFFFC0];
	v0 =	vadd.f32 v1, v0  }
0x12c: {  	v1 =	vadd.f32 v5, v7;
	v5 =	vld [tilespmem:s7+$0xFFFFFFC0]  }
0x12d: {  	[tilespmem:s15+$0x30] =	vst v0;
	v0 =	vld [tilespmem:s15+$0x40]  }
0x12e: {  	[tilespmem:s15+$0xFFFFFF30] =	vst v1;
	v1 =	vld [tilespmem:s7+$0x40];
	v3 =	vadd.f32 v4, v3  }
0x12f: {  	v4 =	vld [tilespmem:s7+$0xFFFFFF40]  }
0x130: {  	[tilespmem:s15+$0xC0] =	vst v3;
	v3 =	vld [tilespmem:s15+$0xD0]  }
0x131: {  	v2 =	vadd.f32 v5, v2;
	v5 =	vld [tilespmem:s7+$0xD0]  }
0x132: {  	v7 =	vld [tilespmem:s15+$0xFFFFFF50]  }
0x133: {  	[tilespmem:s15+$0xFFFFFFC0] =	vst v2;
	v2 =	vld [tilespmem:s15+$0xFFFFFFD0];
	v0 =	vadd.f32 v1, v0  }
0x134: {  	v1 =	vadd.f32 v4, v6;
	v4 =	vld [tilespmem:s7+$0xFFFFFFD0]  }
0x135: {  	[tilespmem:s15+$0x40] =	vst v0;
	v0 =	vld [tilespmem:s15+$0x50]  }
0x136: {  	[tilespmem:s15+$0xFFFFFF40] =	vst v1;
	v1 =	vld [tilespmem:s7+$0x50];
	v3 =	vadd.f32 v5, v3  }
0x137: {  	v5 =	vld [tilespmem:s7+$0xFFFFFF50]  }
0x138: {  	[tilespmem:s15+$0xD0] =	vst v3;
	v3 =	vld [tilespmem:s15+$0xE0]  }
0x139: {  	v2 =	vadd.f32 v4, v2;
	v4 =	vld [tilespmem:s7+$0xE0]  }
0x13a: {  	v6 =	vld [tilespmem:s15+$0xFFFFFF60]  }
0x13b: {  	[tilespmem:s15+$0xFFFFFFD0] =	vst v2;
	v2 =	vld [tilespmem:s15+$0xFFFFFFE0];
	v0 =	vadd.f32 v1, v0  }
0x13c: {  	v1 =	vadd.f32 v5, v7;
	v5 =	vld [tilespmem:s7+$0xFFFFFFE0]  }
0x13d: {  	[tilespmem:s15+$0x50] =	vst v0;
	v7 =	vld [tilespmem:s15+$0x60]  }
0x13e: {  	[tilespmem:s15+$0xFFFFFF50] =	vst v1;
	v8 =	vld [tilespmem:s7+$0x60];
	v0 =	vadd.f32 v4, v3  }
0x13f: {  	v3 =	vld [tilespmem:s7+$0xFFFFFF60]  }
0x140: {  	[tilespmem:s15+$0xE0] =	vst v0;
	v9 =	vld [tilespmem:s15+$0xF0]  }
0x141: {  	v1 =	vadd.f32 v5, v2;
	v5 =	vld [tilespmem:s7+$0xF0]  }
0x142: {  	v0 =	vld [tilespmem:s15+$0xFFFFFF70]  }
.Ltmp1:
0x143: {  	[tilespmem:s15+$0xFFFFFFE0] =	vst v1;
	v1 =	vld [tilespmem:s15+$0xFFFFFFF0];
	v2 =	vadd.f32 v8, v7;
	(pc) =	sbr.rel @p1 .LBB2_5-.Ltmp1, $4  }
0x144: {  	v4 =	vadd.f32 v3, v6;
	v3 =	vld [tilespmem:s7+$0xFFFFFFF0]  }
0x145: {  	[tilespmem:s15+$0x60] =	vst v2;
	v2 =	vld [tilespmem:s15+$0x70]  }
0x146: {  	[tilespmem:s15+$0xFFFFFF60] =	vst v4;
	v4 =	vld [tilespmem:s7+$0x70];
	v6 =	vadd.f32 v5, v9  }
0x147: {  	s15 =	sadd.s32 $0x200, s15;
	v5 =	vld [tilespmem:s7+$0xFFFFFF70]  }
0x148: {  	_ =	sdelay $0x1  }
0x149: {  	v1 =	vadd.f32 v3, v1  }
0x14a: {  	[tilespmem:s1+$0xF0] =	vst v6;
	v2 =	vadd.f32 v4, v2  }
0x14b: {  	[tilespmem:s1+$0xFFFFFFF0] =	vst v1;
	v0 =	vadd.f32 v5, v0  }
0x14c: {  	[tilespmem:s1+$0x70] =	vst v2  }
0x14d: {  	[tilespmem:s1+$0xFFFFFF70] =	vst v0;
	s1 =	simm.s32 @!p0 $0x6  }
0x14e: {  	_ =	swait.ge @!p0 [sflag:s1], $0x400  }
0x14f: {  	[sflag:s1] =	ssyncset.done @!p0 $0x0  }
0x150: {  	[sflag:s1] =	ssyncadd.s32 @!p0 $0xFFFFFC00  }
0x151: {  	[spmem:s12] =	stream.linear.scatter [tilespmem:s28], [sflag:$0x9], $0x2000, $0x38;
	[tilespmem:$0x1B400] =	vst v63  }
0x152: {  	s26 =	sadd.s32 $0x4, s9;
	_ =	swait.ge [sflag:s23], $0x2000  }
0x153: {  	s15 =	sshll.u32 s26, $0xD;
	s1 =	sshll.u32 s19, $0x8;
	s7 =	rddreg [dreg:$0xa]  }
0x154: {  	s22 =	sor.u32 $0x1C06, s29;
	s15 =	sadd.s32 s8, s15;
	s7 =	sadd.s32 s1, s7  }
0x155: {  	s15 =	sshrl.u32 s15, $0x3;
	[sflag:s23] =	ssyncset.done $0x0;
	s7 =	sshll.u32 s7, $0x4  }
0x156: {  	[sflag:s23] =	ssyncadd.s32 $0xFFFFE000;
	s13 =	sadd.s32 s4, s7;
	s7 =	sshrl.u32 s12, $0x3  }
0x157: {  	[hbm:s13], [sflag:s22] =	dma.local [spmem:s7], $0x400  }
0x158: {  	s15 =	sadd.s32 s0, s15;
	s13 =	sshll.u32 s26, $0x7  }
0x159: {  	[tilespmem:s24], [sflag:$0x1] =	stream.linear.gather [hbm4b:s15+s5], $0x2000, $0x38;
	[tilespmem:$0x1B400] =	vst v63  }
0x15a: {  	s26 =	simm.s32 $0xB400;
	s13 =	sand.u32 $0x3FFFFF80, s13  }
0x15b: {  	[tilespmem:s26], [sflag:$0x1] =	stream.indirect.gather [hbm4b:s2+s25], $0x80, s13, s25, $0xb8;
	[tilespmem:$0x1B400] =	vst v63  }
0x15c: {  	_ =	swait.ge [sflag:s17], $0x2000  }
0x15d: {  	[sflag:s17] =	ssyncset.done $0x0  }
0x15e: {  	[sflag:s17] =	ssyncadd.s32 $0xFFFFE000  }
0x15f: {  	_ =	swait.ge [sflag:s17], $0x2000  }
0x160: {  	[sflag:s17] =	ssyncset.done $0x0  }
0x161: {  	s26 =	simm.s32 $0x7500;
	[sflag:s17] =	ssyncadd.s32 $0xFFFFE000  }
0x162: {  	s13 =	simm.s32 $0xF500;
	v0 =	vld [tilespmem:s26+$0x80]  }
0x163: {  	v1 =	vld [tilespmem:s13+$0x80]  }
0x164: {  	v2 =	vld [tilespmem:s26+$0xFFFFFF80]  }
0x165: {  	v3 =	vld [tilespmem:s13+$0xFFFFFF80]  }
0x166: {  	v4 =	vld [tilespmem:s26+$0x0]  }
0x167: {  	v5 =	vld [tilespmem:s13+$0x0]  }
0x168: {  	v6 =	vld [tilespmem:s26+$0xFFFFFF00];
	v0 =	vadd.f32 v1, v0  }
0x169: {  	v1 =	vld [tilespmem:s13+$0xFFFFFF00]  }
0x16a: {  	[tilespmem:s26+$0x80] =	vst v0;
	v0 =	vld [tilespmem:s26+$0x90]  }
0x16b: {  	v2 =	vadd.f32 v3, v2;
	v3 =	vld [tilespmem:s13+$0x90]  }
0x16c: {  	v7 =	vld [tilespmem:s26+$0xFFFFFF10]  }
0x16d: {  	[tilespmem:s26+$0xFFFFFF80] =	vst v2;
	v2 =	vadd.f32 v5, v4;
	v4 =	vld [tilespmem:s26+$0xFFFFFF90]  }
0x16e: {  	v5 =	vld [tilespmem:s13+$0xFFFFFF90];
	v1 =	vadd.f32 v1, v6  }
0x16f: {  	[tilespmem:s26+$0x0] =	vst v2;
	v2 =	vld [tilespmem:s26+$0x10]  }
0x170: {  	v6 =	vld [tilespmem:s13+$0x10];
	[tilespmem:s26+$0xFFFFFF00] =	vst v1;
	v0 =	vadd.f32 v3, v0  }
0x171: {  	v1 =	vld [tilespmem:s13+$0xFFFFFF10]  }
0x172: {  	[tilespmem:s26+$0x90] =	vst v0;
	v0 =	vld [tilespmem:s26+$0xA0]  }
0x173: {  	v3 =	vadd.f32 v5, v4;
	v4 =	vld [tilespmem:s13+$0xA0]  }
0x174: {  	v5 =	vld [tilespmem:s26+$0xFFFFFF20]  }
0x175: {  	[tilespmem:s26+$0xFFFFFF90] =	vst v3;
	v2 =	vadd.f32 v6, v2;
	v3 =	vld [tilespmem:s26+$0xFFFFFFA0]  }
0x176: {  	v6 =	vld [tilespmem:s13+$0xFFFFFFA0];
	v1 =	vadd.f32 v1, v7  }
0x177: {  	[tilespmem:s26+$0x10] =	vst v2;
	v2 =	vld [tilespmem:s26+$0x20]  }
0x178: {  	v7 =	vld [tilespmem:s13+$0x20];
	[tilespmem:s26+$0xFFFFFF10] =	vst v1;
	v0 =	vadd.f32 v4, v0  }
0x179: {  	v1 =	vld [tilespmem:s13+$0xFFFFFF20]  }
0x17a: {  	[tilespmem:s26+$0xA0] =	vst v0;
	v0 =	vld [tilespmem:s26+$0xB0]  }
0x17b: {  	v3 =	vadd.f32 v6, v3;
	v4 =	vld [tilespmem:s13+$0xB0]  }
0x17c: {  	v6 =	vld [tilespmem:s26+$0xFFFFFF30]  }
0x17d: {  	[tilespmem:s26+$0xFFFFFFA0] =	vst v3;
	v2 =	vadd.f32 v7, v2;
	v3 =	vld [tilespmem:s26+$0xFFFFFFB0]  }
0x17e: {  	v7 =	vld [tilespmem:s13+$0xFFFFFFB0];
	v1 =	vadd.f32 v1, v5  }
0x17f: {  	[tilespmem:s26+$0x20] =	vst v2;
	v2 =	vld [tilespmem:s26+$0x30]  }
0x180: {  	v5 =	vld [tilespmem:s13+$0x30];
	[tilespmem:s26+$0xFFFFFF20] =	vst v1;
	v0 =	vadd.f32 v4, v0  }
0x181: {  	v1 =	vld [tilespmem:s13+$0xFFFFFF30]  }
0x182: {  	[tilespmem:s26+$0xB0] =	vst v0;
	v0 =	vld [tilespmem:s26+$0xC0]  }
0x183: {  	v3 =	vadd.f32 v7, v3;
	v4 =	vld [tilespmem:s13+$0xC0]  }
0x184: {  	v7 =	vld [tilespmem:s26+$0xFFFFFF40]  }
0x185: {  	[tilespmem:s26+$0xFFFFFFB0] =	vst v3;
	v2 =	vadd.f32 v5, v2;
	v3 =	vld [tilespmem:s26+$0xFFFFFFC0]  }
0x186: {  	v5 =	vld [tilespmem:s13+$0xFFFFFFC0];
	v1 =	vadd.f32 v1, v6  }
0x187: {  	[tilespmem:s26+$0x30] =	vst v2;
	v2 =	vld [tilespmem:s26+$0x40]  }
0x188: {  	v6 =	vld [tilespmem:s13+$0x40];
	[tilespmem:s26+$0xFFFFFF30] =	vst v1;
	v0 =	vadd.f32 v4, v0  }
0x189: {  	v1 =	vld [tilespmem:s13+$0xFFFFFF40]  }
0x18a: {  	[tilespmem:s26+$0xC0] =	vst v0;
	v0 =	vld [tilespmem:s26+$0xD0]  }
0x18b: {  	v3 =	vadd.f32 v5, v3;
	v4 =	vld [tilespmem:s13+$0xD0]  }
0x18c: {  	v5 =	vld [tilespmem:s26+$0xFFFFFF50]  }
0x18d: {  	[tilespmem:s26+$0xFFFFFFC0] =	vst v3;
	v2 =	vadd.f32 v6, v2;
	v3 =	vld [tilespmem:s26+$0xFFFFFFD0]  }
0x18e: {  	v6 =	vld [tilespmem:s13+$0xFFFFFFD0];
	v1 =	vadd.f32 v1, v7  }
0x18f: {  	[tilespmem:s26+$0x40] =	vst v2;
	v2 =	vld [tilespmem:s26+$0x50]  }
0x190: {  	v7 =	vld [tilespmem:s13+$0x50];
	[tilespmem:s26+$0xFFFFFF40] =	vst v1;
	v0 =	vadd.f32 v4, v0  }
0x191: {  	v1 =	vld [tilespmem:s13+$0xFFFFFF50]  }
0x192: {  	[tilespmem:s26+$0xD0] =	vst v0;
	v0 =	vld [tilespmem:s26+$0xE0]  }
0x193: {  	v3 =	vadd.f32 v6, v3;
	v4 =	vld [tilespmem:s13+$0xE0]  }
0x194: {  	v6 =	vld [tilespmem:s26+$0xFFFFFF60]  }
0x195: {  	[tilespmem:s26+$0xFFFFFFD0] =	vst v3;
	v2 =	vadd.f32 v7, v2;
	v3 =	vld [tilespmem:s26+$0xFFFFFFE0]  }
0x196: {  	v7 =	vld [tilespmem:s13+$0xFFFFFFE0];
	v1 =	vadd.f32 v1, v5  }
0x197: {  	[tilespmem:s26+$0x50] =	vst v2;
	v2 =	vld [tilespmem:s26+$0x60]  }
0x198: {  	v5 =	vld [tilespmem:s13+$0x60];
	[tilespmem:s26+$0xFFFFFF50] =	vst v1;
	v0 =	vadd.f32 v4, v0  }
0x199: {  	v4 =	vld [tilespmem:s13+$0xFFFFFF60]  }
0x19a: {  	v8 =	vld [tilespmem:s26+$0xF0];
	[tilespmem:s26+$0xE0] =	vst v0  }
0x19b: {  	v1 =	vadd.f32 v7, v3;
	v7 =	vld [tilespmem:s13+$0xF0]  }
0x19c: {  	v0 =	vld [tilespmem:s26+$0xFFFFFF70]  }
0x19d: {  	[tilespmem:s26+$0xFFFFFFE0] =	vst v1;
	v2 =	vadd.f32 v5, v2;
	v1 =	vld [tilespmem:s26+$0xFFFFFFF0]  }
0x19e: {  	v3 =	vld [tilespmem:s13+$0xFFFFFFF0];
	v4 =	vadd.f32 v4, v6  }
0x19f: {  	[tilespmem:s26+$0x60] =	vst v2;
	v2 =	vld [tilespmem:s26+$0x70]  }
0x1a0: {  	[tilespmem:s26+$0xFFFFFF60] =	vst v4;
	v4 =	vld [tilespmem:s13+$0x70];
	v6 =	vadd.f32 v7, v8  }
0x1a1: {  	s15 =	simm.s32 $0x0;
	s24 =	simm.s32 $0x7700;
	v5 =	vld [tilespmem:s13+$0xFFFFFF70]  }
.LBB2_7:
0x1a2: {  	v7 =	vld [tilespmem:s24+$0x80];
	[tilespmem:s26+$0xF0] =	vst v6;
	s13 =	sadd.s32 $0x200, s13  }
0x1a3: {  	s15 =	sadd.s32 $0x4, s15;
	v6 =	vld [tilespmem:s13+$0x80];
	v1 =	vadd.f32 v3, v1  }
0x1a4: {  	p1 =	slt.u32 s15, $0x3C;
	v3 =	vld [tilespmem:s13+$0xFFFFFF00]  }
0x1a5: {  	v8 =	vld [tilespmem:s24+$0xFFFFFF80];
	[tilespmem:s26+$0xFFFFFFF0] =	vst v1;
	v1 =	vadd.f32 v4, v2  }
0x1a6: {  	v2 =	vld [tilespmem:s13+$0xFFFFFF80];
	v0 =	vadd.f32 v5, v0  }
0x1a7: {  	v4 =	vld [tilespmem:s24+$0x0];
	[tilespmem:s26+$0x70] =	vst v1  }
0x1a8: {  	v1 =	vld [tilespmem:s13+$0x0];
	v5 =	vadd.f32 v6, v7;
	[tilespmem:s26+$0xFFFFFF70] =	vst v0;
	s26 =	smov.u32 s24  }
0x1a9: {  	v0 =	vld [tilespmem:s24+$0xFFFFFF00]  }
0x1aa: {  	[tilespmem:s24+$0x80] =	vst v5;
	v5 =	vld [tilespmem:s24+$0x90]  }
0x1ab: {  	v2 =	vadd.f32 v2, v8;
	v6 =	vld [tilespmem:s13+$0x90]  }
0x1ac: {  	v7 =	vld [tilespmem:s24+$0xFFFFFF10]  }
0x1ad: {  	[tilespmem:s24+$0xFFFFFF80] =	vst v2;
	v2 =	vld [tilespmem:s24+$0xFFFFFF90];
	v1 =	vadd.f32 v1, v4  }
0x1ae: {  	v0 =	vadd.f32 v3, v0;
	v3 =	vld [tilespmem:s13+$0xFFFFFF90]  }
0x1af: {  	[tilespmem:s24+$0x0] =	vst v1;
	v1 =	vld [tilespmem:s24+$0x10]  }
0x1b0: {  	[tilespmem:s24+$0xFFFFFF00] =	vst v0;
	v0 =	vld [tilespmem:s13+$0x10];
	v4 =	vadd.f32 v6, v5  }
0x1b1: {  	v5 =	vld [tilespmem:s13+$0xFFFFFF10]  }
0x1b2: {  	[tilespmem:s24+$0x90] =	vst v4;
	v4 =	vld [tilespmem:s24+$0xA0]  }
0x1b3: {  	v2 =	vadd.f32 v3, v2;
	v3 =	vld [tilespmem:s13+$0xA0]  }
0x1b4: {  	v6 =	vld [tilespmem:s24+$0xFFFFFF20]  }
0x1b5: {  	[tilespmem:s24+$0xFFFFFF90] =	vst v2;
	v2 =	vld [tilespmem:s24+$0xFFFFFFA0];
	v0 =	vadd.f32 v0, v1  }
0x1b6: {  	v1 =	vadd.f32 v5, v7;
	v5 =	vld [tilespmem:s13+$0xFFFFFFA0]  }
0x1b7: {  	[tilespmem:s24+$0x10] =	vst v0;
	v0 =	vld [tilespmem:s24+$0x20]  }
0x1b8: {  	[tilespmem:s24+$0xFFFFFF10] =	vst v1;
	v1 =	vld [tilespmem:s13+$0x20];
	v3 =	vadd.f32 v3, v4  }
0x1b9: {  	v4 =	vld [tilespmem:s13+$0xFFFFFF20]  }
0x1ba: {  	[tilespmem:s24+$0xA0] =	vst v3;
	v3 =	vld [tilespmem:s24+$0xB0]  }
0x1bb: {  	v2 =	vadd.f32 v5, v2;
	v5 =	vld [tilespmem:s13+$0xB0]  }
0x1bc: {  	v7 =	vld [tilespmem:s24+$0xFFFFFF30]  }
0x1bd: {  	[tilespmem:s24+$0xFFFFFFA0] =	vst v2;
	v2 =	vld [tilespmem:s24+$0xFFFFFFB0];
	v0 =	vadd.f32 v1, v0  }
0x1be: {  	v1 =	vadd.f32 v4, v6;
	v4 =	vld [tilespmem:s13+$0xFFFFFFB0]  }
0x1bf: {  	[tilespmem:s24+$0x20] =	vst v0;
	v0 =	vld [tilespmem:s24+$0x30]  }
0x1c0: {  	[tilespmem:s24+$0xFFFFFF20] =	vst v1;
	v1 =	vld [tilespmem:s13+$0x30];
	v3 =	vadd.f32 v5, v3  }
0x1c1: {  	v5 =	vld [tilespmem:s13+$0xFFFFFF30]  }
0x1c2: {  	[tilespmem:s24+$0xB0] =	vst v3;
	v3 =	vld [tilespmem:s24+$0xC0]  }
0x1c3: {  	v2 =	vadd.f32 v4, v2;
	v4 =	vld [tilespmem:s13+$0xC0]  }
0x1c4: {  	v6 =	vld [tilespmem:s24+$0xFFFFFF40]  }
0x1c5: {  	[tilespmem:s24+$0xFFFFFFB0] =	vst v2;
	v2 =	vld [tilespmem:s24+$0xFFFFFFC0];
	v0 =	vadd.f32 v1, v0  }
0x1c6: {  	v1 =	vadd.f32 v5, v7;
	v5 =	vld [tilespmem:s13+$0xFFFFFFC0]  }
0x1c7: {  	[tilespmem:s24+$0x30] =	vst v0;
	v0 =	vld [tilespmem:s24+$0x40]  }
0x1c8: {  	[tilespmem:s24+$0xFFFFFF30] =	vst v1;
	v1 =	vld [tilespmem:s13+$0x40];
	v3 =	vadd.f32 v4, v3  }
0x1c9: {  	v4 =	vld [tilespmem:s13+$0xFFFFFF40]  }
0x1ca: {  	[tilespmem:s24+$0xC0] =	vst v3;
	v3 =	vld [tilespmem:s24+$0xD0]  }
0x1cb: {  	v2 =	vadd.f32 v5, v2;
	v5 =	vld [tilespmem:s13+$0xD0]  }
0x1cc: {  	v7 =	vld [tilespmem:s24+$0xFFFFFF50]  }
0x1cd: {  	[tilespmem:s24+$0xFFFFFFC0] =	vst v2;
	v2 =	vld [tilespmem:s24+$0xFFFFFFD0];
	v0 =	vadd.f32 v1, v0  }
0x1ce: {  	v1 =	vadd.f32 v4, v6;
	v4 =	vld [tilespmem:s13+$0xFFFFFFD0]  }
0x1cf: {  	[tilespmem:s24+$0x40] =	vst v0;
	v0 =	vld [tilespmem:s24+$0x50]  }
0x1d0: {  	[tilespmem:s24+$0xFFFFFF40] =	vst v1;
	v1 =	vld [tilespmem:s13+$0x50];
	v3 =	vadd.f32 v5, v3  }
0x1d1: {  	v5 =	vld [tilespmem:s13+$0xFFFFFF50]  }
0x1d2: {  	[tilespmem:s24+$0xD0] =	vst v3;
	v3 =	vld [tilespmem:s24+$0xE0]  }
0x1d3: {  	v2 =	vadd.f32 v4, v2;
	v4 =	vld [tilespmem:s13+$0xE0]  }
0x1d4: {  	v6 =	vld [tilespmem:s24+$0xFFFFFF60]  }
0x1d5: {  	[tilespmem:s24+$0xFFFFFFD0] =	vst v2;
	v2 =	vld [tilespmem:s24+$0xFFFFFFE0];
	v0 =	vadd.f32 v1, v0  }
0x1d6: {  	v1 =	vadd.f32 v5, v7;
	v5 =	vld [tilespmem:s13+$0xFFFFFFE0]  }
0x1d7: {  	[tilespmem:s24+$0x50] =	vst v0;
	v7 =	vld [tilespmem:s24+$0x60]  }
0x1d8: {  	[tilespmem:s24+$0xFFFFFF50] =	vst v1;
	v8 =	vld [tilespmem:s13+$0x60];
	v0 =	vadd.f32 v4, v3  }
0x1d9: {  	v3 =	vld [tilespmem:s13+$0xFFFFFF60]  }
0x1da: {  	[tilespmem:s24+$0xE0] =	vst v0;
	v9 =	vld [tilespmem:s24+$0xF0]  }
0x1db: {  	v1 =	vadd.f32 v5, v2;
	v5 =	vld [tilespmem:s13+$0xF0]  }
0x1dc: {  	v0 =	vld [tilespmem:s24+$0xFFFFFF70]  }
.Ltmp2:
0x1dd: {  	[tilespmem:s24+$0xFFFFFFE0] =	vst v1;
	v1 =	vld [tilespmem:s24+$0xFFFFFFF0];
	v2 =	vadd.f32 v8, v7;
	(pc) =	sbr.rel @p1 .LBB2_7-.Ltmp2, $4  }
0x1de: {  	v4 =	vadd.f32 v3, v6;
	v3 =	vld [tilespmem:s13+$0xFFFFFFF0]  }
0x1df: {  	[tilespmem:s24+$0x60] =	vst v2;
	v2 =	vld [tilespmem:s24+$0x70]  }
0x1e0: {  	[tilespmem:s24+$0xFFFFFF60] =	vst v4;
	v4 =	vld [tilespmem:s13+$0x70];
	v6 =	vadd.f32 v5, v9  }
0x1e1: {  	s24 =	sadd.s32 $0x200, s24;
	v5 =	vld [tilespmem:s13+$0xFFFFFF70]  }
0x1e2: {  	_ =	sdelay $0x1  }
0x1e3: {  	v1 =	vadd.f32 v3, v1  }
0x1e4: {  	[tilespmem:s26+$0xF0] =	vst v6;
	v2 =	vadd.f32 v4, v2  }
0x1e5: {  	[tilespmem:s26+$0xFFFFFFF0] =	vst v1;
	v0 =	vadd.f32 v5, v0  }
0x1e6: {  	[tilespmem:s26+$0x70] =	vst v2  }
0x1e7: {  	s13 =	simm.s32 @!p0 $0x7;
	[tilespmem:s26+$0xFFFFFF70] =	vst v0  }
0x1e8: {  	_ =	swait.ge @!p0 [sflag:s13], $0x400  }
0x1e9: {  	[sflag:s13] =	ssyncset.done @!p0 $0x0  }
0x1ea: {  	[sflag:s13] =	ssyncadd.s32 @!p0 $0xFFFFFC00  }
0x1eb: {  	[spmem:s14] =	stream.linear.scatter [tilespmem:s31], [sflag:$0x9], $0x2000, $0x38;
	[tilespmem:$0x1B400] =	vst v63  }
0x1ec: {  	_ =	swait.ge [sflag:s23], $0x2000  }
0x1ed: {  	s26 =	rddreg [dreg:$0xb]  }
0x1ee: {  	[sflag:s23] =	ssyncset.done $0x0;
	s1 =	sadd.s32 s1, s26  }
0x1ef: {  	s24 =	sadd.s32 $0x5, s9;
	[sflag:s23] =	ssyncadd.s32 $0xFFFFE000;
	s1 =	sshll.u32 s1, $0x4  }
0x1f0: {  	s26 =	sshrl.u32 s14, $0x3;
	s15 =	sadd.s32 s4, s1;
	s1 =	sor.u32 $0x1C07, s29  }
0x1f1: {  	[hbm:s15], [sflag:s1] =	dma.local [spmem:s26], $0x400  }
0x1f2: {  	s15 =	sshll.u32 s24, $0xD  }
0x1f3: {  	s15 =	sadd.s32 s8, s15  }
0x1f4: {  	s15 =	sshrl.u32 s15, $0x3  }
0x1f5: {  	s13 =	sshll.u32 s24, $0x7;
	s15 =	sadd.s32 s0, s15  }
0x1f6: {  	[tilespmem:s28], [sflag:$0x2] =	stream.linear.gather [hbm4b:s15+s5], $0x2000, $0x38;
	[tilespmem:$0x1B400] =	vst v63  }
0x1f7: {  	s13 =	sand.u32 $0x3FFFFF80, s13;
	s24 =	simm.s32 $0xD400  }
0x1f8: {  	[tilespmem:s24], [sflag:$0x2] =	stream.indirect.gather [hbm4b:s2+s25], $0x80, s13, s25, $0xb8;
	[tilespmem:$0x1B400] =	vst v63  }
0x1f9: {  	_ =	swait.ge [sflag:s18], $0x2000  }
0x1fa: {  	[sflag:s18] =	ssyncset.done $0x0  }
0x1fb: {  	[sflag:s18] =	ssyncadd.s32 $0xFFFFE000  }
0x1fc: {  	_ =	swait.ge [sflag:s18], $0x2000  }
0x1fd: {  	[sflag:s18] =	ssyncset.done $0x0  }
0x1fe: {  	s13 =	simm.s32 $0x9500;
	[sflag:s18] =	ssyncadd.s32 $0xFFFFE000  }
0x1ff: {  	s15 =	simm.s32 $0x11500;
	v0 =	vld [tilespmem:s13+$0x80]  }
0x200: {  	v1 =	vld [tilespmem:s15+$0x80]  }
0x201: {  	v2 =	vld [tilespmem:s13+$0xFFFFFF80]  }
0x202: {  	v3 =	vld [tilespmem:s15+$0xFFFFFF80]  }
0x203: {  	v4 =	vld [tilespmem:s13+$0x0]  }
0x204: {  	v5 =	vld [tilespmem:s15+$0x0]  }
0x205: {  	v6 =	vld [tilespmem:s13+$0xFFFFFF00];
	v0 =	vadd.f32 v1, v0  }
0x206: {  	v1 =	vld [tilespmem:s15+$0xFFFFFF00]  }
0x207: {  	[tilespmem:s13+$0x80] =	vst v0;
	v0 =	vld [tilespmem:s13+$0x90]  }
0x208: {  	v2 =	vadd.f32 v3, v2;
	v3 =	vld [tilespmem:s15+$0x90]  }
0x209: {  	v7 =	vld [tilespmem:s13+$0xFFFFFF10]  }
0x20a: {  	[tilespmem:s13+$0xFFFFFF80] =	vst v2;
	v2 =	vadd.f32 v5, v4;
	v4 =	vld [tilespmem:s13+$0xFFFFFF90]  }
0x20b: {  	v5 =	vld [tilespmem:s15+$0xFFFFFF90];
	v1 =	vadd.f32 v1, v6  }
0x20c: {  	[tilespmem:s13+$0x0] =	vst v2;
	v2 =	vld [tilespmem:s13+$0x10]  }
0x20d: {  	v6 =	vld [tilespmem:s15+$0x10];
	[tilespmem:s13+$0xFFFFFF00] =	vst v1;
	v0 =	vadd.f32 v3, v0  }
0x20e: {  	v1 =	vld [tilespmem:s15+$0xFFFFFF10]  }
0x20f: {  	[tilespmem:s13+$0x90] =	vst v0;
	v0 =	vld [tilespmem:s13+$0xA0]  }
0x210: {  	v3 =	vadd.f32 v5, v4;
	v4 =	vld [tilespmem:s15+$0xA0]  }
0x211: {  	v5 =	vld [tilespmem:s13+$0xFFFFFF20]  }
0x212: {  	[tilespmem:s13+$0xFFFFFF90] =	vst v3;
	v2 =	vadd.f32 v6, v2;
	v3 =	vld [tilespmem:s13+$0xFFFFFFA0]  }
0x213: {  	v6 =	vld [tilespmem:s15+$0xFFFFFFA0];
	v1 =	vadd.f32 v1, v7  }
0x214: {  	[tilespmem:s13+$0x10] =	vst v2;
	v2 =	vld [tilespmem:s13+$0x20]  }
0x215: {  	v7 =	vld [tilespmem:s15+$0x20];
	[tilespmem:s13+$0xFFFFFF10] =	vst v1;
	v0 =	vadd.f32 v4, v0  }
0x216: {  	v1 =	vld [tilespmem:s15+$0xFFFFFF20]  }
0x217: {  	[tilespmem:s13+$0xA0] =	vst v0;
	v0 =	vld [tilespmem:s13+$0xB0]  }
0x218: {  	v3 =	vadd.f32 v6, v3;
	v4 =	vld [tilespmem:s15+$0xB0]  }
0x219: {  	v6 =	vld [tilespmem:s13+$0xFFFFFF30]  }
0x21a: {  	[tilespmem:s13+$0xFFFFFFA0] =	vst v3;
	v2 =	vadd.f32 v7, v2;
	v3 =	vld [tilespmem:s13+$0xFFFFFFB0]  }
0x21b: {  	v7 =	vld [tilespmem:s15+$0xFFFFFFB0];
	v1 =	vadd.f32 v1, v5  }
0x21c: {  	[tilespmem:s13+$0x20] =	vst v2;
	v2 =	vld [tilespmem:s13+$0x30]  }
0x21d: {  	v5 =	vld [tilespmem:s15+$0x30];
	[tilespmem:s13+$0xFFFFFF20] =	vst v1;
	v0 =	vadd.f32 v4, v0  }
0x21e: {  	v1 =	vld [tilespmem:s15+$0xFFFFFF30]  }
0x21f: {  	[tilespmem:s13+$0xB0] =	vst v0;
	v0 =	vld [tilespmem:s13+$0xC0]  }
0x220: {  	v3 =	vadd.f32 v7, v3;
	v4 =	vld [tilespmem:s15+$0xC0]  }
0x221: {  	v7 =	vld [tilespmem:s13+$0xFFFFFF40]  }
0x222: {  	[tilespmem:s13+$0xFFFFFFB0] =	vst v3;
	v2 =	vadd.f32 v5, v2;
	v3 =	vld [tilespmem:s13+$0xFFFFFFC0]  }
0x223: {  	v5 =	vld [tilespmem:s15+$0xFFFFFFC0];
	v1 =	vadd.f32 v1, v6  }
0x224: {  	[tilespmem:s13+$0x30] =	vst v2;
	v2 =	vld [tilespmem:s13+$0x40]  }
0x225: {  	v6 =	vld [tilespmem:s15+$0x40];
	[tilespmem:s13+$0xFFFFFF30] =	vst v1;
	v0 =	vadd.f32 v4, v0  }
0x226: {  	v1 =	vld [tilespmem:s15+$0xFFFFFF40]  }
0x227: {  	[tilespmem:s13+$0xC0] =	vst v0;
	v0 =	vld [tilespmem:s13+$0xD0]  }
0x228: {  	v3 =	vadd.f32 v5, v3;
	v4 =	vld [tilespmem:s15+$0xD0]  }
0x229: {  	v5 =	vld [tilespmem:s13+$0xFFFFFF50]  }
0x22a: {  	[tilespmem:s13+$0xFFFFFFC0] =	vst v3;
	v2 =	vadd.f32 v6, v2;
	v3 =	vld [tilespmem:s13+$0xFFFFFFD0]  }
0x22b: {  	v6 =	vld [tilespmem:s15+$0xFFFFFFD0];
	v1 =	vadd.f32 v1, v7  }
0x22c: {  	[tilespmem:s13+$0x40] =	vst v2;
	v2 =	vld [tilespmem:s13+$0x50]  }
0x22d: {  	v7 =	vld [tilespmem:s15+$0x50];
	[tilespmem:s13+$0xFFFFFF40] =	vst v1;
	v0 =	vadd.f32 v4, v0  }
0x22e: {  	v1 =	vld [tilespmem:s15+$0xFFFFFF50]  }
0x22f: {  	[tilespmem:s13+$0xD0] =	vst v0;
	v0 =	vld [tilespmem:s13+$0xE0]  }
0x230: {  	v3 =	vadd.f32 v6, v3;
	v4 =	vld [tilespmem:s15+$0xE0]  }
0x231: {  	v6 =	vld [tilespmem:s13+$0xFFFFFF60]  }
0x232: {  	[tilespmem:s13+$0xFFFFFFD0] =	vst v3;
	v2 =	vadd.f32 v7, v2;
	v3 =	vld [tilespmem:s13+$0xFFFFFFE0]  }
0x233: {  	v7 =	vld [tilespmem:s15+$0xFFFFFFE0];
	v1 =	vadd.f32 v1, v5  }
0x234: {  	[tilespmem:s13+$0x50] =	vst v2;
	v2 =	vld [tilespmem:s13+$0x60]  }
0x235: {  	v5 =	vld [tilespmem:s15+$0x60];
	[tilespmem:s13+$0xFFFFFF50] =	vst v1;
	v0 =	vadd.f32 v4, v0  }
0x236: {  	v4 =	vld [tilespmem:s15+$0xFFFFFF60]  }
0x237: {  	v8 =	vld [tilespmem:s13+$0xF0];
	[tilespmem:s13+$0xE0] =	vst v0  }
0x238: {  	v1 =	vadd.f32 v7, v3;
	v7 =	vld [tilespmem:s15+$0xF0]  }
0x239: {  	v0 =	vld [tilespmem:s13+$0xFFFFFF70]  }
0x23a: {  	[tilespmem:s13+$0xFFFFFFE0] =	vst v1;
	v2 =	vadd.f32 v5, v2;
	v1 =	vld [tilespmem:s13+$0xFFFFFFF0]  }
0x23b: {  	v3 =	vld [tilespmem:s15+$0xFFFFFFF0];
	v4 =	vadd.f32 v4, v6  }
0x23c: {  	[tilespmem:s13+$0x60] =	vst v2;
	v2 =	vld [tilespmem:s13+$0x70]  }
0x23d: {  	[tilespmem:s13+$0xFFFFFF60] =	vst v4;
	v4 =	vld [tilespmem:s15+$0x70];
	v6 =	vadd.f32 v7, v8  }
0x23e: {  	s28 =	simm.s32 $0x9700;
	s24 =	simm.s32 $0x0;
	v5 =	vld [tilespmem:s15+$0xFFFFFF70]  }
.LBB2_9:
0x23f: {  	v7 =	vld [tilespmem:s28+$0x80];
	[tilespmem:s13+$0xF0] =	vst v6;
	s15 =	sadd.s32 $0x200, s15  }
0x240: {  	s24 =	sadd.s32 $0x4, s24;
	v6 =	vld [tilespmem:s15+$0x80];
	v1 =	vadd.f32 v3, v1  }
0x241: {  	p1 =	slt.u32 s24, $0x3C;
	v3 =	vld [tilespmem:s15+$0xFFFFFF00]  }
0x242: {  	v8 =	vld [tilespmem:s28+$0xFFFFFF80];
	[tilespmem:s13+$0xFFFFFFF0] =	vst v1;
	v1 =	vadd.f32 v4, v2  }
0x243: {  	v2 =	vld [tilespmem:s15+$0xFFFFFF80];
	v0 =	vadd.f32 v5, v0  }
0x244: {  	v4 =	vld [tilespmem:s28+$0x0];
	[tilespmem:s13+$0x70] =	vst v1  }
0x245: {  	v1 =	vld [tilespmem:s15+$0x0];
	v5 =	vadd.f32 v6, v7;
	[tilespmem:s13+$0xFFFFFF70] =	vst v0;
	s13 =	smov.u32 s28  }
0x246: {  	v0 =	vld [tilespmem:s28+$0xFFFFFF00]  }
0x247: {  	[tilespmem:s28+$0x80] =	vst v5;
	v5 =	vld [tilespmem:s28+$0x90]  }
0x248: {  	v2 =	vadd.f32 v2, v8;
	v6 =	vld [tilespmem:s15+$0x90]  }
0x249: {  	v7 =	vld [tilespmem:s28+$0xFFFFFF10]  }
0x24a: {  	[tilespmem:s28+$0xFFFFFF80] =	vst v2;
	v2 =	vld [tilespmem:s28+$0xFFFFFF90];
	v1 =	vadd.f32 v1, v4  }
0x24b: {  	v0 =	vadd.f32 v3, v0;
	v3 =	vld [tilespmem:s15+$0xFFFFFF90]  }
0x24c: {  	[tilespmem:s28+$0x0] =	vst v1;
	v1 =	vld [tilespmem:s28+$0x10]  }
0x24d: {  	[tilespmem:s28+$0xFFFFFF00] =	vst v0;
	v0 =	vld [tilespmem:s15+$0x10];
	v4 =	vadd.f32 v6, v5  }
0x24e: {  	v5 =	vld [tilespmem:s15+$0xFFFFFF10]  }
0x24f: {  	[tilespmem:s28+$0x90] =	vst v4;
	v4 =	vld [tilespmem:s28+$0xA0]  }
0x250: {  	v2 =	vadd.f32 v3, v2;
	v3 =	vld [tilespmem:s15+$0xA0]  }
0x251: {  	v6 =	vld [tilespmem:s28+$0xFFFFFF20]  }
0x252: {  	[tilespmem:s28+$0xFFFFFF90] =	vst v2;
	v2 =	vld [tilespmem:s28+$0xFFFFFFA0];
	v0 =	vadd.f32 v0, v1  }
0x253: {  	v1 =	vadd.f32 v5, v7;
	v5 =	vld [tilespmem:s15+$0xFFFFFFA0]  }
0x254: {  	[tilespmem:s28+$0x10] =	vst v0;
	v0 =	vld [tilespmem:s28+$0x20]  }
0x255: {  	[tilespmem:s28+$0xFFFFFF10] =	vst v1;
	v1 =	vld [tilespmem:s15+$0x20];
	v3 =	vadd.f32 v3, v4  }
0x256: {  	v4 =	vld [tilespmem:s15+$0xFFFFFF20]  }
0x257: {  	[tilespmem:s28+$0xA0] =	vst v3;
	v3 =	vld [tilespmem:s28+$0xB0]  }
0x258: {  	v2 =	vadd.f32 v5, v2;
	v5 =	vld [tilespmem:s15+$0xB0]  }
0x259: {  	v7 =	vld [tilespmem:s28+$0xFFFFFF30]  }
0x25a: {  	[tilespmem:s28+$0xFFFFFFA0] =	vst v2;
	v2 =	vld [tilespmem:s28+$0xFFFFFFB0];
	v0 =	vadd.f32 v1, v0  }
0x25b: {  	v1 =	vadd.f32 v4, v6;
	v4 =	vld [tilespmem:s15+$0xFFFFFFB0]  }
0x25c: {  	[tilespmem:s28+$0x20] =	vst v0;
	v0 =	vld [tilespmem:s28+$0x30]  }
0x25d: {  	[tilespmem:s28+$0xFFFFFF20] =	vst v1;
	v1 =	vld [tilespmem:s15+$0x30];
	v3 =	vadd.f32 v5, v3  }
0x25e: {  	v5 =	vld [tilespmem:s15+$0xFFFFFF30]  }
0x25f: {  	[tilespmem:s28+$0xB0] =	vst v3;
	v3 =	vld [tilespmem:s28+$0xC0]  }
0x260: {  	v2 =	vadd.f32 v4, v2;
	v4 =	vld [tilespmem:s15+$0xC0]  }
0x261: {  	v6 =	vld [tilespmem:s28+$0xFFFFFF40]  }
0x262: {  	[tilespmem:s28+$0xFFFFFFB0] =	vst v2;
	v2 =	vld [tilespmem:s28+$0xFFFFFFC0];
	v0 =	vadd.f32 v1, v0  }
0x263: {  	v1 =	vadd.f32 v5, v7;
	v5 =	vld [tilespmem:s15+$0xFFFFFFC0]  }
0x264: {  	[tilespmem:s28+$0x30] =	vst v0;
	v0 =	vld [tilespmem:s28+$0x40]  }
0x265: {  	[tilespmem:s28+$0xFFFFFF30] =	vst v1;
	v1 =	vld [tilespmem:s15+$0x40];
	v3 =	vadd.f32 v4, v3  }
0x266: {  	v4 =	vld [tilespmem:s15+$0xFFFFFF40]  }
0x267: {  	[tilespmem:s28+$0xC0] =	vst v3;
	v3 =	vld [tilespmem:s28+$0xD0]  }
0x268: {  	v2 =	vadd.f32 v5, v2;
	v5 =	vld [tilespmem:s15+$0xD0]  }
0x269: {  	v7 =	vld [tilespmem:s28+$0xFFFFFF50]  }
0x26a: {  	[tilespmem:s28+$0xFFFFFFC0] =	vst v2;
	v2 =	vld [tilespmem:s28+$0xFFFFFFD0];
	v0 =	vadd.f32 v1, v0  }
0x26b: {  	v1 =	vadd.f32 v4, v6;
	v4 =	vld [tilespmem:s15+$0xFFFFFFD0]  }
0x26c: {  	[tilespmem:s28+$0x40] =	vst v0;
	v0 =	vld [tilespmem:s28+$0x50]  }
0x26d: {  	[tilespmem:s28+$0xFFFFFF40] =	vst v1;
	v1 =	vld [tilespmem:s15+$0x50];
	v3 =	vadd.f32 v5, v3  }
0x26e: {  	v5 =	vld [tilespmem:s15+$0xFFFFFF50]  }
0x26f: {  	[tilespmem:s28+$0xD0] =	vst v3;
	v3 =	vld [tilespmem:s28+$0xE0]  }
0x270: {  	v2 =	vadd.f32 v4, v2;
	v4 =	vld [tilespmem:s15+$0xE0]  }
0x271: {  	v6 =	vld [tilespmem:s28+$0xFFFFFF60]  }
0x272: {  	[tilespmem:s28+$0xFFFFFFD0] =	vst v2;
	v2 =	vld [tilespmem:s28+$0xFFFFFFE0];
	v0 =	vadd.f32 v1, v0  }
0x273: {  	v1 =	vadd.f32 v5, v7;
	v5 =	vld [tilespmem:s15+$0xFFFFFFE0]  }
0x274: {  	[tilespmem:s28+$0x50] =	vst v0;
	v7 =	vld [tilespmem:s28+$0x60]  }
0x275: {  	[tilespmem:s28+$0xFFFFFF50] =	vst v1;
	v8 =	vld [tilespmem:s15+$0x60];
	v0 =	vadd.f32 v4, v3  }
0x276: {  	v3 =	vld [tilespmem:s15+$0xFFFFFF60]  }
0x277: {  	[tilespmem:s28+$0xE0] =	vst v0;
	v9 =	vld [tilespmem:s28+$0xF0]  }
0x278: {  	v1 =	vadd.f32 v5, v2;
	v5 =	vld [tilespmem:s15+$0xF0]  }
0x279: {  	v0 =	vld [tilespmem:s28+$0xFFFFFF70]  }
.Ltmp3:
0x27a: {  	[tilespmem:s28+$0xFFFFFFE0] =	vst v1;
	v1 =	vld [tilespmem:s28+$0xFFFFFFF0];
	v2 =	vadd.f32 v8, v7;
	(pc) =	sbr.rel @p1 .LBB2_9-.Ltmp3, $4  }
0x27b: {  	v4 =	vadd.f32 v3, v6;
	v3 =	vld [tilespmem:s15+$0xFFFFFFF0]  }
0x27c: {  	[tilespmem:s28+$0x60] =	vst v2;
	v2 =	vld [tilespmem:s28+$0x70]  }
0x27d: {  	[tilespmem:s28+$0xFFFFFF60] =	vst v4;
	v4 =	vld [tilespmem:s15+$0x70];
	v6 =	vadd.f32 v5, v9  }
0x27e: {  	s28 =	sadd.s32 $0x200, s28;
	v5 =	vld [tilespmem:s15+$0xFFFFFF70]  }
0x27f: {  	_ =	sdelay $0x1  }
0x280: {  	v1 =	vadd.f32 v3, v1  }
0x281: {  	[tilespmem:s13+$0xF0] =	vst v6;
	v2 =	vadd.f32 v4, v2  }
0x282: {  	[tilespmem:s13+$0xFFFFFFF0] =	vst v1;
	v0 =	vadd.f32 v5, v0  }
0x283: {  	[tilespmem:s13+$0x70] =	vst v2  }
0x284: {  	[tilespmem:s13+$0xFFFFFF70] =	vst v0;
	s13 =	simm.s32 @!p0 $0x8  }
0x285: {  	_ =	swait.ge @!p0 [sflag:s13], $0x400  }
0x286: {  	s24 =	sadd.s32 s4, s30;
	[sflag:s13] =	ssyncset.done @!p0 $0x0  }
0x287: {  	s30 =	sor.u32 $0x1C08, s29;
	s9 =	sadd.s32 $0x6, s9;
	[sflag:s13] =	ssyncadd.s32 @!p0 $0xFFFFFC00  }
0x288: {  	[spmem:s16] =	stream.linear.scatter [tilespmem:s6], [sflag:$0x9], $0x2000, $0x38;
	[tilespmem:$0x1B400] =	vst v63  }
0x289: {  	s29 =	sshrl.u32 s16, $0x3;
	s15 =	sshll.u32 s9, $0xD;
	_ =	swait.ge [sflag:s23], $0x2000  }
0x28a: {  	s19 =	sadd.s32 $0x1, s19;
	s13 =	sadd.s32 s8, s15;
	[sflag:s23] =	ssyncset.done $0x0  }
0x28b: {  	p0 =	sne.s32 s19, $0x18;
	s13 =	sshrl.u32 s13, $0x3;
	[sflag:s23] =	ssyncadd.s32 $0xFFFFE000  }
0x28c: {  	[hbm:s24], [sflag:s30] =	dma.local [spmem:s29], $0x400  }
.Ltmp4:
0x28d: {  	s9 =	sshll.u32 s9, $0x7;
	s13 =	sadd.s32 s0, s13;
	(pc) =	sbr.rel @p0 .LBB2_2-.Ltmp4, $4  }
0x28e: {  	[tilespmem:s31], [sflag:$0x3] =	stream.linear.gather [hbm4b:s13+s5], $0x2000, $0x38;
	[tilespmem:$0x1B400] =	vst v63  }
0x28f: {  	s9 =	sand.u32 $0x3FFFFF80, s9;
	s24 =	simm.s32 $0xF400  }
0x290: {  	[tilespmem:s24], [sflag:$0x3] =	stream.indirect.gather [hbm4b:s2+s25], $0x80, s9, s25, $0xb8;
	[tilespmem:$0x1B400] =	vst v63  }
0x291: {  	s28 =	simm.s32 $0x5400;
	s24 =	simm.s32 $0x3400  }
0x292: {  	_ =	swait.ge [sflag:s3], $0x2000  }
0x293: {  	[sflag:s3] =	ssyncset.done $0x0  }
0x294: {  	[sflag:s3] =	ssyncadd.s32 $0xFFFFE000  }
0x295: {  	_ =	swait.ge [sflag:s3], $0x2000  }
0x296: {  	[sflag:s3] =	ssyncset.done $0x0  }
0x297: {  	s9 =	simm.s32 $0x3500;
	[sflag:s3] =	ssyncadd.s32 $0xFFFFE000  }
0x298: {  	s13 =	simm.s32 $0xB500;
	v0 =	vld [tilespmem:s9+$0x80]  }
0x299: {  	v1 =	vld [tilespmem:s13+$0x80]  }
0x29a: {  	v2 =	vld [tilespmem:s9+$0xFFFFFF80]  }
0x29b: {  	v3 =	vld [tilespmem:s13+$0xFFFFFF80]  }
0x29c: {  	v4 =	vld [tilespmem:s9+$0x0]  }
0x29d: {  	v5 =	vld [tilespmem:s13+$0x0]  }
0x29e: {  	v6 =	vld [tilespmem:s9+$0xFFFFFF00];
	v0 =	vadd.f32 v1, v0  }
0x29f: {  	v1 =	vld [tilespmem:s13+$0xFFFFFF00]  }
0x2a0: {  	[tilespmem:s9+$0x80] =	vst v0;
	v0 =	vld [tilespmem:s9+$0x90]  }
0x2a1: {  	v2 =	vadd.f32 v3, v2;
	v3 =	vld [tilespmem:s13+$0x90]  }
0x2a2: {  	v7 =	vld [tilespmem:s9+$0xFFFFFF10]  }
0x2a3: {  	[tilespmem:s9+$0xFFFFFF80] =	vst v2;
	v2 =	vadd.f32 v5, v4;
	v4 =	vld [tilespmem:s9+$0xFFFFFF90]  }
0x2a4: {  	v5 =	vld [tilespmem:s13+$0xFFFFFF90];
	v1 =	vadd.f32 v1, v6  }
0x2a5: {  	[tilespmem:s9+$0x0] =	vst v2;
	v2 =	vld [tilespmem:s9+$0x10]  }
0x2a6: {  	v6 =	vld [tilespmem:s13+$0x10];
	[tilespmem:s9+$0xFFFFFF00] =	vst v1;
	v0 =	vadd.f32 v3, v0  }
0x2a7: {  	v1 =	vld [tilespmem:s13+$0xFFFFFF10]  }
0x2a8: {  	[tilespmem:s9+$0x90] =	vst v0;
	v0 =	vld [tilespmem:s9+$0xA0]  }
0x2a9: {  	v3 =	vadd.f32 v5, v4;
	v4 =	vld [tilespmem:s13+$0xA0]  }
0x2aa: {  	v5 =	vld [tilespmem:s9+$0xFFFFFF20]  }
0x2ab: {  	[tilespmem:s9+$0xFFFFFF90] =	vst v3;
	v2 =	vadd.f32 v6, v2;
	v3 =	vld [tilespmem:s9+$0xFFFFFFA0]  }
0x2ac: {  	v6 =	vld [tilespmem:s13+$0xFFFFFFA0];
	v1 =	vadd.f32 v1, v7  }
0x2ad: {  	[tilespmem:s9+$0x10] =	vst v2;
	v2 =	vld [tilespmem:s9+$0x20]  }
0x2ae: {  	v7 =	vld [tilespmem:s13+$0x20];
	[tilespmem:s9+$0xFFFFFF10] =	vst v1;
	v0 =	vadd.f32 v4, v0  }
0x2af: {  	v1 =	vld [tilespmem:s13+$0xFFFFFF20]  }
0x2b0: {  	[tilespmem:s9+$0xA0] =	vst v0;
	v0 =	vld [tilespmem:s9+$0xB0]  }
0x2b1: {  	v3 =	vadd.f32 v6, v3;
	v4 =	vld [tilespmem:s13+$0xB0]  }
0x2b2: {  	v6 =	vld [tilespmem:s9+$0xFFFFFF30]  }
0x2b3: {  	[tilespmem:s9+$0xFFFFFFA0] =	vst v3;
	v2 =	vadd.f32 v7, v2;
	v3 =	vld [tilespmem:s9+$0xFFFFFFB0]  }
0x2b4: {  	v7 =	vld [tilespmem:s13+$0xFFFFFFB0];
	v1 =	vadd.f32 v1, v5  }
0x2b5: {  	[tilespmem:s9+$0x20] =	vst v2;
	v2 =	vld [tilespmem:s9+$0x30]  }
0x2b6: {  	v5 =	vld [tilespmem:s13+$0x30];
	[tilespmem:s9+$0xFFFFFF20] =	vst v1;
	v0 =	vadd.f32 v4, v0  }
0x2b7: {  	v1 =	vld [tilespmem:s13+$0xFFFFFF30]  }
0x2b8: {  	[tilespmem:s9+$0xB0] =	vst v0;
	v0 =	vld [tilespmem:s9+$0xC0]  }
0x2b9: {  	v3 =	vadd.f32 v7, v3;
	v4 =	vld [tilespmem:s13+$0xC0]  }
0x2ba: {  	v7 =	vld [tilespmem:s9+$0xFFFFFF40]  }
0x2bb: {  	[tilespmem:s9+$0xFFFFFFB0] =	vst v3;
	v2 =	vadd.f32 v5, v2;
	v3 =	vld [tilespmem:s9+$0xFFFFFFC0]  }
0x2bc: {  	v5 =	vld [tilespmem:s13+$0xFFFFFFC0];
	v1 =	vadd.f32 v1, v6  }
0x2bd: {  	[tilespmem:s9+$0x30] =	vst v2;
	v2 =	vld [tilespmem:s9+$0x40]  }
0x2be: {  	v6 =	vld [tilespmem:s13+$0x40];
	[tilespmem:s9+$0xFFFFFF30] =	vst v1;
	v0 =	vadd.f32 v4, v0  }
0x2bf: {  	v1 =	vld [tilespmem:s13+$0xFFFFFF40]  }
0x2c0: {  	[tilespmem:s9+$0xC0] =	vst v0;
	v0 =	vld [tilespmem:s9+$0xD0]  }
0x2c1: {  	v3 =	vadd.f32 v5, v3;
	v4 =	vld [tilespmem:s13+$0xD0]  }
0x2c2: {  	v5 =	vld [tilespmem:s9+$0xFFFFFF50]  }
0x2c3: {  	[tilespmem:s9+$0xFFFFFFC0] =	vst v3;
	v2 =	vadd.f32 v6, v2;
	v3 =	vld [tilespmem:s9+$0xFFFFFFD0]  }
0x2c4: {  	v6 =	vld [tilespmem:s13+$0xFFFFFFD0];
	v1 =	vadd.f32 v1, v7  }
0x2c5: {  	[tilespmem:s9+$0x40] =	vst v2;
	v2 =	vld [tilespmem:s9+$0x50]  }
0x2c6: {  	v7 =	vld [tilespmem:s13+$0x50];
	[tilespmem:s9+$0xFFFFFF40] =	vst v1;
	v0 =	vadd.f32 v4, v0  }
0x2c7: {  	v1 =	vld [tilespmem:s13+$0xFFFFFF50]  }
0x2c8: {  	[tilespmem:s9+$0xD0] =	vst v0;
	v0 =	vld [tilespmem:s9+$0xE0]  }
0x2c9: {  	v3 =	vadd.f32 v6, v3;
	v4 =	vld [tilespmem:s13+$0xE0]  }
0x2ca: {  	v6 =	vld [tilespmem:s9+$0xFFFFFF60]  }
0x2cb: {  	[tilespmem:s9+$0xFFFFFFD0] =	vst v3;
	v2 =	vadd.f32 v7, v2;
	v3 =	vld [tilespmem:s9+$0xFFFFFFE0]  }
0x2cc: {  	v7 =	vld [tilespmem:s13+$0xFFFFFFE0];
	v1 =	vadd.f32 v1, v5  }
0x2cd: {  	[tilespmem:s9+$0x50] =	vst v2;
	v2 =	vld [tilespmem:s9+$0x60]  }
0x2ce: {  	v5 =	vld [tilespmem:s13+$0x60];
	[tilespmem:s9+$0xFFFFFF50] =	vst v1;
	v0 =	vadd.f32 v4, v0  }
0x2cf: {  	v4 =	vld [tilespmem:s13+$0xFFFFFF60]  }
0x2d0: {  	v8 =	vld [tilespmem:s9+$0xF0];
	[tilespmem:s9+$0xE0] =	vst v0  }
0x2d1: {  	v1 =	vadd.f32 v7, v3;
	v7 =	vld [tilespmem:s13+$0xF0]  }
0x2d2: {  	v0 =	vld [tilespmem:s9+$0xFFFFFF70]  }
0x2d3: {  	[tilespmem:s9+$0xFFFFFFE0] =	vst v1;
	v2 =	vadd.f32 v5, v2;
	v1 =	vld [tilespmem:s9+$0xFFFFFFF0]  }
0x2d4: {  	v3 =	vld [tilespmem:s13+$0xFFFFFFF0];
	v4 =	vadd.f32 v4, v6  }
0x2d5: {  	[tilespmem:s9+$0x60] =	vst v2;
	v2 =	vld [tilespmem:s9+$0x70]  }
0x2d6: {  	[tilespmem:s9+$0xFFFFFF60] =	vst v4;
	v4 =	vld [tilespmem:s13+$0x70];
	v6 =	vadd.f32 v7, v8  }
0x2d7: {  	s15 =	simm.s32 $0x0;
	s19 =	simm.s32 $0x3700;
	v5 =	vld [tilespmem:s13+$0xFFFFFF70]  }
.LBB2_12:
0x2d8: {  	v7 =	vld [tilespmem:s19+$0x80];
	[tilespmem:s9+$0xF0] =	vst v6;
	s13 =	sadd.s32 $0x200, s13  }
0x2d9: {  	s15 =	sadd.s32 $0x4, s15;
	v6 =	vld [tilespmem:s13+$0x80];
	v1 =	vadd.f32 v3, v1  }
0x2da: {  	p0 =	slt.u32 s15, $0x3C;
	v3 =	vld [tilespmem:s13+$0xFFFFFF00]  }
0x2db: {  	v8 =	vld [tilespmem:s19+$0xFFFFFF80];
	[tilespmem:s9+$0xFFFFFFF0] =	vst v1;
	v1 =	vadd.f32 v4, v2  }
0x2dc: {  	v2 =	vld [tilespmem:s13+$0xFFFFFF80];
	v0 =	vadd.f32 v5, v0  }
0x2dd: {  	v4 =	vld [tilespmem:s19+$0x0];
	[tilespmem:s9+$0x70] =	vst v1  }
0x2de: {  	v1 =	vld [tilespmem:s13+$0x0];
	v5 =	vadd.f32 v6, v7;
	[tilespmem:s9+$0xFFFFFF70] =	vst v0;
	s9 =	smov.u32 s19  }
0x2df: {  	v0 =	vld [tilespmem:s19+$0xFFFFFF00]  }
0x2e0: {  	[tilespmem:s19+$0x80] =	vst v5;
	v5 =	vld [tilespmem:s19+$0x90]  }
0x2e1: {  	v2 =	vadd.f32 v2, v8;
	v6 =	vld [tilespmem:s13+$0x90]  }
0x2e2: {  	v7 =	vld [tilespmem:s19+$0xFFFFFF10]  }
0x2e3: {  	[tilespmem:s19+$0xFFFFFF80] =	vst v2;
	v2 =	vld [tilespmem:s19+$0xFFFFFF90];
	v1 =	vadd.f32 v1, v4  }
0x2e4: {  	v0 =	vadd.f32 v3, v0;
	v3 =	vld [tilespmem:s13+$0xFFFFFF90]  }
0x2e5: {  	[tilespmem:s19+$0x0] =	vst v1;
	v1 =	vld [tilespmem:s19+$0x10]  }
0x2e6: {  	[tilespmem:s19+$0xFFFFFF00] =	vst v0;
	v0 =	vld [tilespmem:s13+$0x10];
	v4 =	vadd.f32 v6, v5  }
0x2e7: {  	v5 =	vld [tilespmem:s13+$0xFFFFFF10]  }
0x2e8: {  	[tilespmem:s19+$0x90] =	vst v4;
	v4 =	vld [tilespmem:s19+$0xA0]  }
0x2e9: {  	v2 =	vadd.f32 v3, v2;
	v3 =	vld [tilespmem:s13+$0xA0]  }
0x2ea: {  	v6 =	vld [tilespmem:s19+$0xFFFFFF20]  }
0x2eb: {  	[tilespmem:s19+$0xFFFFFF90] =	vst v2;
	v2 =	vld [tilespmem:s19+$0xFFFFFFA0];
	v0 =	vadd.f32 v0, v1  }
0x2ec: {  	v1 =	vadd.f32 v5, v7;
	v5 =	vld [tilespmem:s13+$0xFFFFFFA0]  }
0x2ed: {  	[tilespmem:s19+$0x10] =	vst v0;
	v0 =	vld [tilespmem:s19+$0x20]  }
0x2ee: {  	[tilespmem:s19+$0xFFFFFF10] =	vst v1;
	v1 =	vld [tilespmem:s13+$0x20];
	v3 =	vadd.f32 v3, v4  }
0x2ef: {  	v4 =	vld [tilespmem:s13+$0xFFFFFF20]  }
0x2f0: {  	[tilespmem:s19+$0xA0] =	vst v3;
	v3 =	vld [tilespmem:s19+$0xB0]  }
0x2f1: {  	v2 =	vadd.f32 v5, v2;
	v5 =	vld [tilespmem:s13+$0xB0]  }
0x2f2: {  	v7 =	vld [tilespmem:s19+$0xFFFFFF30]  }
0x2f3: {  	[tilespmem:s19+$0xFFFFFFA0] =	vst v2;
	v2 =	vld [tilespmem:s19+$0xFFFFFFB0];
	v0 =	vadd.f32 v1, v0  }
0x2f4: {  	v1 =	vadd.f32 v4, v6;
	v4 =	vld [tilespmem:s13+$0xFFFFFFB0]  }
0x2f5: {  	[tilespmem:s19+$0x20] =	vst v0;
	v0 =	vld [tilespmem:s19+$0x30]  }
0x2f6: {  	[tilespmem:s19+$0xFFFFFF20] =	vst v1;
	v1 =	vld [tilespmem:s13+$0x30];
	v3 =	vadd.f32 v5, v3  }
0x2f7: {  	v5 =	vld [tilespmem:s13+$0xFFFFFF30]  }
0x2f8: {  	[tilespmem:s19+$0xB0] =	vst v3;
	v3 =	vld [tilespmem:s19+$0xC0]  }
0x2f9: {  	v2 =	vadd.f32 v4, v2;
	v4 =	vld [tilespmem:s13+$0xC0]  }
0x2fa: {  	v6 =	vld [tilespmem:s19+$0xFFFFFF40]  }
0x2fb: {  	[tilespmem:s19+$0xFFFFFFB0] =	vst v2;
	v2 =	vld [tilespmem:s19+$0xFFFFFFC0];
	v0 =	vadd.f32 v1, v0  }
0x2fc: {  	v1 =	vadd.f32 v5, v7;
	v5 =	vld [tilespmem:s13+$0xFFFFFFC0]  }
0x2fd: {  	[tilespmem:s19+$0x30] =	vst v0;
	v0 =	vld [tilespmem:s19+$0x40]  }
0x2fe: {  	[tilespmem:s19+$0xFFFFFF30] =	vst v1;
	v1 =	vld [tilespmem:s13+$0x40];
	v3 =	vadd.f32 v4, v3  }
0x2ff: {  	v4 =	vld [tilespmem:s13+$0xFFFFFF40]  }
0x300: {  	[tilespmem:s19+$0xC0] =	vst v3;
	v3 =	vld [tilespmem:s19+$0xD0]  }
0x301: {  	v2 =	vadd.f32 v5, v2;
	v5 =	vld [tilespmem:s13+$0xD0]  }
0x302: {  	v7 =	vld [tilespmem:s19+$0xFFFFFF50]  }
0x303: {  	[tilespmem:s19+$0xFFFFFFC0] =	vst v2;
	v2 =	vld [tilespmem:s19+$0xFFFFFFD0];
	v0 =	vadd.f32 v1, v0  }
0x304: {  	v1 =	vadd.f32 v4, v6;
	v4 =	vld [tilespmem:s13+$0xFFFFFFD0]  }
0x305: {  	[tilespmem:s19+$0x40] =	vst v0;
	v0 =	vld [tilespmem:s19+$0x50]  }
0x306: {  	[tilespmem:s19+$0xFFFFFF40] =	vst v1;
	v1 =	vld [tilespmem:s13+$0x50];
	v3 =	vadd.f32 v5, v3  }
0x307: {  	v5 =	vld [tilespmem:s13+$0xFFFFFF50]  }
0x308: {  	[tilespmem:s19+$0xD0] =	vst v3;
	v3 =	vld [tilespmem:s19+$0xE0]  }
0x309: {  	v2 =	vadd.f32 v4, v2;
	v4 =	vld [tilespmem:s13+$0xE0]  }
0x30a: {  	v6 =	vld [tilespmem:s19+$0xFFFFFF60]  }
0x30b: {  	[tilespmem:s19+$0xFFFFFFD0] =	vst v2;
	v2 =	vld [tilespmem:s19+$0xFFFFFFE0];
	v0 =	vadd.f32 v1, v0  }
0x30c: {  	v1 =	vadd.f32 v5, v7;
	v5 =	vld [tilespmem:s13+$0xFFFFFFE0]  }
0x30d: {  	[tilespmem:s19+$0x50] =	vst v0;
	v7 =	vld [tilespmem:s19+$0x60]  }
0x30e: {  	[tilespmem:s19+$0xFFFFFF50] =	vst v1;
	v8 =	vld [tilespmem:s13+$0x60];
	v0 =	vadd.f32 v4, v3  }
0x30f: {  	v3 =	vld [tilespmem:s13+$0xFFFFFF60]  }
0x310: {  	[tilespmem:s19+$0xE0] =	vst v0;
	v9 =	vld [tilespmem:s19+$0xF0]  }
0x311: {  	v1 =	vadd.f32 v5, v2;
	v5 =	vld [tilespmem:s13+$0xF0]  }
0x312: {  	v0 =	vld [tilespmem:s19+$0xFFFFFF70]  }
.Ltmp5:
0x313: {  	[tilespmem:s19+$0xFFFFFFE0] =	vst v1;
	v1 =	vld [tilespmem:s19+$0xFFFFFFF0];
	v2 =	vadd.f32 v8, v7;
	(pc) =	sbr.rel @p0 .LBB2_12-.Ltmp5, $4  }
0x314: {  	v4 =	vadd.f32 v3, v6;
	v3 =	vld [tilespmem:s13+$0xFFFFFFF0]  }
0x315: {  	[tilespmem:s19+$0x60] =	vst v2;
	v2 =	vld [tilespmem:s19+$0x70]  }
0x316: {  	[tilespmem:s19+$0xFFFFFF60] =	vst v4;
	v4 =	vld [tilespmem:s13+$0x70];
	v6 =	vadd.f32 v5, v9  }
0x317: {  	s19 =	sadd.s32 $0x200, s19;
	v5 =	vld [tilespmem:s13+$0xFFFFFF70]  }
0x318: {  	_ =	sdelay $0x1  }
0x319: {  	v1 =	vadd.f32 v3, v1  }
0x31a: {  	[tilespmem:s9+$0xF0] =	vst v6;
	v2 =	vadd.f32 v4, v2  }
0x31b: {  	[tilespmem:s9+$0xFFFFFFF0] =	vst v1;
	v0 =	vadd.f32 v5, v0  }
0x31c: {  	[tilespmem:s9+$0x70] =	vst v2  }
0x31d: {  	s15 =	simm.s32 $0x5;
	[tilespmem:s9+$0xFFFFFF70] =	vst v0  }
0x31e: {  	_ =	swait.ge [sflag:s15], $0x400  }
0x31f: {  	[sflag:s15] =	ssyncset.done $0x0  }
0x320: {  	[sflag:s15] =	ssyncadd.s32 $0xFFFFFC00  }
0x321: {  	[spmem:s11] =	stream.linear.scatter [tilespmem:s24], [sflag:$0x9], $0x2000, $0x38;
	[tilespmem:$0x1B400] =	vst v63  }
0x322: {  	_ =	swait.ge [sflag:s23], $0x2000  }
0x323: {  	[sflag:s23] =	ssyncset.done $0x0  }
0x324: {  	s19 =	rddreg [dreg:$0xc];
	[sflag:s23] =	ssyncadd.s32 $0xFFFFE000  }
0x325: {  	[hbm:s19], [sflag:s20] =	dma.local [spmem:s21], $0x400  }
0x326: {  	s9 =	rddreg [dreg:$0xd]  }
0x327: {  	[tilespmem:s6], [sflag:$0x4] =	stream.linear.gather [hbm4b:s9+s5], $0x2000, $0x38;
	[tilespmem:$0x1B400] =	vst v63  }
0x328: {  	s13 =	simm.s32 $0x3180;
	s21 =	simm.s32 $0x11400  }
0x329: {  	[tilespmem:s21], [sflag:$0x4] =	stream.indirect.gather [hbm4b:s2+s25], $0x80, s13, s25, $0xb8;
	[tilespmem:$0x1B400] =	vst v63  }
0x32a: {  	_ =	swait.ge [sflag:s10], $0x2000  }
0x32b: {  	[sflag:s10] =	ssyncset.done $0x0  }
0x32c: {  	[sflag:s10] =	ssyncadd.s32 $0xFFFFE000  }
0x32d: {  	_ =	swait.ge [sflag:s10], $0x2000  }
0x32e: {  	[sflag:s10] =	ssyncset.done $0x0  }
0x32f: {  	s9 =	simm.s32 $0x5500;
	[sflag:s10] =	ssyncadd.s32 $0xFFFFE000  }
0x330: {  	s13 =	simm.s32 $0xD500;
	v0 =	vld [tilespmem:s9+$0x80]  }
0x331: {  	v1 =	vld [tilespmem:s13+$0x80]  }
0x332: {  	v2 =	vld [tilespmem:s9+$0xFFFFFF80]  }
0x333: {  	v3 =	vld [tilespmem:s13+$0xFFFFFF80]  }
0x334: {  	v4 =	vld [tilespmem:s9+$0x0]  }
0x335: {  	v5 =	vld [tilespmem:s13+$0x0]  }
0x336: {  	v6 =	vld [tilespmem:s9+$0xFFFFFF00];
	v0 =	vadd.f32 v1, v0  }
0x337: {  	v1 =	vld [tilespmem:s13+$0xFFFFFF00]  }
0x338: {  	[tilespmem:s9+$0x80] =	vst v0;
	v0 =	vld [tilespmem:s9+$0x90]  }
0x339: {  	v2 =	vadd.f32 v3, v2;
	v3 =	vld [tilespmem:s13+$0x90]  }
0x33a: {  	v7 =	vld [tilespmem:s9+$0xFFFFFF10]  }
0x33b: {  	[tilespmem:s9+$0xFFFFFF80] =	vst v2;
	v2 =	vadd.f32 v5, v4;
	v4 =	vld [tilespmem:s9+$0xFFFFFF90]  }
0x33c: {  	v5 =	vld [tilespmem:s13+$0xFFFFFF90];
	v1 =	vadd.f32 v1, v6  }
0x33d: {  	[tilespmem:s9+$0x0] =	vst v2;
	v2 =	vld [tilespmem:s9+$0x10]  }
0x33e: {  	v6 =	vld [tilespmem:s13+$0x10];
	[tilespmem:s9+$0xFFFFFF00] =	vst v1;
	v0 =	vadd.f32 v3, v0  }
0x33f: {  	v1 =	vld [tilespmem:s13+$0xFFFFFF10]  }
0x340: {  	[tilespmem:s9+$0x90] =	vst v0;
	v0 =	vld [tilespmem:s9+$0xA0]  }
0x341: {  	v3 =	vadd.f32 v5, v4;
	v4 =	vld [tilespmem:s13+$0xA0]  }
0x342: {  	v5 =	vld [tilespmem:s9+$0xFFFFFF20]  }
0x343: {  	[tilespmem:s9+$0xFFFFFF90] =	vst v3;
	v2 =	vadd.f32 v6, v2;
	v3 =	vld [tilespmem:s9+$0xFFFFFFA0]  }
0x344: {  	v6 =	vld [tilespmem:s13+$0xFFFFFFA0];
	v1 =	vadd.f32 v1, v7  }
0x345: {  	[tilespmem:s9+$0x10] =	vst v2;
	v2 =	vld [tilespmem:s9+$0x20]  }
0x346: {  	v7 =	vld [tilespmem:s13+$0x20];
	[tilespmem:s9+$0xFFFFFF10] =	vst v1;
	v0 =	vadd.f32 v4, v0  }
0x347: {  	v1 =	vld [tilespmem:s13+$0xFFFFFF20]  }
0x348: {  	[tilespmem:s9+$0xA0] =	vst v0;
	v0 =	vld [tilespmem:s9+$0xB0]  }
0x349: {  	v3 =	vadd.f32 v6, v3;
	v4 =	vld [tilespmem:s13+$0xB0]  }
0x34a: {  	v6 =	vld [tilespmem:s9+$0xFFFFFF30]  }
0x34b: {  	[tilespmem:s9+$0xFFFFFFA0] =	vst v3;
	v2 =	vadd.f32 v7, v2;
	v3 =	vld [tilespmem:s9+$0xFFFFFFB0]  }
0x34c: {  	v7 =	vld [tilespmem:s13+$0xFFFFFFB0];
	v1 =	vadd.f32 v1, v5  }
0x34d: {  	[tilespmem:s9+$0x20] =	vst v2;
	v2 =	vld [tilespmem:s9+$0x30]  }
0x34e: {  	v5 =	vld [tilespmem:s13+$0x30];
	[tilespmem:s9+$0xFFFFFF20] =	vst v1;
	v0 =	vadd.f32 v4, v0  }
0x34f: {  	v1 =	vld [tilespmem:s13+$0xFFFFFF30]  }
0x350: {  	[tilespmem:s9+$0xB0] =	vst v0;
	v0 =	vld [tilespmem:s9+$0xC0]  }
0x351: {  	v3 =	vadd.f32 v7, v3;
	v4 =	vld [tilespmem:s13+$0xC0]  }
0x352: {  	v7 =	vld [tilespmem:s9+$0xFFFFFF40]  }
0x353: {  	[tilespmem:s9+$0xFFFFFFB0] =	vst v3;
	v2 =	vadd.f32 v5, v2;
	v3 =	vld [tilespmem:s9+$0xFFFFFFC0]  }
0x354: {  	v5 =	vld [tilespmem:s13+$0xFFFFFFC0];
	v1 =	vadd.f32 v1, v6  }
0x355: {  	[tilespmem:s9+$0x30] =	vst v2;
	v2 =	vld [tilespmem:s9+$0x40]  }
0x356: {  	v6 =	vld [tilespmem:s13+$0x40];
	[tilespmem:s9+$0xFFFFFF30] =	vst v1;
	v0 =	vadd.f32 v4, v0  }
0x357: {  	v1 =	vld [tilespmem:s13+$0xFFFFFF40]  }
0x358: {  	[tilespmem:s9+$0xC0] =	vst v0;
	v0 =	vld [tilespmem:s9+$0xD0]  }
0x359: {  	v3 =	vadd.f32 v5, v3;
	v4 =	vld [tilespmem:s13+$0xD0]  }
0x35a: {  	v5 =	vld [tilespmem:s9+$0xFFFFFF50]  }
0x35b: {  	[tilespmem:s9+$0xFFFFFFC0] =	vst v3;
	v2 =	vadd.f32 v6, v2;
	v3 =	vld [tilespmem:s9+$0xFFFFFFD0]  }
0x35c: {  	v6 =	vld [tilespmem:s13+$0xFFFFFFD0];
	v1 =	vadd.f32 v1, v7  }
0x35d: {  	[tilespmem:s9+$0x40] =	vst v2;
	v2 =	vld [tilespmem:s9+$0x50]  }
0x35e: {  	v7 =	vld [tilespmem:s13+$0x50];
	[tilespmem:s9+$0xFFFFFF40] =	vst v1;
	v0 =	vadd.f32 v4, v0  }
0x35f: {  	v1 =	vld [tilespmem:s13+$0xFFFFFF50]  }
0x360: {  	[tilespmem:s9+$0xD0] =	vst v0;
	v0 =	vld [tilespmem:s9+$0xE0]  }
0x361: {  	v3 =	vadd.f32 v6, v3;
	v4 =	vld [tilespmem:s13+$0xE0]  }
0x362: {  	v6 =	vld [tilespmem:s9+$0xFFFFFF60]  }
0x363: {  	[tilespmem:s9+$0xFFFFFFD0] =	vst v3;
	v2 =	vadd.f32 v7, v2;
	v3 =	vld [tilespmem:s9+$0xFFFFFFE0]  }
0x364: {  	v7 =	vld [tilespmem:s13+$0xFFFFFFE0];
	v1 =	vadd.f32 v1, v5  }
0x365: {  	[tilespmem:s9+$0x50] =	vst v2;
	v2 =	vld [tilespmem:s9+$0x60]  }
0x366: {  	v5 =	vld [tilespmem:s13+$0x60];
	[tilespmem:s9+$0xFFFFFF50] =	vst v1;
	v0 =	vadd.f32 v4, v0  }
0x367: {  	v4 =	vld [tilespmem:s13+$0xFFFFFF60]  }
0x368: {  	v8 =	vld [tilespmem:s9+$0xF0];
	[tilespmem:s9+$0xE0] =	vst v0  }
0x369: {  	v1 =	vadd.f32 v7, v3;
	v7 =	vld [tilespmem:s13+$0xF0]  }
0x36a: {  	v0 =	vld [tilespmem:s9+$0xFFFFFF70]  }
0x36b: {  	[tilespmem:s9+$0xFFFFFFE0] =	vst v1;
	v2 =	vadd.f32 v5, v2;
	v1 =	vld [tilespmem:s9+$0xFFFFFFF0]  }
0x36c: {  	v3 =	vld [tilespmem:s13+$0xFFFFFFF0];
	v4 =	vadd.f32 v4, v6  }
0x36d: {  	[tilespmem:s9+$0x60] =	vst v2;
	v2 =	vld [tilespmem:s9+$0x70]  }
0x36e: {  	[tilespmem:s9+$0xFFFFFF60] =	vst v4;
	v4 =	vld [tilespmem:s13+$0x70];
	v6 =	vadd.f32 v7, v8  }
0x36f: {  	s15 =	simm.s32 $0x0;
	s19 =	simm.s32 $0x5700;
	v5 =	vld [tilespmem:s13+$0xFFFFFF70]  }
.LBB2_14:
0x370: {  	v7 =	vld [tilespmem:s19+$0x80];
	[tilespmem:s9+$0xF0] =	vst v6;
	s13 =	sadd.s32 $0x200, s13  }
0x371: {  	s15 =	sadd.s32 $0x4, s15;
	v6 =	vld [tilespmem:s13+$0x80];
	v1 =	vadd.f32 v3, v1  }
0x372: {  	p0 =	slt.u32 s15, $0x3C;
	v3 =	vld [tilespmem:s13+$0xFFFFFF00]  }
0x373: {  	v8 =	vld [tilespmem:s19+$0xFFFFFF80];
	[tilespmem:s9+$0xFFFFFFF0] =	vst v1;
	v1 =	vadd.f32 v4, v2  }
0x374: {  	v2 =	vld [tilespmem:s13+$0xFFFFFF80];
	v0 =	vadd.f32 v5, v0  }
0x375: {  	v4 =	vld [tilespmem:s19+$0x0];
	[tilespmem:s9+$0x70] =	vst v1  }
0x376: {  	v1 =	vld [tilespmem:s13+$0x0];
	v5 =	vadd.f32 v6, v7;
	[tilespmem:s9+$0xFFFFFF70] =	vst v0;
	s9 =	smov.u32 s19  }
0x377: {  	v0 =	vld [tilespmem:s19+$0xFFFFFF00]  }
0x378: {  	[tilespmem:s19+$0x80] =	vst v5;
	v5 =	vld [tilespmem:s19+$0x90]  }
0x379: {  	v2 =	vadd.f32 v2, v8;
	v6 =	vld [tilespmem:s13+$0x90]  }
0x37a: {  	v7 =	vld [tilespmem:s19+$0xFFFFFF10]  }
0x37b: {  	[tilespmem:s19+$0xFFFFFF80] =	vst v2;
	v2 =	vld [tilespmem:s19+$0xFFFFFF90];
	v1 =	vadd.f32 v1, v4  }
0x37c: {  	v0 =	vadd.f32 v3, v0;
	v3 =	vld [tilespmem:s13+$0xFFFFFF90]  }
0x37d: {  	[tilespmem:s19+$0x0] =	vst v1;
	v1 =	vld [tilespmem:s19+$0x10]  }
0x37e: {  	[tilespmem:s19+$0xFFFFFF00] =	vst v0;
	v0 =	vld [tilespmem:s13+$0x10];
	v4 =	vadd.f32 v6, v5  }
0x37f: {  	v5 =	vld [tilespmem:s13+$0xFFFFFF10]  }
0x380: {  	[tilespmem:s19+$0x90] =	vst v4;
	v4 =	vld [tilespmem:s19+$0xA0]  }
0x381: {  	v2 =	vadd.f32 v3, v2;
	v3 =	vld [tilespmem:s13+$0xA0]  }
0x382: {  	v6 =	vld [tilespmem:s19+$0xFFFFFF20]  }
0x383: {  	[tilespmem:s19+$0xFFFFFF90] =	vst v2;
	v2 =	vld [tilespmem:s19+$0xFFFFFFA0];
	v0 =	vadd.f32 v0, v1  }
0x384: {  	v1 =	vadd.f32 v5, v7;
	v5 =	vld [tilespmem:s13+$0xFFFFFFA0]  }
0x385: {  	[tilespmem:s19+$0x10] =	vst v0;
	v0 =	vld [tilespmem:s19+$0x20]  }
0x386: {  	[tilespmem:s19+$0xFFFFFF10] =	vst v1;
	v1 =	vld [tilespmem:s13+$0x20];
	v3 =	vadd.f32 v3, v4  }
0x387: {  	v4 =	vld [tilespmem:s13+$0xFFFFFF20]  }
0x388: {  	[tilespmem:s19+$0xA0] =	vst v3;
	v3 =	vld [tilespmem:s19+$0xB0]  }
0x389: {  	v2 =	vadd.f32 v5, v2;
	v5 =	vld [tilespmem:s13+$0xB0]  }
0x38a: {  	v7 =	vld [tilespmem:s19+$0xFFFFFF30]  }
0x38b: {  	[tilespmem:s19+$0xFFFFFFA0] =	vst v2;
	v2 =	vld [tilespmem:s19+$0xFFFFFFB0];
	v0 =	vadd.f32 v1, v0  }
0x38c: {  	v1 =	vadd.f32 v4, v6;
	v4 =	vld [tilespmem:s13+$0xFFFFFFB0]  }
0x38d: {  	[tilespmem:s19+$0x20] =	vst v0;
	v0 =	vld [tilespmem:s19+$0x30]  }
0x38e: {  	[tilespmem:s19+$0xFFFFFF20] =	vst v1;
	v1 =	vld [tilespmem:s13+$0x30];
	v3 =	vadd.f32 v5, v3  }
0x38f: {  	v5 =	vld [tilespmem:s13+$0xFFFFFF30]  }
0x390: {  	[tilespmem:s19+$0xB0] =	vst v3;
	v3 =	vld [tilespmem:s19+$0xC0]  }
0x391: {  	v2 =	vadd.f32 v4, v2;
	v4 =	vld [tilespmem:s13+$0xC0]  }
0x392: {  	v6 =	vld [tilespmem:s19+$0xFFFFFF40]  }
0x393: {  	[tilespmem:s19+$0xFFFFFFB0] =	vst v2;
	v2 =	vld [tilespmem:s19+$0xFFFFFFC0];
	v0 =	vadd.f32 v1, v0  }
0x394: {  	v1 =	vadd.f32 v5, v7;
	v5 =	vld [tilespmem:s13+$0xFFFFFFC0]  }
0x395: {  	[tilespmem:s19+$0x30] =	vst v0;
	v0 =	vld [tilespmem:s19+$0x40]  }
0x396: {  	[tilespmem:s19+$0xFFFFFF30] =	vst v1;
	v1 =	vld [tilespmem:s13+$0x40];
	v3 =	vadd.f32 v4, v3  }
0x397: {  	v4 =	vld [tilespmem:s13+$0xFFFFFF40]  }
0x398: {  	[tilespmem:s19+$0xC0] =	vst v3;
	v3 =	vld [tilespmem:s19+$0xD0]  }
0x399: {  	v2 =	vadd.f32 v5, v2;
	v5 =	vld [tilespmem:s13+$0xD0]  }
0x39a: {  	v7 =	vld [tilespmem:s19+$0xFFFFFF50]  }
0x39b: {  	[tilespmem:s19+$0xFFFFFFC0] =	vst v2;
	v2 =	vld [tilespmem:s19+$0xFFFFFFD0];
	v0 =	vadd.f32 v1, v0  }
0x39c: {  	v1 =	vadd.f32 v4, v6;
	v4 =	vld [tilespmem:s13+$0xFFFFFFD0]  }
0x39d: {  	[tilespmem:s19+$0x40] =	vst v0;
	v0 =	vld [tilespmem:s19+$0x50]  }
0x39e: {  	[tilespmem:s19+$0xFFFFFF40] =	vst v1;
	v1 =	vld [tilespmem:s13+$0x50];
	v3 =	vadd.f32 v5, v3  }
0x39f: {  	v5 =	vld [tilespmem:s13+$0xFFFFFF50]  }
0x3a0: {  	[tilespmem:s19+$0xD0] =	vst v3;
	v3 =	vld [tilespmem:s19+$0xE0]  }
0x3a1: {  	v2 =	vadd.f32 v4, v2;
	v4 =	vld [tilespmem:s13+$0xE0]  }
0x3a2: {  	v6 =	vld [tilespmem:s19+$0xFFFFFF60]  }
0x3a3: {  	[tilespmem:s19+$0xFFFFFFD0] =	vst v2;
	v2 =	vld [tilespmem:s19+$0xFFFFFFE0];
	v0 =	vadd.f32 v1, v0  }
0x3a4: {  	v1 =	vadd.f32 v5, v7;
	v5 =	vld [tilespmem:s13+$0xFFFFFFE0]  }
0x3a5: {  	[tilespmem:s19+$0x50] =	vst v0;
	v7 =	vld [tilespmem:s19+$0x60]  }
0x3a6: {  	[tilespmem:s19+$0xFFFFFF50] =	vst v1;
	v8 =	vld [tilespmem:s13+$0x60];
	v0 =	vadd.f32 v4, v3  }
0x3a7: {  	v3 =	vld [tilespmem:s13+$0xFFFFFF60]  }
0x3a8: {  	[tilespmem:s19+$0xE0] =	vst v0;
	v9 =	vld [tilespmem:s19+$0xF0]  }
0x3a9: {  	v1 =	vadd.f32 v5, v2;
	v5 =	vld [tilespmem:s13+$0xF0]  }
0x3aa: {  	v0 =	vld [tilespmem:s19+$0xFFFFFF70]  }
.Ltmp6:
0x3ab: {  	[tilespmem:s19+$0xFFFFFFE0] =	vst v1;
	v1 =	vld [tilespmem:s19+$0xFFFFFFF0];
	v2 =	vadd.f32 v8, v7;
	(pc) =	sbr.rel @p0 .LBB2_14-.Ltmp6, $4  }
0x3ac: {  	v4 =	vadd.f32 v3, v6;
	v3 =	vld [tilespmem:s13+$0xFFFFFFF0]  }
0x3ad: {  	[tilespmem:s19+$0x60] =	vst v2;
	v2 =	vld [tilespmem:s19+$0x70]  }
0x3ae: {  	[tilespmem:s19+$0xFFFFFF60] =	vst v4;
	v4 =	vld [tilespmem:s13+$0x70];
	v6 =	vadd.f32 v5, v9  }
0x3af: {  	s19 =	sadd.s32 $0x200, s19;
	v5 =	vld [tilespmem:s13+$0xFFFFFF70]  }
0x3b0: {  	_ =	sdelay $0x1  }
0x3b1: {  	v1 =	vadd.f32 v3, v1  }
0x3b2: {  	[tilespmem:s9+$0xF0] =	vst v6;
	v2 =	vadd.f32 v4, v2  }
0x3b3: {  	[tilespmem:s9+$0xFFFFFFF0] =	vst v1;
	v0 =	vadd.f32 v5, v0  }
0x3b4: {  	[tilespmem:s9+$0x70] =	vst v2  }
0x3b5: {  	s19 =	simm.s32 $0x6;
	[tilespmem:s9+$0xFFFFFF70] =	vst v0  }
0x3b6: {  	_ =	swait.ge [sflag:s19], $0x400  }
0x3b7: {  	[sflag:s19] =	ssyncset.done $0x0  }
0x3b8: {  	[sflag:s19] =	ssyncadd.s32 $0xFFFFFC00  }
0x3b9: {  	[spmem:s12] =	stream.linear.scatter [tilespmem:s28], [sflag:$0x9], $0x2000, $0x38;
	[tilespmem:$0x1B400] =	vst v63  }
0x3ba: {  	_ =	swait.ge [sflag:s23], $0x2000  }
0x3bb: {  	[sflag:s23] =	ssyncset.done $0x0  }
0x3bc: {  	s21 =	rddreg [dreg:$0xe];
	[sflag:s23] =	ssyncadd.s32 $0xFFFFE000  }
0x3bd: {  	[hbm:s21], [sflag:s22] =	dma.local [spmem:s7], $0x400  }
0x3be: {  	_ =	swait.ge [sflag:s17], $0x2000  }
0x3bf: {  	[sflag:s17] =	ssyncset.done $0x0  }
0x3c0: {  	[sflag:s17] =	ssyncadd.s32 $0xFFFFE000  }
0x3c1: {  	_ =	swait.ge [sflag:s17], $0x2000  }
0x3c2: {  	[sflag:s17] =	ssyncset.done $0x0  }
0x3c3: {  	s7 =	simm.s32 $0x7500;
	[sflag:s17] =	ssyncadd.s32 $0xFFFFE000  }
0x3c4: {  	s9 =	simm.s32 $0xF500;
	v0 =	vld [tilespmem:s7+$0x80]  }
0x3c5: {  	v1 =	vld [tilespmem:s9+$0x80]  }
0x3c6: {  	v2 =	vld [tilespmem:s7+$0xFFFFFF80]  }
0x3c7: {  	v3 =	vld [tilespmem:s9+$0xFFFFFF80]  }
0x3c8: {  	v4 =	vld [tilespmem:s7+$0x0]  }
0x3c9: {  	v5 =	vld [tilespmem:s9+$0x0]  }
0x3ca: {  	v6 =	vld [tilespmem:s7+$0xFFFFFF00];
	v0 =	vadd.f32 v1, v0  }
0x3cb: {  	v1 =	vld [tilespmem:s9+$0xFFFFFF00]  }
0x3cc: {  	[tilespmem:s7+$0x80] =	vst v0;
	v0 =	vld [tilespmem:s7+$0x90]  }
0x3cd: {  	v2 =	vadd.f32 v3, v2;
	v3 =	vld [tilespmem:s9+$0x90]  }
0x3ce: {  	v7 =	vld [tilespmem:s7+$0xFFFFFF10]  }
0x3cf: {  	[tilespmem:s7+$0xFFFFFF80] =	vst v2;
	v2 =	vadd.f32 v5, v4;
	v4 =	vld [tilespmem:s7+$0xFFFFFF90]  }
0x3d0: {  	v5 =	vld [tilespmem:s9+$0xFFFFFF90];
	v1 =	vadd.f32 v1, v6  }
0x3d1: {  	[tilespmem:s7+$0x0] =	vst v2;
	v2 =	vld [tilespmem:s7+$0x10]  }
0x3d2: {  	v6 =	vld [tilespmem:s9+$0x10];
	[tilespmem:s7+$0xFFFFFF00] =	vst v1;
	v0 =	vadd.f32 v3, v0  }
0x3d3: {  	v1 =	vld [tilespmem:s9+$0xFFFFFF10]  }
0x3d4: {  	[tilespmem:s7+$0x90] =	vst v0;
	v0 =	vld [tilespmem:s7+$0xA0]  }
0x3d5: {  	v3 =	vadd.f32 v5, v4;
	v4 =	vld [tilespmem:s9+$0xA0]  }
0x3d6: {  	v5 =	vld [tilespmem:s7+$0xFFFFFF20]  }
0x3d7: {  	[tilespmem:s7+$0xFFFFFF90] =	vst v3;
	v2 =	vadd.f32 v6, v2;
	v3 =	vld [tilespmem:s7+$0xFFFFFFA0]  }
0x3d8: {  	v6 =	vld [tilespmem:s9+$0xFFFFFFA0];
	v1 =	vadd.f32 v1, v7  }
0x3d9: {  	[tilespmem:s7+$0x10] =	vst v2;
	v2 =	vld [tilespmem:s7+$0x20]  }
0x3da: {  	v7 =	vld [tilespmem:s9+$0x20];
	[tilespmem:s7+$0xFFFFFF10] =	vst v1;
	v0 =	vadd.f32 v4, v0  }
0x3db: {  	v1 =	vld [tilespmem:s9+$0xFFFFFF20]  }
0x3dc: {  	[tilespmem:s7+$0xA0] =	vst v0;
	v0 =	vld [tilespmem:s7+$0xB0]  }
0x3dd: {  	v3 =	vadd.f32 v6, v3;
	v4 =	vld [tilespmem:s9+$0xB0]  }
0x3de: {  	v6 =	vld [tilespmem:s7+$0xFFFFFF30]  }
0x3df: {  	[tilespmem:s7+$0xFFFFFFA0] =	vst v3;
	v2 =	vadd.f32 v7, v2;
	v3 =	vld [tilespmem:s7+$0xFFFFFFB0]  }
0x3e0: {  	v7 =	vld [tilespmem:s9+$0xFFFFFFB0];
	v1 =	vadd.f32 v1, v5  }
0x3e1: {  	[tilespmem:s7+$0x20] =	vst v2;
	v2 =	vld [tilespmem:s7+$0x30]  }
0x3e2: {  	v5 =	vld [tilespmem:s9+$0x30];
	[tilespmem:s7+$0xFFFFFF20] =	vst v1;
	v0 =	vadd.f32 v4, v0  }
0x3e3: {  	v1 =	vld [tilespmem:s9+$0xFFFFFF30]  }
0x3e4: {  	[tilespmem:s7+$0xB0] =	vst v0;
	v0 =	vld [tilespmem:s7+$0xC0]  }
0x3e5: {  	v3 =	vadd.f32 v7, v3;
	v4 =	vld [tilespmem:s9+$0xC0]  }
0x3e6: {  	v7 =	vld [tilespmem:s7+$0xFFFFFF40]  }
0x3e7: {  	[tilespmem:s7+$0xFFFFFFB0] =	vst v3;
	v2 =	vadd.f32 v5, v2;
	v3 =	vld [tilespmem:s7+$0xFFFFFFC0]  }
0x3e8: {  	v5 =	vld [tilespmem:s9+$0xFFFFFFC0];
	v1 =	vadd.f32 v1, v6  }
0x3e9: {  	[tilespmem:s7+$0x30] =	vst v2;
	v2 =	vld [tilespmem:s7+$0x40]  }
0x3ea: {  	v6 =	vld [tilespmem:s9+$0x40];
	[tilespmem:s7+$0xFFFFFF30] =	vst v1;
	v0 =	vadd.f32 v4, v0  }
0x3eb: {  	v1 =	vld [tilespmem:s9+$0xFFFFFF40]  }
0x3ec: {  	[tilespmem:s7+$0xC0] =	vst v0;
	v0 =	vld [tilespmem:s7+$0xD0]  }
0x3ed: {  	v3 =	vadd.f32 v5, v3;
	v4 =	vld [tilespmem:s9+$0xD0]  }
0x3ee: {  	v5 =	vld [tilespmem:s7+$0xFFFFFF50]  }
0x3ef: {  	[tilespmem:s7+$0xFFFFFFC0] =	vst v3;
	v2 =	vadd.f32 v6, v2;
	v3 =	vld [tilespmem:s7+$0xFFFFFFD0]  }
0x3f0: {  	v6 =	vld [tilespmem:s9+$0xFFFFFFD0];
	v1 =	vadd.f32 v1, v7  }
0x3f1: {  	[tilespmem:s7+$0x40] =	vst v2;
	v2 =	vld [tilespmem:s7+$0x50]  }
0x3f2: {  	v7 =	vld [tilespmem:s9+$0x50];
	[tilespmem:s7+$0xFFFFFF40] =	vst v1;
	v0 =	vadd.f32 v4, v0  }
0x3f3: {  	v1 =	vld [tilespmem:s9+$0xFFFFFF50]  }
0x3f4: {  	[tilespmem:s7+$0xD0] =	vst v0;
	v0 =	vld [tilespmem:s7+$0xE0]  }
0x3f5: {  	v3 =	vadd.f32 v6, v3;
	v4 =	vld [tilespmem:s9+$0xE0]  }
0x3f6: {  	v6 =	vld [tilespmem:s7+$0xFFFFFF60]  }
0x3f7: {  	[tilespmem:s7+$0xFFFFFFD0] =	vst v3;
	v2 =	vadd.f32 v7, v2;
	v3 =	vld [tilespmem:s7+$0xFFFFFFE0]  }
0x3f8: {  	v7 =	vld [tilespmem:s9+$0xFFFFFFE0];
	v1 =	vadd.f32 v1, v5  }
0x3f9: {  	[tilespmem:s7+$0x50] =	vst v2;
	v2 =	vld [tilespmem:s7+$0x60]  }
0x3fa: {  	v5 =	vld [tilespmem:s9+$0x60];
	[tilespmem:s7+$0xFFFFFF50] =	vst v1;
	v0 =	vadd.f32 v4, v0  }
0x3fb: {  	v4 =	vld [tilespmem:s9+$0xFFFFFF60]  }
0x3fc: {  	v8 =	vld [tilespmem:s7+$0xF0];
	[tilespmem:s7+$0xE0] =	vst v0  }
0x3fd: {  	v1 =	vadd.f32 v7, v3;
	v7 =	vld [tilespmem:s9+$0xF0]  }
0x3fe: {  	v0 =	vld [tilespmem:s7+$0xFFFFFF70]  }
0x3ff: {  	[tilespmem:s7+$0xFFFFFFE0] =	vst v1;
	v2 =	vadd.f32 v5, v2;
	v1 =	vld [tilespmem:s7+$0xFFFFFFF0]  }
0x400: {  	v3 =	vld [tilespmem:s9+$0xFFFFFFF0];
	v4 =	vadd.f32 v4, v6  }
0x401: {  	[tilespmem:s7+$0x60] =	vst v2;
	v2 =	vld [tilespmem:s7+$0x70]  }
0x402: {  	[tilespmem:s7+$0xFFFFFF60] =	vst v4;
	v4 =	vld [tilespmem:s9+$0x70];
	v6 =	vadd.f32 v7, v8  }
0x403: {  	s13 =	simm.s32 $0x0;
	s15 =	simm.s32 $0x7700;
	v5 =	vld [tilespmem:s9+$0xFFFFFF70]  }
.LBB2_16:
0x404: {  	v7 =	vld [tilespmem:s15+$0x80];
	[tilespmem:s7+$0xF0] =	vst v6;
	s9 =	sadd.s32 $0x200, s9  }
0x405: {  	s13 =	sadd.s32 $0x4, s13;
	v6 =	vld [tilespmem:s9+$0x80];
	v1 =	vadd.f32 v3, v1  }
0x406: {  	p0 =	slt.u32 s13, $0x3C;
	v3 =	vld [tilespmem:s9+$0xFFFFFF00]  }
0x407: {  	v8 =	vld [tilespmem:s15+$0xFFFFFF80];
	[tilespmem:s7+$0xFFFFFFF0] =	vst v1;
	v1 =	vadd.f32 v4, v2  }
0x408: {  	v2 =	vld [tilespmem:s9+$0xFFFFFF80];
	v0 =	vadd.f32 v5, v0  }
0x409: {  	v4 =	vld [tilespmem:s15+$0x0];
	[tilespmem:s7+$0x70] =	vst v1  }
0x40a: {  	v1 =	vld [tilespmem:s9+$0x0];
	v5 =	vadd.f32 v6, v7;
	[tilespmem:s7+$0xFFFFFF70] =	vst v0;
	s7 =	smov.u32 s15  }
0x40b: {  	v0 =	vld [tilespmem:s15+$0xFFFFFF00]  }
0x40c: {  	[tilespmem:s15+$0x80] =	vst v5;
	v5 =	vld [tilespmem:s15+$0x90]  }
0x40d: {  	v2 =	vadd.f32 v2, v8;
	v6 =	vld [tilespmem:s9+$0x90]  }
0x40e: {  	v7 =	vld [tilespmem:s15+$0xFFFFFF10]  }
0x40f: {  	[tilespmem:s15+$0xFFFFFF80] =	vst v2;
	v2 =	vld [tilespmem:s15+$0xFFFFFF90];
	v1 =	vadd.f32 v1, v4  }
0x410: {  	v0 =	vadd.f32 v3, v0;
	v3 =	vld [tilespmem:s9+$0xFFFFFF90]  }
0x411: {  	[tilespmem:s15+$0x0] =	vst v1;
	v1 =	vld [tilespmem:s15+$0x10]  }
0x412: {  	[tilespmem:s15+$0xFFFFFF00] =	vst v0;
	v0 =	vld [tilespmem:s9+$0x10];
	v4 =	vadd.f32 v6, v5  }
0x413: {  	v5 =	vld [tilespmem:s9+$0xFFFFFF10]  }
0x414: {  	[tilespmem:s15+$0x90] =	vst v4;
	v4 =	vld [tilespmem:s15+$0xA0]  }
0x415: {  	v2 =	vadd.f32 v3, v2;
	v3 =	vld [tilespmem:s9+$0xA0]  }
0x416: {  	v6 =	vld [tilespmem:s15+$0xFFFFFF20]  }
0x417: {  	[tilespmem:s15+$0xFFFFFF90] =	vst v2;
	v2 =	vld [tilespmem:s15+$0xFFFFFFA0];
	v0 =	vadd.f32 v0, v1  }
0x418: {  	v1 =	vadd.f32 v5, v7;
	v5 =	vld [tilespmem:s9+$0xFFFFFFA0]  }
0x419: {  	[tilespmem:s15+$0x10] =	vst v0;
	v0 =	vld [tilespmem:s15+$0x20]  }
0x41a: {  	[tilespmem:s15+$0xFFFFFF10] =	vst v1;
	v1 =	vld [tilespmem:s9+$0x20];
	v3 =	vadd.f32 v3, v4  }
0x41b: {  	v4 =	vld [tilespmem:s9+$0xFFFFFF20]  }
0x41c: {  	[tilespmem:s15+$0xA0] =	vst v3;
	v3 =	vld [tilespmem:s15+$0xB0]  }
0x41d: {  	v2 =	vadd.f32 v5, v2;
	v5 =	vld [tilespmem:s9+$0xB0]  }
0x41e: {  	v7 =	vld [tilespmem:s15+$0xFFFFFF30]  }
0x41f: {  	[tilespmem:s15+$0xFFFFFFA0] =	vst v2;
	v2 =	vld [tilespmem:s15+$0xFFFFFFB0];
	v0 =	vadd.f32 v1, v0  }
0x420: {  	v1 =	vadd.f32 v4, v6;
	v4 =	vld [tilespmem:s9+$0xFFFFFFB0]  }
0x421: {  	[tilespmem:s15+$0x20] =	vst v0;
	v0 =	vld [tilespmem:s15+$0x30]  }
0x422: {  	[tilespmem:s15+$0xFFFFFF20] =	vst v1;
	v1 =	vld [tilespmem:s9+$0x30];
	v3 =	vadd.f32 v5, v3  }
0x423: {  	v5 =	vld [tilespmem:s9+$0xFFFFFF30]  }
0x424: {  	[tilespmem:s15+$0xB0] =	vst v3;
	v3 =	vld [tilespmem:s15+$0xC0]  }
0x425: {  	v2 =	vadd.f32 v4, v2;
	v4 =	vld [tilespmem:s9+$0xC0]  }
0x426: {  	v6 =	vld [tilespmem:s15+$0xFFFFFF40]  }
0x427: {  	[tilespmem:s15+$0xFFFFFFB0] =	vst v2;
	v2 =	vld [tilespmem:s15+$0xFFFFFFC0];
	v0 =	vadd.f32 v1, v0  }
0x428: {  	v1 =	vadd.f32 v5, v7;
	v5 =	vld [tilespmem:s9+$0xFFFFFFC0]  }
0x429: {  	[tilespmem:s15+$0x30] =	vst v0;
	v0 =	vld [tilespmem:s15+$0x40]  }
0x42a: {  	[tilespmem:s15+$0xFFFFFF30] =	vst v1;
	v1 =	vld [tilespmem:s9+$0x40];
	v3 =	vadd.f32 v4, v3  }
0x42b: {  	v4 =	vld [tilespmem:s9+$0xFFFFFF40]  }
0x42c: {  	[tilespmem:s15+$0xC0] =	vst v3;
	v3 =	vld [tilespmem:s15+$0xD0]  }
0x42d: {  	v2 =	vadd.f32 v5, v2;
	v5 =	vld [tilespmem:s9+$0xD0]  }
0x42e: {  	v7 =	vld [tilespmem:s15+$0xFFFFFF50]  }
0x42f: {  	[tilespmem:s15+$0xFFFFFFC0] =	vst v2;
	v2 =	vld [tilespmem:s15+$0xFFFFFFD0];
	v0 =	vadd.f32 v1, v0  }
0x430: {  	v1 =	vadd.f32 v4, v6;
	v4 =	vld [tilespmem:s9+$0xFFFFFFD0]  }
0x431: {  	[tilespmem:s15+$0x40] =	vst v0;
	v0 =	vld [tilespmem:s15+$0x50]  }
0x432: {  	[tilespmem:s15+$0xFFFFFF40] =	vst v1;
	v1 =	vld [tilespmem:s9+$0x50];
	v3 =	vadd.f32 v5, v3  }
0x433: {  	v5 =	vld [tilespmem:s9+$0xFFFFFF50]  }
0x434: {  	[tilespmem:s15+$0xD0] =	vst v3;
	v3 =	vld [tilespmem:s15+$0xE0]  }
0x435: {  	v2 =	vadd.f32 v4, v2;
	v4 =	vld [tilespmem:s9+$0xE0]  }
0x436: {  	v6 =	vld [tilespmem:s15+$0xFFFFFF60]  }
0x437: {  	[tilespmem:s15+$0xFFFFFFD0] =	vst v2;
	v2 =	vld [tilespmem:s15+$0xFFFFFFE0];
	v0 =	vadd.f32 v1, v0  }
0x438: {  	v1 =	vadd.f32 v5, v7;
	v5 =	vld [tilespmem:s9+$0xFFFFFFE0]  }
0x439: {  	[tilespmem:s15+$0x50] =	vst v0;
	v7 =	vld [tilespmem:s15+$0x60]  }
0x43a: {  	[tilespmem:s15+$0xFFFFFF50] =	vst v1;
	v8 =	vld [tilespmem:s9+$0x60];
	v0 =	vadd.f32 v4, v3  }
0x43b: {  	v3 =	vld [tilespmem:s9+$0xFFFFFF60]  }
0x43c: {  	[tilespmem:s15+$0xE0] =	vst v0;
	v9 =	vld [tilespmem:s15+$0xF0]  }
0x43d: {  	v1 =	vadd.f32 v5, v2;
	v5 =	vld [tilespmem:s9+$0xF0]  }
0x43e: {  	v0 =	vld [tilespmem:s15+$0xFFFFFF70]  }
.Ltmp7:
0x43f: {  	[tilespmem:s15+$0xFFFFFFE0] =	vst v1;
	v1 =	vld [tilespmem:s15+$0xFFFFFFF0];
	v2 =	vadd.f32 v8, v7;
	(pc) =	sbr.rel @p0 .LBB2_16-.Ltmp7, $4  }
0x440: {  	v4 =	vadd.f32 v3, v6;
	v3 =	vld [tilespmem:s9+$0xFFFFFFF0]  }
0x441: {  	[tilespmem:s15+$0x60] =	vst v2;
	v2 =	vld [tilespmem:s15+$0x70]  }
0x442: {  	[tilespmem:s15+$0xFFFFFF60] =	vst v4;
	v4 =	vld [tilespmem:s9+$0x70];
	v6 =	vadd.f32 v5, v9  }
0x443: {  	s15 =	sadd.s32 $0x200, s15;
	v5 =	vld [tilespmem:s9+$0xFFFFFF70]  }
0x444: {  	_ =	sdelay $0x1  }
0x445: {  	v1 =	vadd.f32 v3, v1  }
0x446: {  	[tilespmem:s7+$0xF0] =	vst v6;
	v2 =	vadd.f32 v4, v2  }
0x447: {  	[tilespmem:s7+$0xFFFFFFF0] =	vst v1;
	v0 =	vadd.f32 v5, v0  }
0x448: {  	[tilespmem:s7+$0x70] =	vst v2  }
0x449: {  	s15 =	simm.s32 $0x7;
	[tilespmem:s7+$0xFFFFFF70] =	vst v0  }
0x44a: {  	_ =	swait.ge [sflag:s15], $0x400  }
0x44b: {  	[sflag:s15] =	ssyncset.done $0x0  }
0x44c: {  	[sflag:s15] =	ssyncadd.s32 $0xFFFFFC00  }
0x44d: {  	[spmem:s14] =	stream.linear.scatter [tilespmem:s31], [sflag:$0x9], $0x2000, $0x38;
	[tilespmem:$0x1B400] =	vst v63  }
0x44e: {  	_ =	swait.ge [sflag:s23], $0x2000  }
0x44f: {  	[sflag:s23] =	ssyncset.done $0x0  }
0x450: {  	s22 =	rddreg [dreg:$0xf];
	[sflag:s23] =	ssyncadd.s32 $0xFFFFE000  }
0x451: {  	[hbm:s22], [sflag:s1] =	dma.local [spmem:s26], $0x400  }
0x452: {  	_ =	swait.ge [sflag:s18], $0x2000  }
0x453: {  	[sflag:s18] =	ssyncset.done $0x0  }
0x454: {  	[sflag:s18] =	ssyncadd.s32 $0xFFFFE000  }
0x455: {  	_ =	swait.ge [sflag:s18], $0x2000  }
0x456: {  	[sflag:s18] =	ssyncset.done $0x0  }
0x457: {  	s1 =	simm.s32 $0x9500;
	[sflag:s18] =	ssyncadd.s32 $0xFFFFE000  }
0x458: {  	s7 =	simm.s32 $0x11500;
	v0 =	vld [tilespmem:s1+$0x80]  }
0x459: {  	v1 =	vld [tilespmem:s7+$0x80]  }
0x45a: {  	v2 =	vld [tilespmem:s1+$0xFFFFFF80]  }
0x45b: {  	v3 =	vld [tilespmem:s7+$0xFFFFFF80]  }
0x45c: {  	v4 =	vld [tilespmem:s1+$0x0]  }
0x45d: {  	v5 =	vld [tilespmem:s7+$0x0]  }
0x45e: {  	v6 =	vld [tilespmem:s1+$0xFFFFFF00];
	v0 =	vadd.f32 v1, v0  }
0x45f: {  	v1 =	vld [tilespmem:s7+$0xFFFFFF00]  }
0x460: {  	[tilespmem:s1+$0x80] =	vst v0;
	v0 =	vld [tilespmem:s1+$0x90]  }
0x461: {  	v2 =	vadd.f32 v3, v2;
	v3 =	vld [tilespmem:s7+$0x90]  }
0x462: {  	v7 =	vld [tilespmem:s1+$0xFFFFFF10]  }
0x463: {  	[tilespmem:s1+$0xFFFFFF80] =	vst v2;
	v2 =	vadd.f32 v5, v4;
	v4 =	vld [tilespmem:s1+$0xFFFFFF90]  }
0x464: {  	v5 =	vld [tilespmem:s7+$0xFFFFFF90];
	v1 =	vadd.f32 v1, v6  }
0x465: {  	[tilespmem:s1+$0x0] =	vst v2;
	v2 =	vld [tilespmem:s1+$0x10]  }
0x466: {  	v6 =	vld [tilespmem:s7+$0x10];
	[tilespmem:s1+$0xFFFFFF00] =	vst v1;
	v0 =	vadd.f32 v3, v0  }
0x467: {  	v1 =	vld [tilespmem:s7+$0xFFFFFF10]  }
0x468: {  	[tilespmem:s1+$0x90] =	vst v0;
	v0 =	vld [tilespmem:s1+$0xA0]  }
0x469: {  	v3 =	vadd.f32 v5, v4;
	v4 =	vld [tilespmem:s7+$0xA0]  }
0x46a: {  	v5 =	vld [tilespmem:s1+$0xFFFFFF20]  }
0x46b: {  	[tilespmem:s1+$0xFFFFFF90] =	vst v3;
	v2 =	vadd.f32 v6, v2;
	v3 =	vld [tilespmem:s1+$0xFFFFFFA0]  }
0x46c: {  	v6 =	vld [tilespmem:s7+$0xFFFFFFA0];
	v1 =	vadd.f32 v1, v7  }
0x46d: {  	[tilespmem:s1+$0x10] =	vst v2;
	v2 =	vld [tilespmem:s1+$0x20]  }
0x46e: {  	v7 =	vld [tilespmem:s7+$0x20];
	[tilespmem:s1+$0xFFFFFF10] =	vst v1;
	v0 =	vadd.f32 v4, v0  }
0x46f: {  	v1 =	vld [tilespmem:s7+$0xFFFFFF20]  }
0x470: {  	[tilespmem:s1+$0xA0] =	vst v0;
	v0 =	vld [tilespmem:s1+$0xB0]  }
0x471: {  	v3 =	vadd.f32 v6, v3;
	v4 =	vld [tilespmem:s7+$0xB0]  }
0x472: {  	v6 =	vld [tilespmem:s1+$0xFFFFFF30]  }
0x473: {  	[tilespmem:s1+$0xFFFFFFA0] =	vst v3;
	v2 =	vadd.f32 v7, v2;
	v3 =	vld [tilespmem:s1+$0xFFFFFFB0]  }
0x474: {  	v7 =	vld [tilespmem:s7+$0xFFFFFFB0];
	v1 =	vadd.f32 v1, v5  }
0x475: {  	[tilespmem:s1+$0x20] =	vst v2;
	v2 =	vld [tilespmem:s1+$0x30]  }
0x476: {  	v5 =	vld [tilespmem:s7+$0x30];
	[tilespmem:s1+$0xFFFFFF20] =	vst v1;
	v0 =	vadd.f32 v4, v0  }
0x477: {  	v1 =	vld [tilespmem:s7+$0xFFFFFF30]  }
0x478: {  	[tilespmem:s1+$0xB0] =	vst v0;
	v0 =	vld [tilespmem:s1+$0xC0]  }
0x479: {  	v3 =	vadd.f32 v7, v3;
	v4 =	vld [tilespmem:s7+$0xC0]  }
0x47a: {  	v7 =	vld [tilespmem:s1+$0xFFFFFF40]  }
0x47b: {  	[tilespmem:s1+$0xFFFFFFB0] =	vst v3;
	v2 =	vadd.f32 v5, v2;
	v3 =	vld [tilespmem:s1+$0xFFFFFFC0]  }
0x47c: {  	v5 =	vld [tilespmem:s7+$0xFFFFFFC0];
	v1 =	vadd.f32 v1, v6  }
0x47d: {  	[tilespmem:s1+$0x30] =	vst v2;
	v2 =	vld [tilespmem:s1+$0x40]  }
0x47e: {  	v6 =	vld [tilespmem:s7+$0x40];
	[tilespmem:s1+$0xFFFFFF30] =	vst v1;
	v0 =	vadd.f32 v4, v0  }
0x47f: {  	v1 =	vld [tilespmem:s7+$0xFFFFFF40]  }
0x480: {  	[tilespmem:s1+$0xC0] =	vst v0;
	v0 =	vld [tilespmem:s1+$0xD0]  }
0x481: {  	v3 =	vadd.f32 v5, v3;
	v4 =	vld [tilespmem:s7+$0xD0]  }
0x482: {  	v5 =	vld [tilespmem:s1+$0xFFFFFF50]  }
0x483: {  	[tilespmem:s1+$0xFFFFFFC0] =	vst v3;
	v2 =	vadd.f32 v6, v2;
	v3 =	vld [tilespmem:s1+$0xFFFFFFD0]  }
0x484: {  	v6 =	vld [tilespmem:s7+$0xFFFFFFD0];
	v1 =	vadd.f32 v1, v7  }
0x485: {  	[tilespmem:s1+$0x40] =	vst v2;
	v2 =	vld [tilespmem:s1+$0x50]  }
0x486: {  	v7 =	vld [tilespmem:s7+$0x50];
	[tilespmem:s1+$0xFFFFFF40] =	vst v1;
	v0 =	vadd.f32 v4, v0  }
0x487: {  	v1 =	vld [tilespmem:s7+$0xFFFFFF50]  }
0x488: {  	[tilespmem:s1+$0xD0] =	vst v0;
	v0 =	vld [tilespmem:s1+$0xE0]  }
0x489: {  	v3 =	vadd.f32 v6, v3;
	v4 =	vld [tilespmem:s7+$0xE0]  }
0x48a: {  	v6 =	vld [tilespmem:s1+$0xFFFFFF60]  }
0x48b: {  	[tilespmem:s1+$0xFFFFFFD0] =	vst v3;
	v2 =	vadd.f32 v7, v2;
	v3 =	vld [tilespmem:s1+$0xFFFFFFE0]  }
0x48c: {  	v7 =	vld [tilespmem:s7+$0xFFFFFFE0];
	v1 =	vadd.f32 v1, v5  }
0x48d: {  	[tilespmem:s1+$0x50] =	vst v2;
	v2 =	vld [tilespmem:s1+$0x60]  }
0x48e: {  	v5 =	vld [tilespmem:s7+$0x60];
	[tilespmem:s1+$0xFFFFFF50] =	vst v1;
	v0 =	vadd.f32 v4, v0  }
0x48f: {  	v4 =	vld [tilespmem:s7+$0xFFFFFF60]  }
0x490: {  	v8 =	vld [tilespmem:s1+$0xF0];
	[tilespmem:s1+$0xE0] =	vst v0  }
0x491: {  	v1 =	vadd.f32 v7, v3;
	v7 =	vld [tilespmem:s7+$0xF0]  }
0x492: {  	v0 =	vld [tilespmem:s1+$0xFFFFFF70]  }
0x493: {  	[tilespmem:s1+$0xFFFFFFE0] =	vst v1;
	v2 =	vadd.f32 v5, v2;
	v1 =	vld [tilespmem:s1+$0xFFFFFFF0]  }
0x494: {  	v3 =	vld [tilespmem:s7+$0xFFFFFFF0];
	v4 =	vadd.f32 v4, v6  }
0x495: {  	[tilespmem:s1+$0x60] =	vst v2;
	v2 =	vld [tilespmem:s1+$0x70]  }
0x496: {  	[tilespmem:s1+$0xFFFFFF60] =	vst v4;
	v4 =	vld [tilespmem:s7+$0x70];
	v6 =	vadd.f32 v7, v8  }
0x497: {  	s9 =	simm.s32 $0x0;
	s13 =	simm.s32 $0x9700;
	v5 =	vld [tilespmem:s7+$0xFFFFFF70]  }
.LBB2_18:
0x498: {  	v7 =	vld [tilespmem:s13+$0x80];
	[tilespmem:s1+$0xF0] =	vst v6;
	s7 =	sadd.s32 $0x200, s7  }
0x499: {  	s9 =	sadd.s32 $0x4, s9;
	v6 =	vld [tilespmem:s7+$0x80];
	v1 =	vadd.f32 v3, v1  }
0x49a: {  	p0 =	slt.u32 s9, $0x3C;
	v3 =	vld [tilespmem:s7+$0xFFFFFF00]  }
0x49b: {  	v8 =	vld [tilespmem:s13+$0xFFFFFF80];
	[tilespmem:s1+$0xFFFFFFF0] =	vst v1;
	v1 =	vadd.f32 v4, v2  }
0x49c: {  	v2 =	vld [tilespmem:s7+$0xFFFFFF80];
	v0 =	vadd.f32 v5, v0  }
0x49d: {  	v4 =	vld [tilespmem:s13+$0x0];
	[tilespmem:s1+$0x70] =	vst v1  }
0x49e: {  	v1 =	vld [tilespmem:s7+$0x0];
	v5 =	vadd.f32 v6, v7;
	[tilespmem:s1+$0xFFFFFF70] =	vst v0;
	s1 =	smov.u32 s13  }
0x49f: {  	v0 =	vld [tilespmem:s13+$0xFFFFFF00]  }
0x4a0: {  	[tilespmem:s13+$0x80] =	vst v5;
	v5 =	vld [tilespmem:s13+$0x90]  }
0x4a1: {  	v2 =	vadd.f32 v2, v8;
	v6 =	vld [tilespmem:s7+$0x90]  }
0x4a2: {  	v7 =	vld [tilespmem:s13+$0xFFFFFF10]  }
0x4a3: {  	[tilespmem:s13+$0xFFFFFF80] =	vst v2;
	v2 =	vld [tilespmem:s13+$0xFFFFFF90];
	v1 =	vadd.f32 v1, v4  }
0x4a4: {  	v0 =	vadd.f32 v3, v0;
	v3 =	vld [tilespmem:s7+$0xFFFFFF90]  }
0x4a5: {  	[tilespmem:s13+$0x0] =	vst v1;
	v1 =	vld [tilespmem:s13+$0x10]  }
0x4a6: {  	[tilespmem:s13+$0xFFFFFF00] =	vst v0;
	v0 =	vld [tilespmem:s7+$0x10];
	v4 =	vadd.f32 v6, v5  }
0x4a7: {  	v5 =	vld [tilespmem:s7+$0xFFFFFF10]  }
0x4a8: {  	[tilespmem:s13+$0x90] =	vst v4;
	v4 =	vld [tilespmem:s13+$0xA0]  }
0x4a9: {  	v2 =	vadd.f32 v3, v2;
	v3 =	vld [tilespmem:s7+$0xA0]  }
0x4aa: {  	v6 =	vld [tilespmem:s13+$0xFFFFFF20]  }
0x4ab: {  	[tilespmem:s13+$0xFFFFFF90] =	vst v2;
	v2 =	vld [tilespmem:s13+$0xFFFFFFA0];
	v0 =	vadd.f32 v0, v1  }
0x4ac: {  	v1 =	vadd.f32 v5, v7;
	v5 =	vld [tilespmem:s7+$0xFFFFFFA0]  }
0x4ad: {  	[tilespmem:s13+$0x10] =	vst v0;
	v0 =	vld [tilespmem:s13+$0x20]  }
0x4ae: {  	[tilespmem:s13+$0xFFFFFF10] =	vst v1;
	v1 =	vld [tilespmem:s7+$0x20];
	v3 =	vadd.f32 v3, v4  }
0x4af: {  	v4 =	vld [tilespmem:s7+$0xFFFFFF20]  }
0x4b0: {  	[tilespmem:s13+$0xA0] =	vst v3;
	v3 =	vld [tilespmem:s13+$0xB0]  }
0x4b1: {  	v2 =	vadd.f32 v5, v2;
	v5 =	vld [tilespmem:s7+$0xB0]  }
0x4b2: {  	v7 =	vld [tilespmem:s13+$0xFFFFFF30]  }
0x4b3: {  	[tilespmem:s13+$0xFFFFFFA0] =	vst v2;
	v2 =	vld [tilespmem:s13+$0xFFFFFFB0];
	v0 =	vadd.f32 v1, v0  }
0x4b4: {  	v1 =	vadd.f32 v4, v6;
	v4 =	vld [tilespmem:s7+$0xFFFFFFB0]  }
0x4b5: {  	[tilespmem:s13+$0x20] =	vst v0;
	v0 =	vld [tilespmem:s13+$0x30]  }
0x4b6: {  	[tilespmem:s13+$0xFFFFFF20] =	vst v1;
	v1 =	vld [tilespmem:s7+$0x30];
	v3 =	vadd.f32 v5, v3  }
0x4b7: {  	v5 =	vld [tilespmem:s7+$0xFFFFFF30]  }
0x4b8: {  	[tilespmem:s13+$0xB0] =	vst v3;
	v3 =	vld [tilespmem:s13+$0xC0]  }
0x4b9: {  	v2 =	vadd.f32 v4, v2;
	v4 =	vld [tilespmem:s7+$0xC0]  }
0x4ba: {  	v6 =	vld [tilespmem:s13+$0xFFFFFF40]  }
0x4bb: {  	[tilespmem:s13+$0xFFFFFFB0] =	vst v2;
	v2 =	vld [tilespmem:s13+$0xFFFFFFC0];
	v0 =	vadd.f32 v1, v0  }
0x4bc: {  	v1 =	vadd.f32 v5, v7;
	v5 =	vld [tilespmem:s7+$0xFFFFFFC0]  }
0x4bd: {  	[tilespmem:s13+$0x30] =	vst v0;
	v0 =	vld [tilespmem:s13+$0x40]  }
0x4be: {  	[tilespmem:s13+$0xFFFFFF30] =	vst v1;
	v1 =	vld [tilespmem:s7+$0x40];
	v3 =	vadd.f32 v4, v3  }
0x4bf: {  	v4 =	vld [tilespmem:s7+$0xFFFFFF40]  }
0x4c0: {  	[tilespmem:s13+$0xC0] =	vst v3;
	v3 =	vld [tilespmem:s13+$0xD0]  }
0x4c1: {  	v2 =	vadd.f32 v5, v2;
	v5 =	vld [tilespmem:s7+$0xD0]  }
0x4c2: {  	v7 =	vld [tilespmem:s13+$0xFFFFFF50]  }
0x4c3: {  	[tilespmem:s13+$0xFFFFFFC0] =	vst v2;
	v2 =	vld [tilespmem:s13+$0xFFFFFFD0];
	v0 =	vadd.f32 v1, v0  }
0x4c4: {  	v1 =	vadd.f32 v4, v6;
	v4 =	vld [tilespmem:s7+$0xFFFFFFD0]  }
0x4c5: {  	[tilespmem:s13+$0x40] =	vst v0;
	v0 =	vld [tilespmem:s13+$0x50]  }
0x4c6: {  	[tilespmem:s13+$0xFFFFFF40] =	vst v1;
	v1 =	vld [tilespmem:s7+$0x50];
	v3 =	vadd.f32 v5, v3  }
0x4c7: {  	v5 =	vld [tilespmem:s7+$0xFFFFFF50]  }
0x4c8: {  	[tilespmem:s13+$0xD0] =	vst v3;
	v3 =	vld [tilespmem:s13+$0xE0]  }
0x4c9: {  	v2 =	vadd.f32 v4, v2;
	v4 =	vld [tilespmem:s7+$0xE0]  }
0x4ca: {  	v6 =	vld [tilespmem:s13+$0xFFFFFF60]  }
0x4cb: {  	[tilespmem:s13+$0xFFFFFFD0] =	vst v2;
	v2 =	vld [tilespmem:s13+$0xFFFFFFE0];
	v0 =	vadd.f32 v1, v0  }
0x4cc: {  	v1 =	vadd.f32 v5, v7;
	v5 =	vld [tilespmem:s7+$0xFFFFFFE0]  }
0x4cd: {  	[tilespmem:s13+$0x50] =	vst v0;
	v7 =	vld [tilespmem:s13+$0x60]  }
0x4ce: {  	[tilespmem:s13+$0xFFFFFF50] =	vst v1;
	v8 =	vld [tilespmem:s7+$0x60];
	v0 =	vadd.f32 v4, v3  }
0x4cf: {  	v3 =	vld [tilespmem:s7+$0xFFFFFF60]  }
0x4d0: {  	[tilespmem:s13+$0xE0] =	vst v0;
	v9 =	vld [tilespmem:s13+$0xF0]  }
0x4d1: {  	v1 =	vadd.f32 v5, v2;
	v5 =	vld [tilespmem:s7+$0xF0]  }
0x4d2: {  	v0 =	vld [tilespmem:s13+$0xFFFFFF70]  }
.Ltmp8:
0x4d3: {  	[tilespmem:s13+$0xFFFFFFE0] =	vst v1;
	v1 =	vld [tilespmem:s13+$0xFFFFFFF0];
	v2 =	vadd.f32 v8, v7;
	(pc) =	sbr.rel @p0 .LBB2_18-.Ltmp8, $4  }
0x4d4: {  	v4 =	vadd.f32 v3, v6;
	v3 =	vld [tilespmem:s7+$0xFFFFFFF0]  }
0x4d5: {  	[tilespmem:s13+$0x60] =	vst v2;
	v2 =	vld [tilespmem:s13+$0x70]  }
0x4d6: {  	[tilespmem:s13+$0xFFFFFF60] =	vst v4;
	v4 =	vld [tilespmem:s7+$0x70];
	v6 =	vadd.f32 v5, v9  }
0x4d7: {  	s13 =	sadd.s32 $0x200, s13;
	v5 =	vld [tilespmem:s7+$0xFFFFFF70]  }
0x4d8: {  	_ =	sdelay $0x1  }
0x4d9: {  	v1 =	vadd.f32 v3, v1  }
0x4da: {  	[tilespmem:s1+$0xF0] =	vst v6;
	v2 =	vadd.f32 v4, v2  }
0x4db: {  	[tilespmem:s1+$0xFFFFFFF0] =	vst v1;
	v0 =	vadd.f32 v5, v0  }
0x4dc: {  	[tilespmem:s1+$0x70] =	vst v2  }
0x4dd: {  	s7 =	simm.s32 $0x8;
	[tilespmem:s1+$0xFFFFFF70] =	vst v0  }
0x4de: {  	_ =	swait.ge [sflag:s7], $0x400  }
0x4df: {  	[sflag:s7] =	ssyncset.done $0x0  }
0x4e0: {  	[sflag:s7] =	ssyncadd.s32 $0xFFFFFC00  }
0x4e1: {  	[spmem:s16] =	stream.linear.scatter [tilespmem:s6], [sflag:$0x9], $0x2000, $0x38;
	[tilespmem:$0x1B400] =	vst v63  }
0x4e2: {  	_ =	swait.ge [sflag:s23], $0x2000  }
0x4e3: {  	[sflag:s23] =	ssyncset.done $0x0  }
0x4e4: {  	s26 =	rddreg [dreg:$0x10];
	[sflag:s23] =	ssyncadd.s32 $0xFFFFE000  }
0x4e5: {  	[hbm:s26], [sflag:s30] =	dma.local [spmem:s29], $0x400  }
0x4e6: {  	s29 =	simm.s32 $0x5  }
0x4e7: {  	_ =	swait.ge [sflag:s29], $0x400  }
0x4e8: {  	[sflag:s29] =	ssyncset.done $0x0  }
0x4e9: {  	[sflag:s29] =	ssyncadd.s32 $0xFFFFFC00  }
0x4ea: {  	_ =	swait.ge [sflag:s19], $0x400  }
0x4eb: {  	[sflag:s19] =	ssyncset.done $0x0  }
0x4ec: {  	[sflag:s19] =	ssyncadd.s32 $0xFFFFFC00  }
0x4ed: {  	_ =	swait.ge [sflag:s15], $0x400  }
0x4ee: {  	[sflag:s15] =	ssyncset.done $0x0  }
0x4ef: {  	[sflag:s15] =	ssyncadd.s32 $0xFFFFFC00  }
0x4f0: {  	_ =	swait.ge [sflag:s7], $0x400  }
0x4f1: {  	s9 =	rddreg [dreg:$0x12]  }
0x4f2: {  	s30 =	rddreg [dreg:$0x11];
	s9 =	sadd.s32 $0x1, s9  }
0x4f3: {  	p0 =	sne.s32 s9, s30  }
.Ltmp9:
0x4f4: {  	_ = 	snop;
	(pc) =	sbr.rel @p0 .LBB2_1-.Ltmp9, $3  }
0x4f5: {  	_ =	sdelay $0x1  }
0x4f6: {  	[sflag:s7] =	ssyncset.done $0x0  }
0x4f7: {  	[sflag:s7] =	ssyncadd.s32 $0xFFFFFC00  }
0x4f8: {  	_ =	sfence.sel $0x180000  }
0x4f9: {  	[bflag:$0x0] =	sbarrier.arrive $0xFFFF  }
0x4fa: {  	_ =	strace $0x90000047  }
0x4fb: {  	s0 =	stileid.u32;
	[bflag:$0x2] =	sbarrier.arrive $0xFFFF  }
0x4fc: {  	p0 =	sne.s32 s0, $0x0;
	s0 =	rddreg [dreg:$0x5]  }
0x4fd: {  	s0 =	sadd.s32 @!p0 $0x100000, s0  }
0x4fe: {  	[sflag:s0] =	ssyncadd.tile.s32 @!p0 $0x1;
	_ =	shalt  }
.Lfunc_end2:
_tile_overlayer_lowered:
.L_overlay_start_2:
0x4ff: {  	(tag) =	ssettag $0x2  }
0x500: {  	s0 =	rddreg [dreg:$0x0];
	s2 =	stileid.u32  }
0x501: {  	s1 =	rddreg [dreg:$0x1];
	p0 =	sne.s32 s2, $0x0  }
0x502: {  	s3 =	rddreg [dreg:$0x2];
	[bflag:$0x3] =	sbarrier.arrive $0xFFFF;
	s2 =	simm.s32 @!p0 $0x1C09  }
0x503: {  	[timem:s3], [sflag:s2] =	dma.local @!p0 [hbm:s0], s1  }
0x504: {  	s0 =	simm.s32 @!p0 $0x9  }
0x505: {  	_ =	swait.ge @!p0 [sflag:s0], s1  }
0x506: {  	s1 =	ssub.s32 @!p0 $0x0, s1;
	[sflag:s0] =	ssyncset.done @!p0 $0x0  }
0x507: {  	[sflag:s0] =	ssyncadd.s32 @!p0 s1  }
0x508: {  	[bflag:$0x3] =	sbarrier.arrive $0xFFFF  }
0x509: {  	_ =	shalt  }

</sc_bundles>
